<compile_context>
chip_gen: v7x
topology: tpu7x:2x2x1
jax: 0.10.2.dev20260603
libtpu: 0.0.44.dev20260713+nightly
codegen_flags: <defaults>
</compile_context>

<pallas_src>
import functools

import jax
import jax.numpy as jnp
from jax import lax
from jax.experimental import pallas as pl
from jax.experimental.pallas import tpu as pltpu
from jax.experimental.pallas import tpu_sc as plsc

B = 4096
S = 50
D = 64
E = 128
F = D + E + 7
QN = 100000
NA = 100000
ROWS = B * S
NW = 32
RPW = ROWS // NW
CH = 128
NCH = RPW // CH
QP = QN // 2
AP = NA // 2
U = 8


def _sc_gather_add(qtab2, atab2, qidx, aidx):
    mesh = plsc.VectorSubcoreMesh(
        core_axis_name="c", subcore_axis_name="s", num_cores=2, num_subcores=16)

    @functools.partial(
        pl.kernel,
        mesh=mesh,
        compiler_params=pltpu.CompilerParams(needs_layout_passes=False),
        out_type=jax.ShapeDtypeStruct((S * D, B), jnp.float32),
        scratch_types=[
            pltpu.VMEM((RPW,), jnp.int32),
            pltpu.VMEM((RPW,), jnp.int32),
            pltpu.VMEM((NCH, CH), jnp.int32),
            pltpu.VMEM((NCH, CH), jnp.int32),
            pltpu.VMEM((CH, 128), jnp.float32),
            pltpu.VMEM((CH, 128), jnp.float32),
            pltpu.VMEM((CH, 128), jnp.float32),
            pltpu.VMEM((CH, 128), jnp.float32),
            pltpu.VMEM((D, CH), jnp.float32),
            pltpu.VMEM((D, CH), jnp.float32),
            pltpu.SemaphoreType.DMA,
            pltpu.SemaphoreType.DMA,
            pltpu.SemaphoreType.DMA,
            pltpu.SemaphoreType.DMA,
            pltpu.SemaphoreType.DMA,
            pltpu.SemaphoreType.DMA,
        ],
    )
    def k(qtab_h, atab_h, qidx_h, aidx_h, out_h,
          qiv, aiv, qpi, api, qrv0, qrv1, arv0, arv1, orv0, orv1,
          sq0, sq1, sa0, sa1, so0, so1):
        qrv = (qrv0, qrv1)
        arv = (arv0, arv1)
        orv = (orv0, orv1)
        sq = (sq0, sq1)
        sa = (sa0, sa1)
        so = (so0, so1)
        wid = lax.axis_index("s") * 2 + lax.axis_index("c")
        base0 = wid * RPW
        rows16 = lax.iota(jnp.int32, 16)

        pltpu.sync_copy(qidx_h.at[pl.ds(base0, RPW)], qiv)
        pltpu.sync_copy(aidx_h.at[pl.ds(base0, RPW)], aiv)

        def prep(j, carry):
            for g in range(CH // 16):
                sl = pl.ds(j * CH + g * 16, 16)
                gsl = pl.ds(g * 16, 16)
                a = jnp.minimum(jnp.maximum(aiv[sl], 0), NA - 1)
                aiv[sl] = a
                qpi[j, gsl] = qiv[sl] >> 1
                api[j, gsl] = a >> 1
            return carry

        lax.fori_loop(0, NCH, prep, 0)

        def in_copies(cj, b):
            return (
                pltpu.make_async_copy(qtab_h.at[qpi.at[cj]], qrv[b], sq[b]),
                pltpu.make_async_copy(atab_h.at[api.at[cj]], arv[b], sa[b]),
            )

        def out_copy(cj, b):
            t0 = base0 + cj * CH
            srow = pl.multiple_of((t0 >> 12) * D, D)
            bcol = pl.multiple_of(t0 & (B - 1), CH)
            return pltpu.make_async_copy(
                orv[b], out_h.at[pl.ds(srow, D), pl.ds(bcol, CH)], so[b])

        def start_in(cj, b):
            for c in in_copies(cj, b):
                c.start()

        def wait_in(cj, b):
            for c in in_copies(cj, b):
                c.wait()

        start_in(0, 0)

        def step(i, carry):
            for b in range(2):
                cj = 2 * i + b
                nb = 1 - b

                @pl.when(cj + 1 < NCH)
                def _():
                    start_in(cj + 1, nb)

                wait_in(cj, b)

                @pl.when(cj >= 2)
                def _():
                    out_copy(cj, b).wait()

                for g in range(CH // 16):
                    sl = pl.ds(cj * CH + g * 16, 16)
                    rows = rows16 + (g * 16)
                    qcol0 = (qiv[sl] & 1) << 6
                    acol0 = (aiv[sl] & 1) << 6

                    @plsc.parallel_loop(0, D, 1, unroll=U)
                    def _(c):
                        skew = (rows16 + c) & (D - 1)
                        vq = plsc.load_gather(qrv[b], [rows, qcol0 + skew])
                        va = plsc.load_gather(arv[b], [rows, acol0 + skew])
                        plsc.store_scatter(orv[b], [skew, rows], vq + va)

                out_copy(cj, b).start()
            return carry

        lax.fori_loop(0, NCH // 2, step, 0)

        out_copy(NCH - 2, 0).wait()
        out_copy(NCH - 1, 1).wait()

    return k(qtab2, atab2, qidx, aidx)


def _tc_concat(comb, embT, xT):
    BBB = 4096

    def body(comb_ref, emb_ref, x_ref, feat_ref, param_ref):
        s = pl.program_id(1)
        eye = jnp.eye(E, dtype=jnp.float32)
        feat_ref[0, 0:D, :] = comb_ref[...]
        embt = lax.dot_general(eye, emb_ref[0], (((1,), (1,)), ((), ())),
                               precision=lax.Precision.HIGHEST,
                               preferred_element_type=jnp.float32)
        feat_ref[0, D:D + E, :] = embt
        t = x_ref[0, 1:8, :]
        feat_ref[0, D + E:F, :] = t
        param_ref[:, pl.ds(s, 1), :] = t[:, None, :]

    return pl.pallas_call(
        body,
        grid=(B // BBB, S),
        in_specs=[
            pl.BlockSpec((D, BBB), lambda bb, s: (s, bb)),
            pl.BlockSpec((1, BBB, E), lambda bb, s: (s, bb, 0)),
            pl.BlockSpec((1, 8, BBB), lambda bb, s: (s, 0, bb)),
        ],
        out_specs=[
            pl.BlockSpec((1, F, BBB), lambda bb, s: (s, 0, bb)),
            pl.BlockSpec((7, S, BBB), lambda bb, s: (0, 0, bb)),
        ],
        out_shape=[
            jax.ShapeDtypeStruct((S, F, B), jnp.float32),
            jax.ShapeDtypeStruct((7, S, B), jnp.float32),
        ],
    )(comb, embT, xT)


def kernel(x, annotators, questions, embeddings, annotator_embedding, question_embedding):
    qidx = questions.transpose(1, 0).reshape(ROWS).astype(jnp.int32)
    aidx = annotators.transpose(1, 0).reshape(ROWS).astype(jnp.int32)
    qtab2 = question_embedding.reshape(QP, 128)
    atab2 = annotator_embedding[:NA].reshape(AP, 128)
    comb = _sc_gather_add(qtab2, atab2, qidx, aidx)
    embT = embeddings.transpose(1, 0, 2)
    xT = x.transpose(1, 2, 0)
    featT, paramT = _tc_concat(comb, embT, xT)
    return (featT.transpose(2, 0, 1), paramT.transpose(2, 1, 0))

# --- scband reference (transcript-rebuilt; emitter-appended) ---
"""Pipeline reference for scband-positional-encoder-34248069218792 (READ-ONLY COPY).

The authoritative reference and input builder live on the scoring server;
editing this copy changes nothing except your own understanding.
"""

import jax, jax.numpy as jnp
import numpy as np

QUESTION_NUM = 100000
NUM_ANNOTATOR = 100000
EMBED_DIM = 64
BATCH = 4096
SEQ = 50


def setup_inputs(seed: int = 0) -> dict:
    key = jax.random.key(seed)
    ks = jax.random.split(key, 6)
    x = jax.random.normal(ks[0], (BATCH, SEQ, 8), dtype=jnp.float32)
    annotators = jax.random.randint(ks[1], (BATCH, SEQ), 0, NUM_ANNOTATOR, dtype=jnp.int64)
    questions = jax.random.randint(ks[2], (BATCH, SEQ), 0, QUESTION_NUM, dtype=jnp.int64)
    embeddings = jax.random.normal(ks[3], (BATCH, SEQ, 128), dtype=jnp.float32)
    # kaiming_normal fan_out with relu: std = sqrt(2 / fan_out) where fan_out = EMBED_DIM
    std = np.sqrt(2.0 / EMBED_DIM)
    annotator_embedding = jax.random.normal(ks[4], (NUM_ANNOTATOR + 1, EMBED_DIM), dtype=jnp.float32) * std
    question_embedding = jax.random.normal(ks[5], (QUESTION_NUM, EMBED_DIM), dtype=jnp.float32) * std
    return {
        "x": x,
        "annotators": annotators,
        "questions": questions,
        "embeddings": embeddings,
        "annotator_embedding": annotator_embedding,
        "question_embedding": question_embedding,
    }


def reference(x, annotators, questions, embeddings, annotator_embedding, question_embedding):
    question_embeds = jnp.take(question_embedding, questions, axis=0)
    annotators_fixed = jnp.where(annotators < 0,
                                 jnp.full_like(annotators, NUM_ANNOTATOR),
                                 annotators)
    annotator_embeds = jnp.take(annotator_embedding, annotators_fixed, axis=0)
    if embeddings.ndim == 4:
        embeddings = jnp.squeeze(embeddings, axis=0)
    combined_embeds = question_embeds + annotator_embeds
    feature_x = jnp.concatenate((combined_embeds, embeddings, x[:, :, 1:]), axis=-1)
    param_x = x[:, :, 1:]
    return (feature_x, param_x)

if __name__ == "__main__":
    import jax
    _d = setup_inputs()
    print(jax.jit(kernel)(*tuple(_d.values())))

</pallas_src>

<mosaic_0001>
#map = affine_map<(d0, d1) -> (0, 0)>
#map1 = affine_map<(d0, d1) -> (0)>
module attributes {stable_mosaic.version = 14 : i64} {
  func.func @k(%arg0: i32, %arg1: i32, %arg2: memref<50000x128xf32, #tpu.memory_space<hbm>>, %arg3: memref<50000x128xf32, #tpu.memory_space<hbm>>, %arg4: memref<204800xi32, #tpu.memory_space<hbm>>, %arg5: memref<204800xi32, #tpu.memory_space<hbm>>, %arg6: memref<3200x4096xf32, #tpu.memory_space<hbm>>, %arg7: memref<6400xi32, #tpu.memory_space<vmem>>, %arg8: memref<6400xi32, #tpu.memory_space<vmem>>, %arg9: memref<50x128xi32, #tpu.memory_space<vmem>>, %arg10: memref<50x128xi32, #tpu.memory_space<vmem>>, %arg11: memref<128x128xf32, #tpu.memory_space<vmem>>, %arg12: memref<128x128xf32, #tpu.memory_space<vmem>>, %arg13: memref<128x128xf32, #tpu.memory_space<vmem>>, %arg14: memref<128x128xf32, #tpu.memory_space<vmem>>, %arg15: memref<64x128xf32, #tpu.memory_space<vmem>>, %arg16: memref<64x128xf32, #tpu.memory_space<vmem>>, %arg17: memref<!tpu.dma_semaphore, #tpu.memory_space<semaphore_mem>>, %arg18: memref<!tpu.dma_semaphore, #tpu.memory_space<semaphore_mem>>, %arg19: memref<!tpu.dma_semaphore, #tpu.memory_space<semaphore_mem>>, %arg20: memref<!tpu.dma_semaphore, #tpu.memory_space<semaphore_mem>>, %arg21: memref<!tpu.dma_semaphore, #tpu.memory_space<semaphore_mem>>, %arg22: memref<!tpu.dma_semaphore, #tpu.memory_space<semaphore_mem>>) attributes {dimension_semantics = [#tpu.dimension_semantics<core_parallel>, #tpu.dimension_semantics<subcore_parallel>], iteration_bounds = array<i64: 2, 16>, scalar_prefetch = 0 : i64, scratch_operands = 16 : i64, tpu.core_type = #tpu.core_type<sc_vector_subcore>, window_params = [{transform_indices = #map}, {transform_indices = #map}, {transform_indices = #map1}, {transform_indices = #map1}, {transform_indices = #map}]} {
    %mul3A = arith.constant 2 : i32
    %mul3A_0 = arith.muli %arg1, %mul3A : i32
    %add3A = arith.addi %mul3A_0, %arg0 : i32
    %mul3A_1 = arith.constant 6400 : i32
    %mul3A_2 = arith.muli %add3A, %mul3A_1 : i32
    %iota3A = tpu.iota {dimensions = array<i32: 0>} : vector<16xi32>
    "tpu.region"() ({
      %run_scoped3A = tpu.sem_alloc : memref<!tpu.dma_semaphore, #tpu.memory_space<semaphore_mem>>
      %dma_start3A_47 = tpu.memref_slice %arg4[%mul3A_2] : memref<204800xi32, #tpu.memory_space<hbm>> -> memref<6400xi32, #tpu.memory_space<hbm>>
      %dma_start3A_48 = tpu.memref_slice %arg4[%mul3A_2] : memref<204800xi32, #tpu.memory_space<hbm>> -> memref<6400xi32, #tpu.memory_space<hbm>>
      tpu.enqueue_dma source(%dma_start3A_48 : memref<6400xi32, #tpu.memory_space<hbm>>) target(%arg7 : memref<6400xi32, #tpu.memory_space<vmem>>) target_semaphore(%run_scoped3A : memref<!tpu.dma_semaphore, #tpu.memory_space<semaphore_mem>>)
      %dma_wait3A_49 = tpu.memref_slice %arg4[%mul3A_2] : memref<204800xi32, #tpu.memory_space<hbm>> -> memref<6400xi32, #tpu.memory_space<hbm>>
      %dma_wait3A_50 = tpu.memref_slice %arg4[%mul3A_2] : memref<204800xi32, #tpu.memory_space<hbm>> -> memref<6400xi32, #tpu.memory_space<hbm>>
      tpu.wait_dma2 semaphore(%run_scoped3A : memref<!tpu.dma_semaphore, #tpu.memory_space<semaphore_mem>>) src(%dma_wait3A_50 : memref<6400xi32, #tpu.memory_space<hbm>>) dst(%arg7 : memref<6400xi32, #tpu.memory_space<vmem>>)
      tpu.yield
    }) : () -> ()
    "tpu.region"() ({
      %run_scoped3A = tpu.sem_alloc : memref<!tpu.dma_semaphore, #tpu.memory_space<semaphore_mem>>
      %dma_start3A_47 = tpu.memref_slice %arg5[%mul3A_2] : memref<204800xi32, #tpu.memory_space<hbm>> -> memref<6400xi32, #tpu.memory_space<hbm>>
      %dma_start3A_48 = tpu.memref_slice %arg5[%mul3A_2] : memref<204800xi32, #tpu.memory_space<hbm>> -> memref<6400xi32, #tpu.memory_space<hbm>>
      tpu.enqueue_dma source(%dma_start3A_48 : memref<6400xi32, #tpu.memory_space<hbm>>) target(%arg8 : memref<6400xi32, #tpu.memory_space<vmem>>) target_semaphore(%run_scoped3A : memref<!tpu.dma_semaphore, #tpu.memory_space<semaphore_mem>>)
      %dma_wait3A_49 = tpu.memref_slice %arg5[%mul3A_2] : memref<204800xi32, #tpu.memory_space<hbm>> -> memref<6400xi32, #tpu.memory_space<hbm>>
      %dma_wait3A_50 = tpu.memref_slice %arg5[%mul3A_2] : memref<204800xi32, #tpu.memory_space<hbm>> -> memref<6400xi32, #tpu.memory_space<hbm>>
      tpu.wait_dma2 semaphore(%run_scoped3A : memref<!tpu.dma_semaphore, #tpu.memory_space<semaphore_mem>>) src(%dma_wait3A_50 : memref<6400xi32, #tpu.memory_space<hbm>>) dst(%arg8 : memref<6400xi32, #tpu.memory_space<vmem>>)
      tpu.yield
    }) : () -> ()
    %scan3A = arith.constant 0 : i32
    %scan3A_3 = arith.constant 0 : i32
    %scan3A_4 = arith.constant 50 : i32
    %scan3A_5 = arith.addi %scan3A_3, %scan3A_4 : i32
    %scan3A_6 = arith.constant 1 : i32
    scf.for %scan3A_47 = %scan3A_3 to %scan3A_5 step %scan3A_6  : i32 {
      %mul3A_48 = arith.constant 128 : i32
      %mul3A_49 = arith.muli %scan3A_47, %mul3A_48 : i32
      %add3A_50 = arith.constant 0 : i32
      %add3A_51 = arith.addi %mul3A_49, %add3A_50 : i32
      %get3A = arith.index_cast %add3A_51 : i32 to index
      %get3A_52 = tpu.vector_load %arg8[%get3A] {strides = array<i32>} : memref<6400xi32, #tpu.memory_space<vmem>>, vector<16xi32>,
      %max3A = arith.constant 0 : i32
      %max3A_53 = vector.broadcast %max3A : i32 to vector<16xi32>
      %max3A_54 = arith.maxsi %get3A_52, %max3A_53 : vector<16xi32>
      %min3A = arith.constant 99999 : i32
      %min3A_55 = vector.broadcast %min3A : i32 to vector<16xi32>
      %min3A_56 = arith.minsi %max3A_54, %min3A_55 : vector<16xi32>
      %swap3A = arith.index_cast %add3A_51 : i32 to index
      %swap3A_57 = tpu.vector_load %arg8[%swap3A] {strides = array<i32>} : memref<6400xi32, #tpu.memory_space<vmem>>, vector<16xi32>,
      tpu.vector_store %arg8[%swap3A], %min3A_56 {strides = array<i32>} : memref<6400xi32, #tpu.memory_space<vmem>>, vector<16xi32>,
      %get3A_58 = arith.index_cast %add3A_51 : i32 to index
      %get3A_59 = tpu.vector_load %arg7[%get3A_58] {strides = array<i32>} : memref<6400xi32, #tpu.memory_space<vmem>>, vector<16xi32>,
      %shift_right_arithmetic3A_60 = arith.constant 1 : i32
      %shift_right_arithmetic3A_61 = vector.broadcast %shift_right_arithmetic3A_60 : i32 to vector<16xi32>
      %shift_right_arithmetic3A_62 = arith.shrsi %get3A_59, %shift_right_arithmetic3A_61 : vector<16xi32>
      %swap3A_63 = arith.index_cast %scan3A_47 : i32 to index
      %swap3A_64 = arith.constant 0 : index
      %swap3A_65 = tpu.vector_load %arg9[%swap3A_63, %swap3A_64] {strides = array<i32>} : memref<50x128xi32, #tpu.memory_space<vmem>>, vector<16xi32>,
      tpu.vector_store %arg9[%swap3A_63, %swap3A_64], %shift_right_arithmetic3A_62 {strides = array<i32>} : memref<50x128xi32, #tpu.memory_space<vmem>>, vector<16xi32>,
      %shift_right_arithmetic3A_66 = arith.constant 1 : i32
      %shift_right_arithmetic3A_67 = vector.broadcast %shift_right_arithmetic3A_66 : i32 to vector<16xi32>
      %shift_right_arithmetic3A_68 = arith.shrsi %min3A_56, %shift_right_arithmetic3A_67 : vector<16xi32>
      %swap3A_69 = arith.index_cast %scan3A_47 : i32 to index
      %swap3A_70 = arith.constant 0 : index
      %swap3A_71 = tpu.vector_load %arg10[%swap3A_69, %swap3A_70] {strides = array<i32>} : memref<50x128xi32, #tpu.memory_space<vmem>>, vector<16xi32>,
      tpu.vector_store %arg10[%swap3A_69, %swap3A_70], %shift_right_arithmetic3A_68 {strides = array<i32>} : memref<50x128xi32, #tpu.memory_space<vmem>>, vector<16xi32>,
      %mul3A_72 = arith.constant 128 : i32
      %mul3A_73 = arith.muli %scan3A_47, %mul3A_72 : i32
      %add3A_74 = arith.constant 16 : i32
      %add3A_75 = arith.addi %mul3A_73, %add3A_74 : i32
      %get3A_76 = arith.index_cast %add3A_75 : i32 to index
      %get3A_77 = tpu.vector_load %arg8[%get3A_76] {strides = array<i32>} : memref<6400xi32, #tpu.memory_space<vmem>>, vector<16xi32>,
      %max3A_78 = arith.constant 0 : i32
      %max3A_79 = vector.broadcast %max3A_78 : i32 to vector<16xi32>
      %max3A_80 = arith.maxsi %get3A_77, %max3A_79 : vector<16xi32>
      %min3A_81 = arith.constant 99999 : i32
      %min3A_82 = vector.broadcast %min3A_81 : i32 to vector<16xi32>
      %min3A_83 = arith.minsi %max3A_80, %min3A_82 : vector<16xi32>
      %swap3A_84 = arith.index_cast %add3A_75 : i32 to index
      %swap3A_85 = tpu.vector_load %arg8[%swap3A_84] {strides = array<i32>} : memref<6400xi32, #tpu.memory_space<vmem>>, vector<16xi32>,
      tpu.vector_store %arg8[%swap3A_84], %min3A_83 {strides = array<i32>} : memref<6400xi32, #tpu.memory_space<vmem>>, vector<16xi32>,
      %get3A_86 = arith.index_cast %add3A_75 : i32 to index
      %get3A_87 = tpu.vector_load %arg7[%get3A_86] {strides = array<i32>} : memref<6400xi32, #tpu.memory_space<vmem>>, vector<16xi32>,
      %shift_right_arithmetic3A_88 = arith.constant 1 : i32
      %shift_right_arithmetic3A_89 = vector.broadcast %shift_right_arithmetic3A_88 : i32 to vector<16xi32>
      %shift_right_arithmetic3A_90 = arith.shrsi %get3A_87, %shift_right_arithmetic3A_89 : vector<16xi32>
      %swap3A_91 = arith.index_cast %scan3A_47 : i32 to index
      %swap3A_92 = arith.constant 16 : index
      %swap3A_93 = tpu.vector_load %arg9[%swap3A_91, %swap3A_92] {strides = array<i32>} : memref<50x128xi32, #tpu.memory_space<vmem>>, vector<16xi32>,
      tpu.vector_store %arg9[%swap3A_91, %swap3A_92], %shift_right_arithmetic3A_90 {strides = array<i32>} : memref<50x128xi32, #tpu.memory_space<vmem>>, vector<16xi32>,
      %shift_right_arithmetic3A_94 = arith.constant 1 : i32
      %shift_right_arithmetic3A_95 = vector.broadcast %shift_right_arithmetic3A_94 : i32 to vector<16xi32>
      %shift_right_arithmetic3A_96 = arith.shrsi %min3A_83, %shift_right_arithmetic3A_95 : vector<16xi32>
      %swap3A_97 = arith.index_cast %scan3A_47 : i32 to index
      %swap3A_98 = arith.constant 16 : index
      %swap3A_99 = tpu.vector_load %arg10[%swap3A_97, %swap3A_98] {strides = array<i32>} : memref<50x128xi32, #tpu.memory_space<vmem>>, vector<16xi32>,
      tpu.vector_store %arg10[%swap3A_97, %swap3A_98], %shift_right_arithmetic3A_96 {strides = array<i32>} : memref<50x128xi32, #tpu.memory_space<vmem>>, vector<16xi32>,
      %mul3A_100 = arith.constant 128 : i32
      %mul3A_101 = arith.muli %scan3A_47, %mul3A_100 : i32
      %add3A_102 = arith.constant 32 : i32
      %add3A_103 = arith.addi %mul3A_101, %add3A_102 : i32
      %get3A_104 = arith.index_cast %add3A_103 : i32 to index
      %get3A_105 = tpu.vector_load %arg8[%get3A_104] {strides = array<i32>} : memref<6400xi32, #tpu.memory_space<vmem>>, vector<16xi32>,
      %max3A_106 = arith.constant 0 : i32
      %max3A_107 = vector.broadcast %max3A_106 : i32 to vector<16xi32>
      %max3A_108 = arith.maxsi %get3A_105, %max3A_107 : vector<16xi32>
      %min3A_109 = arith.constant 99999 : i32
      %min3A_110 = vector.broadcast %min3A_109 : i32 to vector<16xi32>
      %min3A_111 = arith.minsi %max3A_108, %min3A_110 : vector<16xi32>
      %swap3A_112 = arith.index_cast %add3A_103 : i32 to index
      %swap3A_113 = tpu.vector_load %arg8[%swap3A_112] {strides = array<i32>} : memref<6400xi32, #tpu.memory_space<vmem>>, vector<16xi32>,
      tpu.vector_store %arg8[%swap3A_112], %min3A_111 {strides = array<i32>} : memref<6400xi32, #tpu.memory_space<vmem>>, vector<16xi32>,
      %get3A_114 = arith.index_cast %add3A_103 : i32 to index
      %get3A_115 = tpu.vector_load %arg7[%get3A_114] {strides = array<i32>} : memref<6400xi32, #tpu.memory_space<vmem>>, vector<16xi32>,
      %shift_right_arithmetic3A_116 = arith.constant 1 : i32
      %shift_right_arithmetic3A_117 = vector.broadcast %shift_right_arithmetic3A_116 : i32 to vector<16xi32>
      %shift_right_arithmetic3A_118 = arith.shrsi %get3A_115, %shift_right_arithmetic3A_117 : vector<16xi32>
      %swap3A_119 = arith.index_cast %scan3A_47 : i32 to index
      %swap3A_120 = arith.constant 32 : index
      %swap3A_121 = tpu.vector_load %arg9[%swap3A_119, %swap3A_120] {strides = array<i32>} : memref<50x128xi32, #tpu.memory_space<vmem>>, vector<16xi32>,
      tpu.vector_store %arg9[%swap3A_119, %swap3A_120], %shift_right_arithmetic3A_118 {strides = array<i32>} : memref<50x128xi32, #tpu.memory_space<vmem>>, vector<16xi32>,
      %shift_right_arithmetic3A_122 = arith.constant 1 : i32
      %shift_right_arithmetic3A_123 = vector.broadcast %shift_right_arithmetic3A_122 : i32 to vector<16xi32>
      %shift_right_arithmetic3A_124 = arith.shrsi %min3A_111, %shift_right_arithmetic3A_123 : vector<16xi32>
      %swap3A_125 = arith.index_cast %scan3A_47 : i32 to index
      %swap3A_126 = arith.constant 32 : index
      %swap3A_127 = tpu.vector_load %arg10[%swap3A_125, %swap3A_126] {strides = array<i32>} : memref<50x128xi32, #tpu.memory_space<vmem>>, vector<16xi32>,
      tpu.vector_store %arg10[%swap3A_125, %swap3A_126], %shift_right_arithmetic3A_124 {strides = array<i32>} : memref<50x128xi32, #tpu.memory_space<vmem>>, vector<16xi32>,
      %mul3A_128 = arith.constant 128 : i32
      %mul3A_129 = arith.muli %scan3A_47, %mul3A_128 : i32
      %add3A_130 = arith.constant 48 : i32
      %add3A_131 = arith.addi %mul3A_129, %add3A_130 : i32
      %get3A_132 = arith.index_cast %add3A_131 : i32 to index
      %get3A_133 = tpu.vector_load %arg8[%get3A_132] {strides = array<i32>} : memref<6400xi32, #tpu.memory_space<vmem>>, vector<16xi32>,
      %max3A_134 = arith.constant 0 : i32
      %max3A_135 = vector.broadcast %max3A_134 : i32 to vector<16xi32>
      %max3A_136 = arith.maxsi %get3A_133, %max3A_135 : vector<16xi32>
      %min3A_137 = arith.constant 99999 : i32
      %min3A_138 = vector.broadcast %min3A_137 : i32 to vector<16xi32>
      %min3A_139 = arith.minsi %max3A_136, %min3A_138 : vector<16xi32>
      %swap3A_140 = arith.index_cast %add3A_131 : i32 to index
      %swap3A_141 = tpu.vector_load %arg8[%swap3A_140] {strides = array<i32>} : memref<6400xi32, #tpu.memory_space<vmem>>, vector<16xi32>,
      tpu.vector_store %arg8[%swap3A_140], %min3A_139 {strides = array<i32>} : memref<6400xi32, #tpu.memory_space<vmem>>, vector<16xi32>,
      %get3A_142 = arith.index_cast %add3A_131 : i32 to index
      %get3A_143 = tpu.vector_load %arg7[%get3A_142] {strides = array<i32>} : memref<6400xi32, #tpu.memory_space<vmem>>, vector<16xi32>,
      %shift_right_arithmetic3A_144 = arith.constant 1 : i32
      %shift_right_arithmetic3A_145 = vector.broadcast %shift_right_arithmetic3A_144 : i32 to vector<16xi32>
      %shift_right_arithmetic3A_146 = arith.shrsi %get3A_143, %shift_right_arithmetic3A_145 : vector<16xi32>
      %swap3A_147 = arith.index_cast %scan3A_47 : i32 to index
      %swap3A_148 = arith.constant 48 : index
      %swap3A_149 = tpu.vector_load %arg9[%swap3A_147, %swap3A_148] {strides = array<i32>} : memref<50x128xi32, #tpu.memory_space<vmem>>, vector<16xi32>,
      tpu.vector_store %arg9[%swap3A_147, %swap3A_148], %shift_right_arithmetic3A_146 {strides = array<i32>} : memref<50x128xi32, #tpu.memory_space<vmem>>, vector<16xi32>,
      %shift_right_arithmetic3A_150 = arith.constant 1 : i32
      %shift_right_arithmetic3A_151 = vector.broadcast %shift_right_arithmetic3A_150 : i32 to vector<16xi32>
      %shift_right_arithmetic3A_152 = arith.shrsi %min3A_139, %shift_right_arithmetic3A_151 : vector<16xi32>
      %swap3A_153 = arith.index_cast %scan3A_47 : i32 to index
      %swap3A_154 = arith.constant 48 : index
      %swap3A_155 = tpu.vector_load %arg10[%swap3A_153, %swap3A_154] {strides = array<i32>} : memref<50x128xi32, #tpu.memory_space<vmem>>, vector<16xi32>,
      tpu.vector_store %arg10[%swap3A_153, %swap3A_154], %shift_right_arithmetic3A_152 {strides = array<i32>} : memref<50x128xi32, #tpu.memory_space<vmem>>, vector<16xi32>,
      %mul3A_156 = arith.constant 128 : i32
      %mul3A_157 = arith.muli %scan3A_47, %mul3A_156 : i32
      %add3A_158 = arith.constant 64 : i32
      %add3A_159 = arith.addi %mul3A_157, %add3A_158 : i32
      %get3A_160 = arith.index_cast %add3A_159 : i32 to index
      %get3A_161 = tpu.vector_load %arg8[%get3A_160] {strides = array<i32>} : memref<6400xi32, #tpu.memory_space<vmem>>, vector<16xi32>,
      %max3A_162 = arith.constant 0 : i32
      %max3A_163 = vector.broadcast %max3A_162 : i32 to vector<16xi32>
      %max3A_164 = arith.maxsi %get3A_161, %max3A_163 : vector<16xi32>
      %min3A_165 = arith.constant 99999 : i32
      %min3A_166 = vector.broadcast %min3A_165 : i32 to vector<16xi32>
      %min3A_167 = arith.minsi %max3A_164, %min3A_166 : vector<16xi32>
      %swap3A_168 = arith.index_cast %add3A_159 : i32 to index
      %swap3A_169 = tpu.vector_load %arg8[%swap3A_168] {strides = array<i32>} : memref<6400xi32, #tpu.memory_space<vmem>>, vector<16xi32>,
      tpu.vector_store %arg8[%swap3A_168], %min3A_167 {strides = array<i32>} : memref<6400xi32, #tpu.memory_space<vmem>>, vector<16xi32>,
      %get3A_170 = arith.index_cast %add3A_159 : i32 to index
      %get3A_171 = tpu.vector_load %arg7[%get3A_170] {strides = array<i32>} : memref<6400xi32, #tpu.memory_space<vmem>>, vector<16xi32>,
      %shift_right_arithmetic3A_172 = arith.constant 1 : i32
      %shift_right_arithmetic3A_173 = vector.broadcast %shift_right_arithmetic3A_172 : i32 to vector<16xi32>
      %shift_right_arithmetic3A_174 = arith.shrsi %get3A_171, %shift_right_arithmetic3A_173 : vector<16xi32>
      %swap3A_175 = arith.index_cast %scan3A_47 : i32 to index
      %swap3A_176 = arith.constant 64 : index
      %swap3A_177 = tpu.vector_load %arg9[%swap3A_175, %swap3A_176] {strides = array<i32>} : memref<50x128xi32, #tpu.memory_space<vmem>>, vector<16xi32>,
      tpu.vector_store %arg9[%swap3A_175, %swap3A_176], %shift_right_arithmetic3A_174 {strides = array<i32>} : memref<50x128xi32, #tpu.memory_space<vmem>>, vector<16xi32>,
      %shift_right_arithmetic3A_178 = arith.constant 1 : i32
      %shift_right_arithmetic3A_179 = vector.broadcast %shift_right_arithmetic3A_178 : i32 to vector<16xi32>
      %shift_right_arithmetic3A_180 = arith.shrsi %min3A_167, %shift_right_arithmetic3A_179 : vector<16xi32>
      %swap3A_181 = arith.index_cast %scan3A_47 : i32 to index
      %swap3A_182 = arith.constant 64 : index
      %swap3A_183 = tpu.vector_load %arg10[%swap3A_181, %swap3A_182] {strides = array<i32>} : memref<50x128xi32, #tpu.memory_space<vmem>>, vector<16xi32>,
      tpu.vector_store %arg10[%swap3A_181, %swap3A_182], %shift_right_arithmetic3A_180 {strides = array<i32>} : memref<50x128xi32, #tpu.memory_space<vmem>>, vector<16xi32>,
      %mul3A_184 = arith.constant 128 : i32
      %mul3A_185 = arith.muli %scan3A_47, %mul3A_184 : i32
      %add3A_186 = arith.constant 80 : i32
      %add3A_187 = arith.addi %mul3A_185, %add3A_186 : i32
      %get3A_188 = arith.index_cast %add3A_187 : i32 to index
      %get3A_189 = tpu.vector_load %arg8[%get3A_188] {strides = array<i32>} : memref<6400xi32, #tpu.memory_space<vmem>>, vector<16xi32>,
      %max3A_190 = arith.constant 0 : i32
      %max3A_191 = vector.broadcast %max3A_190 : i32 to vector<16xi32>
      %max3A_192 = arith.maxsi %get3A_189, %max3A_191 : vector<16xi32>
      %min3A_193 = arith.constant 99999 : i32
      %min3A_194 = vector.broadcast %min3A_193 : i32 to vector<16xi32>
      %min3A_195 = arith.minsi %max3A_192, %min3A_194 : vector<16xi32>
      %swap3A_196 = arith.index_cast %add3A_187 : i32 to index
      %swap3A_197 = tpu.vector_load %arg8[%swap3A_196] {strides = array<i32>} : memref<6400xi32, #tpu.memory_space<vmem>>, vector<16xi32>,
      tpu.vector_store %arg8[%swap3A_196], %min3A_195 {strides = array<i32>} : memref<6400xi32, #tpu.memory_space<vmem>>, vector<16xi32>,
      %get3A_198 = arith.index_cast %add3A_187 : i32 to index
      %get3A_199 = tpu.vector_load %arg7[%get3A_198] {strides = array<i32>} : memref<6400xi32, #tpu.memory_space<vmem>>, vector<16xi32>,
      %shift_right_arithmetic3A_200 = arith.constant 1 : i32
      %shift_right_arithmetic3A_201 = vector.broadcast %shift_right_arithmetic3A_200 : i32 to vector<16xi32>
      %shift_right_arithmetic3A_202 = arith.shrsi %get3A_199, %shift_right_arithmetic3A_201 : vector<16xi32>
      %swap3A_203 = arith.index_cast %scan3A_47 : i32 to index
      %swap3A_204 = arith.constant 80 : index
      %swap3A_205 = tpu.vector_load %arg9[%swap3A_203, %swap3A_204] {strides = array<i32>} : memref<50x128xi32, #tpu.memory_space<vmem>>, vector<16xi32>,
      tpu.vector_store %arg9[%swap3A_203, %swap3A_204], %shift_right_arithmetic3A_202 {strides = array<i32>} : memref<50x128xi32, #tpu.memory_space<vmem>>, vector<16xi32>,
      %shift_right_arithmetic3A_206 = arith.constant 1 : i32
      %shift_right_arithmetic3A_207 = vector.broadcast %shift_right_arithmetic3A_206 : i32 to vector<16xi32>
      %shift_right_arithmetic3A_208 = arith.shrsi %min3A_195, %shift_right_arithmetic3A_207 : vector<16xi32>
      %swap3A_209 = arith.index_cast %scan3A_47 : i32 to index
      %swap3A_210 = arith.constant 80 : index
      %swap3A_211 = tpu.vector_load %arg10[%swap3A_209, %swap3A_210] {strides = array<i32>} : memref<50x128xi32, #tpu.memory_space<vmem>>, vector<16xi32>,
      tpu.vector_store %arg10[%swap3A_209, %swap3A_210], %shift_right_arithmetic3A_208 {strides = array<i32>} : memref<50x128xi32, #tpu.memory_space<vmem>>, vector<16xi32>,
      %mul3A_212 = arith.constant 128 : i32
      %mul3A_213 = arith.muli %scan3A_47, %mul3A_212 : i32
      %add3A_214 = arith.constant 96 : i32
      %add3A_215 = arith.addi %mul3A_213, %add3A_214 : i32
      %get3A_216 = arith.index_cast %add3A_215 : i32 to index
      %get3A_217 = tpu.vector_load %arg8[%get3A_216] {strides = array<i32>} : memref<6400xi32, #tpu.memory_space<vmem>>, vector<16xi32>,
      %max3A_218 = arith.constant 0 : i32
      %max3A_219 = vector.broadcast %max3A_218 : i32 to vector<16xi32>
      %max3A_220 = arith.maxsi %get3A_217, %max3A_219 : vector<16xi32>
      %min3A_221 = arith.constant 99999 : i32
      %min3A_222 = vector.broadcast %min3A_221 : i32 to vector<16xi32>
      %min3A_223 = arith.minsi %max3A_220, %min3A_222 : vector<16xi32>
      %swap3A_224 = arith.index_cast %add3A_215 : i32 to index
      %swap3A_225 = tpu.vector_load %arg8[%swap3A_224] {strides = array<i32>} : memref<6400xi32, #tpu.memory_space<vmem>>, vector<16xi32>,
      tpu.vector_store %arg8[%swap3A_224], %min3A_223 {strides = array<i32>} : memref<6400xi32, #tpu.memory_space<vmem>>, vector<16xi32>,
      %get3A_226 = arith.index_cast %add3A_215 : i32 to index
      %get3A_227 = tpu.vector_load %arg7[%get3A_226] {strides = array<i32>} : memref<6400xi32, #tpu.memory_space<vmem>>, vector<16xi32>,
      %shift_right_arithmetic3A_228 = arith.constant 1 : i32
      %shift_right_arithmetic3A_229 = vector.broadcast %shift_right_arithmetic3A_228 : i32 to vector<16xi32>
      %shift_right_arithmetic3A_230 = arith.shrsi %get3A_227, %shift_right_arithmetic3A_229 : vector<16xi32>
      %swap3A_231 = arith.index_cast %scan3A_47 : i32 to index
      %swap3A_232 = arith.constant 96 : index
      %swap3A_233 = tpu.vector_load %arg9[%swap3A_231, %swap3A_232] {strides = array<i32>} : memref<50x128xi32, #tpu.memory_space<vmem>>, vector<16xi32>,
      tpu.vector_store %arg9[%swap3A_231, %swap3A_232], %shift_right_arithmetic3A_230 {strides = array<i32>} : memref<50x128xi32, #tpu.memory_space<vmem>>, vector<16xi32>,
      %shift_right_arithmetic3A_234 = arith.constant 1 : i32
      %shift_right_arithmetic3A_235 = vector.broadcast %shift_right_arithmetic3A_234 : i32 to vector<16xi32>
      %shift_right_arithmetic3A_236 = arith.shrsi %min3A_223, %shift_right_arithmetic3A_235 : vector<16xi32>
      %swap3A_237 = arith.index_cast %scan3A_47 : i32 to index
      %swap3A_238 = arith.constant 96 : index
      %swap3A_239 = tpu.vector_load %arg10[%swap3A_237, %swap3A_238] {strides = array<i32>} : memref<50x128xi32, #tpu.memory_space<vmem>>, vector<16xi32>,
      tpu.vector_store %arg10[%swap3A_237, %swap3A_238], %shift_right_arithmetic3A_236 {strides = array<i32>} : memref<50x128xi32, #tpu.memory_space<vmem>>, vector<16xi32>,
      %mul3A_240 = arith.constant 128 : i32
      %mul3A_241 = arith.muli %scan3A_47, %mul3A_240 : i32
      %add3A_242 = arith.constant 112 : i32
      %add3A_243 = arith.addi %mul3A_241, %add3A_242 : i32
      %get3A_244 = arith.index_cast %add3A_243 : i32 to index
      %get3A_245 = tpu.vector_load %arg8[%get3A_244] {strides = array<i32>} : memref<6400xi32, #tpu.memory_space<vmem>>, vector<16xi32>,
      %max3A_246 = arith.constant 0 : i32
      %max3A_247 = vector.broadcast %max3A_246 : i32 to vector<16xi32>
      %max3A_248 = arith.maxsi %get3A_245, %max3A_247 : vector<16xi32>
      %min3A_249 = arith.constant 99999 : i32
      %min3A_250 = vector.broadcast %min3A_249 : i32 to vector<16xi32>
      %min3A_251 = arith.minsi %max3A_248, %min3A_250 : vector<16xi32>
      %swap3A_252 = arith.index_cast %add3A_243 : i32 to index
      %swap3A_253 = tpu.vector_load %arg8[%swap3A_252] {strides = array<i32>} : memref<6400xi32, #tpu.memory_space<vmem>>, vector<16xi32>,
      tpu.vector_store %arg8[%swap3A_252], %min3A_251 {strides = array<i32>} : memref<6400xi32, #tpu.memory_space<vmem>>, vector<16xi32>,
      %get3A_254 = arith.index_cast %add3A_243 : i32 to index
      %get3A_255 = tpu.vector_load %arg7[%get3A_254] {strides = array<i32>} : memref<6400xi32, #tpu.memory_space<vmem>>, vector<16xi32>,
      %shift_right_arithmetic3A_256 = arith.constant 1 : i32
      %shift_right_arithmetic3A_257 = vector.broadcast %shift_right_arithmetic3A_256 : i32 to vector<16xi32>
      %shift_right_arithmetic3A_258 = arith.shrsi %get3A_255, %shift_right_arithmetic3A_257 : vector<16xi32>
      %swap3A_259 = arith.index_cast %scan3A_47 : i32 to index
      %swap3A_260 = arith.constant 112 : index
      %swap3A_261 = tpu.vector_load %arg9[%swap3A_259, %swap3A_260] {strides = array<i32>} : memref<50x128xi32, #tpu.memory_space<vmem>>, vector<16xi32>,
      tpu.vector_store %arg9[%swap3A_259, %swap3A_260], %shift_right_arithmetic3A_258 {strides = array<i32>} : memref<50x128xi32, #tpu.memory_space<vmem>>, vector<16xi32>,
      %shift_right_arithmetic3A_262 = arith.constant 1 : i32
      %shift_right_arithmetic3A_263 = vector.broadcast %shift_right_arithmetic3A_262 : i32 to vector<16xi32>
      %shift_right_arithmetic3A_264 = arith.shrsi %min3A_251, %shift_right_arithmetic3A_263 : vector<16xi32>
      %swap3A_265 = arith.index_cast %scan3A_47 : i32 to index
      %swap3A_266 = arith.constant 112 : index
      %swap3A_267 = tpu.vector_load %arg10[%swap3A_265, %swap3A_266] {strides = array<i32>} : memref<50x128xi32, #tpu.memory_space<vmem>>, vector<16xi32>,
      tpu.vector_store %arg10[%swap3A_265, %swap3A_266], %shift_right_arithmetic3A_264 {strides = array<i32>} : memref<50x128xi32, #tpu.memory_space<vmem>>, vector<16xi32>,
    }
    %scan3A_7 = arith.constant 50 : i32
    %dma_start3A = arith.constant 0 : i32
    %dma_start3A_8 = arith.constant 0 : i32
    %dma_start3A_9 = tpu.memref_slice %arg9[%dma_start3A, %dma_start3A_8] : memref<50x128xi32, #tpu.memory_space<vmem>> -> memref<1x128xi32, #tpu.memory_space<vmem>>
    %dma_start3A_10 = tpu.memref_squeeze %dma_start3A_9 : memref<1x128xi32, #tpu.memory_space<vmem>> -> memref<128xi32, #tpu.memory_space<vmem>>
    %dma_start3A_11 = arith.constant 0 : i32
    %dma_start3A_12 = arith.constant 0 : i32
    %dma_start3A_13 = tpu.memref_slice %arg2[%dma_start3A_11, %dma_start3A_12] : memref<50000x128xf32, #tpu.memory_space<hbm>> -> memref<50000x128xf32, #tpu.memory_space<hbm>>
    tpu.enqueue_indirect_dma source(%dma_start3A_13 : memref<50000x128xf32, #tpu.memory_space<hbm>>) target(%arg11 : memref<128x128xf32, #tpu.memory_space<vmem>>) offsets(%dma_start3A_10 : memref<128xi32, #tpu.memory_space<vmem>>) semaphore(%arg17 : memref<!tpu.dma_semaphore, #tpu.memory_space<semaphore_mem>>)
    %dma_start3A_14 = arith.constant 0 : i32
    %dma_start3A_15 = arith.constant 0 : i32
    %dma_start3A_16 = tpu.memref_slice %arg10[%dma_start3A_14, %dma_start3A_15] : memref<50x128xi32, #tpu.memory_space<vmem>> -> memref<1x128xi32, #tpu.memory_space<vmem>>
    %dma_start3A_17 = tpu.memref_squeeze %dma_start3A_16 : memref<1x128xi32, #tpu.memory_space<vmem>> -> memref<128xi32, #tpu.memory_space<vmem>>
    %dma_start3A_18 = arith.constant 0 : i32
    %dma_start3A_19 = arith.constant 0 : i32
    %dma_start3A_20 = tpu.memref_slice %arg3[%dma_start3A_18, %dma_start3A_19] : memref<50000x128xf32, #tpu.memory_space<hbm>> -> memref<50000x128xf32, #tpu.memory_space<hbm>>
    tpu.enqueue_indirect_dma source(%dma_start3A_20 : memref<50000x128xf32, #tpu.memory_space<hbm>>) target(%arg13 : memref<128x128xf32, #tpu.memory_space<vmem>>) offsets(%dma_start3A_17 : memref<128xi32, #tpu.memory_space<vmem>>) semaphore(%arg19 : memref<!tpu.dma_semaphore, #tpu.memory_space<semaphore_mem>>)
    %scan3A_21 = arith.constant 0 : i32
    %scan3A_22 = arith.constant 0 : i32
    %scan3A_23 = arith.constant 25 : i32
    %scan3A_24 = arith.addi %scan3A_22, %scan3A_23 : i32
    %scan3A_25 = arith.constant 1 : i32
    scf.for %scan3A_47 = %scan3A_22 to %scan3A_24 step %scan3A_25  : i32 {
      %mul3A_48 = arith.constant 2 : i32
      %mul3A_49 = arith.muli %mul3A_48, %scan3A_47 : i32
      %add3A_50 = arith.constant 0 : i32
      %add3A_51 = arith.addi %mul3A_49, %add3A_50 : i32
      %add3A_52 = arith.constant 1 : i32
      %add3A_53 = arith.addi %add3A_51, %add3A_52 : i32
      %lt3A = arith.constant 50 : i32
      %lt3A_54 = arith.cmpi slt, %add3A_53, %lt3A : i32
      %convert_element_type3A = arith.extui %lt3A_54 : i1 to i32
      %cond3A = arith.constant 0 : i32
      %cond3A_55 = arith.cmpi ne, %convert_element_type3A, %cond3A : i32
      scf.if %cond3A_55 {
        %add3A_539 = arith.constant 1 : i32
        %add3A_540 = arith.addi %add3A_51, %add3A_539 : i32
        %dma_start3A_541 = arith.constant 0 : i32
        %dma_start3A_542 = tpu.memref_slice %arg9[%add3A_540, %dma_start3A_541] : memref<50x128xi32, #tpu.memory_space<vmem>> -> memref<1x128xi32, #tpu.memory_space<vmem>>
        %dma_start3A_543 = tpu.memref_squeeze %dma_start3A_542 : memref<1x128xi32, #tpu.memory_space<vmem>> -> memref<128xi32, #tpu.memory_space<vmem>>
        %dma_start3A_544 = arith.constant 0 : i32
        %dma_start3A_545 = arith.constant 0 : i32
        %dma_start3A_546 = tpu.memref_slice %arg2[%dma_start3A_544, %dma_start3A_545] : memref<50000x128xf32, #tpu.memory_space<hbm>> -> memref<50000x128xf32, #tpu.memory_space<hbm>>
        tpu.enqueue_indirect_dma source(%dma_start3A_546 : memref<50000x128xf32, #tpu.memory_space<hbm>>) target(%arg12 : memref<128x128xf32, #tpu.memory_space<vmem>>) offsets(%dma_start3A_543 : memref<128xi32, #tpu.memory_space<vmem>>) semaphore(%arg18 : memref<!tpu.dma_semaphore, #tpu.memory_space<semaphore_mem>>)
        %dma_start3A_547 = arith.constant 0 : i32
        %dma_start3A_548 = tpu.memref_slice %arg10[%add3A_540, %dma_start3A_547] : memref<50x128xi32, #tpu.memory_space<vmem>> -> memref<1x128xi32, #tpu.memory_space<vmem>>
        %dma_start3A_549 = tpu.memref_squeeze %dma_start3A_548 : memref<1x128xi32, #tpu.memory_space<vmem>> -> memref<128xi32, #tpu.memory_space<vmem>>
        %dma_start3A_550 = arith.constant 0 : i32
        %dma_start3A_551 = arith.constant 0 : i32
        %dma_start3A_552 = tpu.memref_slice %arg3[%dma_start3A_550, %dma_start3A_551] : memref<50000x128xf32, #tpu.memory_space<hbm>> -> memref<50000x128xf32, #tpu.memory_space<hbm>>
        tpu.enqueue_indirect_dma source(%dma_start3A_552 : memref<50000x128xf32, #tpu.memory_space<hbm>>) target(%arg14 : memref<128x128xf32, #tpu.memory_space<vmem>>) offsets(%dma_start3A_549 : memref<128xi32, #tpu.memory_space<vmem>>) semaphore(%arg20 : memref<!tpu.dma_semaphore, #tpu.memory_space<semaphore_mem>>)
      } else {
      }
      %dma_wait3A_56 = arith.constant 0 : i32
      %dma_wait3A_57 = tpu.memref_slice %arg9[%add3A_51, %dma_wait3A_56] : memref<50x128xi32, #tpu.memory_space<vmem>> -> memref<1x128xi32, #tpu.memory_space<vmem>>
      %dma_wait3A_58 = tpu.memref_squeeze %dma_wait3A_57 : memref<1x128xi32, #tpu.memory_space<vmem>> -> memref<128xi32, #tpu.memory_space<vmem>>
      %dma_wait3A_59 = arith.constant 0 : i32
      %dma_wait3A_60 = arith.constant 0 : i32
      %dma_wait3A_61 = tpu.memref_slice %arg2[%dma_wait3A_59, %dma_wait3A_60] : memref<50000x128xf32, #tpu.memory_space<hbm>> -> memref<50000x128xf32, #tpu.memory_space<hbm>>
      tpu.wait_indirect_dma semaphore(%arg17 : memref<!tpu.dma_semaphore, #tpu.memory_space<semaphore_mem>>) src(%dma_wait3A_61 : memref<50000x128xf32, #tpu.memory_space<hbm>>) dst(%arg11 : memref<128x128xf32, #tpu.memory_space<vmem>>)
      %dma_wait3A_62 = arith.constant 0 : i32
      %dma_wait3A_63 = tpu.memref_slice %arg10[%add3A_51, %dma_wait3A_62] : memref<50x128xi32, #tpu.memory_space<vmem>> -> memref<1x128xi32, #tpu.memory_space<vmem>>
      %dma_wait3A_64 = tpu.memref_squeeze %dma_wait3A_63 : memref<1x128xi32, #tpu.memory_space<vmem>> -> memref<128xi32, #tpu.memory_space<vmem>>
      %dma_wait3A_65 = arith.constant 0 : i32
      %dma_wait3A_66 = arith.constant 0 : i32
      %dma_wait3A_67 = tpu.memref_slice %arg3[%dma_wait3A_65, %dma_wait3A_66] : memref<50000x128xf32, #tpu.memory_space<hbm>> -> memref<50000x128xf32, #tpu.memory_space<hbm>>
      tpu.wait_indirect_dma semaphore(%arg19 : memref<!tpu.dma_semaphore, #tpu.memory_space<semaphore_mem>>) src(%dma_wait3A_67 : memref<50000x128xf32, #tpu.memory_space<hbm>>) dst(%arg13 : memref<128x128xf32, #tpu.memory_space<vmem>>)
      %ge3A = arith.constant 2 : i32
      %ge3A_68 = arith.cmpi sge, %add3A_51, %ge3A : i32
      %convert_element_type3A_69 = arith.extui %ge3A_68 : i1 to i32
      %cond3A_70 = arith.constant 0 : i32
      %cond3A_71 = arith.cmpi ne, %convert_element_type3A_69, %cond3A_70 : i32
      scf.if %cond3A_71 {
        %mul3A_539 = arith.constant 128 : i32
        %mul3A_540 = arith.muli %add3A_51, %mul3A_539 : i32
        %add3A_541 = arith.addi %mul3A_2, %mul3A_540 : i32
        %shift_right_arithmetic3A_542 = arith.constant 12 : i32
        %shift_right_arithmetic3A_543 = arith.shrsi %add3A_541, %shift_right_arithmetic3A_542 : i32
        %mul3A_544 = arith.constant 64 : i32
        %mul3A_545 = arith.muli %shift_right_arithmetic3A_543, %mul3A_544 : i32
        %multiple_of3A_546 = tpu.assume_multiple %mul3A_545, 64 : i32
        %and3A_547 = arith.constant 4095 : i32
        %and3A_548 = arith.andi %add3A_541, %and3A_547 : i32
        %multiple_of3A_549 = tpu.assume_multiple %and3A_548, 128 : i32
        %dma_wait3A_550 = tpu.memref_slice %arg6[%multiple_of3A_546, %multiple_of3A_549] : memref<3200x4096xf32, #tpu.memory_space<hbm>> -> memref<64x128xf32, #tpu.memory_space<hbm>>
        %dma_wait3A_551 = tpu.memref_slice %arg6[%multiple_of3A_546, %multiple_of3A_549] : memref<3200x4096xf32, #tpu.memory_space<hbm>> -> memref<64x128xf32, #tpu.memory_space<hbm>>
        tpu.wait_dma2 semaphore(%arg21 : memref<!tpu.dma_semaphore, #tpu.memory_space<semaphore_mem>>) src(%arg15 : memref<64x128xf32, #tpu.memory_space<vmem>>) dst(%dma_wait3A_551 : memref<64x128xf32, #tpu.memory_space<hbm>>)
      } else {
      }
      %mul3A_72 = arith.constant 128 : i32
      %mul3A_73 = arith.muli %add3A_51, %mul3A_72 : i32
      %add3A_74 = arith.constant 0 : i32
      %add3A_75 = arith.addi %mul3A_73, %add3A_74 : i32
      %add3A_76 = arith.constant 0 : i32
      %add3A_77 = vector.broadcast %add3A_76 : i32 to vector<16xi32>
      %add3A_78 = arith.addi %iota3A, %add3A_77 : vector<16xi32>
      %get3A = arith.index_cast %add3A_75 : i32 to index
      %get3A_79 = tpu.vector_load %arg7[%get3A] {strides = array<i32>} : memref<6400xi32, #tpu.memory_space<vmem>>, vector<16xi32>,
      %and3A_80 = arith.constant 1 : i32
      %and3A_81 = vector.broadcast %and3A_80 : i32 to vector<16xi32>
      %and3A_82 = arith.andi %get3A_79, %and3A_81 : vector<16xi32>
      %shift_left3A = arith.constant 6 : i32
      %shift_left3A_83 = vector.broadcast %shift_left3A : i32 to vector<16xi32>
      %shift_left3A_84 = arith.shli %and3A_82, %shift_left3A_83 : vector<16xi32>
      %get3A_85 = arith.index_cast %add3A_75 : i32 to index
      %get3A_86 = tpu.vector_load %arg8[%get3A_85] {strides = array<i32>} : memref<6400xi32, #tpu.memory_space<vmem>>, vector<16xi32>,
      %and3A_87 = arith.constant 1 : i32
      %and3A_88 = vector.broadcast %and3A_87 : i32 to vector<16xi32>
      %and3A_89 = arith.andi %get3A_86, %and3A_88 : vector<16xi32>
      %shift_left3A_90 = arith.constant 6 : i32
      %shift_left3A_91 = vector.broadcast %shift_left3A_90 : i32 to vector<16xi32>
      %shift_left3A_92 = arith.shli %and3A_89, %shift_left3A_91 : vector<16xi32>
      %parallel_loop3A = arith.constant 0 : i32
      %parallel_loop3A_93 = arith.constant 64 : i32
      %parallel_loop3A_94 = arith.constant 1 : i32
      scf.for %parallel_loop3A_539 = %parallel_loop3A to %parallel_loop3A_93 step %parallel_loop3A_94  : i32 {
        %parallel_loop3A_540 = vector.broadcast %parallel_loop3A_539 : i32 to vector<16xi32>
        %parallel_loop3A_541 = arith.addi %iota3A, %parallel_loop3A_540 : vector<16xi32>
        %parallel_loop3A_542 = arith.constant 63 : i32
        %parallel_loop3A_543 = vector.broadcast %parallel_loop3A_542 : i32 to vector<16xi32>
        %parallel_loop3A_544 = arith.andi %parallel_loop3A_541, %parallel_loop3A_543 : vector<16xi32>
        %parallel_loop3A_545 = arith.addi %shift_left3A_84, %parallel_loop3A_544 : vector<16xi32>
        %parallel_loop3A_546 = tpu.vector_load_idx %arg11[%add3A_78, %parallel_loop3A_545] : memref<128x128xf32, #tpu.memory_space<vmem>>[vector<16xi32>, vector<16xi32>], vector<16xf32>,
        %parallel_loop3A_547 = arith.addi %shift_left3A_92, %parallel_loop3A_544 : vector<16xi32>
        %parallel_loop3A_548 = tpu.vector_load_idx %arg13[%add3A_78, %parallel_loop3A_547] : memref<128x128xf32, #tpu.memory_space<vmem>>[vector<16xi32>, vector<16xi32>], vector<16xf32>,
        %parallel_loop3A_549 = arith.addf %parallel_loop3A_546, %parallel_loop3A_548 : vector<16xf32>
        tpu.vector_store_idx %arg15[%parallel_loop3A_544, %add3A_78], %parallel_loop3A_549 : memref<64x128xf32, #tpu.memory_space<vmem>>[vector<16xi32>, vector<16xi32>], vector<16xf32>,
      } {sc.loop_unroll_factor = 8 : i64, sc.parallel_access}
      %mul3A_95 = arith.constant 128 : i32
      %mul3A_96 = arith.muli %add3A_51, %mul3A_95 : i32
      %add3A_97 = arith.constant 16 : i32
      %add3A_98 = arith.addi %mul3A_96, %add3A_97 : i32
      %add3A_99 = arith.constant 16 : i32
      %add3A_100 = vector.broadcast %add3A_99 : i32 to vector<16xi32>
      %add3A_101 = arith.addi %iota3A, %add3A_100 : vector<16xi32>
      %get3A_102 = arith.index_cast %add3A_98 : i32 to index
      %get3A_103 = tpu.vector_load %arg7[%get3A_102] {strides = array<i32>} : memref<6400xi32, #tpu.memory_space<vmem>>, vector<16xi32>,
      %and3A_104 = arith.constant 1 : i32
      %and3A_105 = vector.broadcast %and3A_104 : i32 to vector<16xi32>
      %and3A_106 = arith.andi %get3A_103, %and3A_105 : vector<16xi32>
      %shift_left3A_107 = arith.constant 6 : i32
      %shift_left3A_108 = vector.broadcast %shift_left3A_107 : i32 to vector<16xi32>
      %shift_left3A_109 = arith.shli %and3A_106, %shift_left3A_108 : vector<16xi32>
      %get3A_110 = arith.index_cast %add3A_98 : i32 to index
      %get3A_111 = tpu.vector_load %arg8[%get3A_110] {strides = array<i32>} : memref<6400xi32, #tpu.memory_space<vmem>>, vector<16xi32>,
      %and3A_112 = arith.constant 1 : i32
      %and3A_113 = vector.broadcast %and3A_112 : i32 to vector<16xi32>
      %and3A_114 = arith.andi %get3A_111, %and3A_113 : vector<16xi32>
      %shift_left3A_115 = arith.constant 6 : i32
      %shift_left3A_116 = vector.broadcast %shift_left3A_115 : i32 to vector<16xi32>
      %shift_left3A_117 = arith.shli %and3A_114, %shift_left3A_116 : vector<16xi32>
      %parallel_loop3A_118 = arith.constant 0 : i32
      %parallel_loop3A_119 = arith.constant 64 : i32
      %parallel_loop3A_120 = arith.constant 1 : i32
      scf.for %parallel_loop3A_539 = %parallel_loop3A_118 to %parallel_loop3A_119 step %parallel_loop3A_120  : i32 {
        %parallel_loop3A_540 = vector.broadcast %parallel_loop3A_539 : i32 to vector<16xi32>
        %parallel_loop3A_541 = arith.addi %iota3A, %parallel_loop3A_540 : vector<16xi32>
        %parallel_loop3A_542 = arith.constant 63 : i32
        %parallel_loop3A_543 = vector.broadcast %parallel_loop3A_542 : i32 to vector<16xi32>
        %parallel_loop3A_544 = arith.andi %parallel_loop3A_541, %parallel_loop3A_543 : vector<16xi32>
        %parallel_loop3A_545 = arith.addi %shift_left3A_109, %parallel_loop3A_544 : vector<16xi32>
        %parallel_loop3A_546 = tpu.vector_load_idx %arg11[%add3A_101, %parallel_loop3A_545] : memref<128x128xf32, #tpu.memory_space<vmem>>[vector<16xi32>, vector<16xi32>], vector<16xf32>,
        %parallel_loop3A_547 = arith.addi %shift_left3A_117, %parallel_loop3A_544 : vector<16xi32>
        %parallel_loop3A_548 = tpu.vector_load_idx %arg13[%add3A_101, %parallel_loop3A_547] : memref<128x128xf32, #tpu.memory_space<vmem>>[vector<16xi32>, vector<16xi32>], vector<16xf32>,
        %parallel_loop3A_549 = arith.addf %parallel_loop3A_546, %parallel_loop3A_548 : vector<16xf32>
        tpu.vector_store_idx %arg15[%parallel_loop3A_544, %add3A_101], %parallel_loop3A_549 : memref<64x128xf32, #tpu.memory_space<vmem>>[vector<16xi32>, vector<16xi32>], vector<16xf32>,
      } {sc.loop_unroll_factor = 8 : i64, sc.parallel_access}
      %mul3A_121 = arith.constant 128 : i32
      %mul3A_122 = arith.muli %add3A_51, %mul3A_121 : i32
      %add3A_123 = arith.constant 32 : i32
      %add3A_124 = arith.addi %mul3A_122, %add3A_123 : i32
      %add3A_125 = arith.constant 32 : i32
      %add3A_126 = vector.broadcast %add3A_125 : i32 to vector<16xi32>
      %add3A_127 = arith.addi %iota3A, %add3A_126 : vector<16xi32>
      %get3A_128 = arith.index_cast %add3A_124 : i32 to index
      %get3A_129 = tpu.vector_load %arg7[%get3A_128] {strides = array<i32>} : memref<6400xi32, #tpu.memory_space<vmem>>, vector<16xi32>,
      %and3A_130 = arith.constant 1 : i32
      %and3A_131 = vector.broadcast %and3A_130 : i32 to vector<16xi32>
      %and3A_132 = arith.andi %get3A_129, %and3A_131 : vector<16xi32>
      %shift_left3A_133 = arith.constant 6 : i32
      %shift_left3A_134 = vector.broadcast %shift_left3A_133 : i32 to vector<16xi32>
      %shift_left3A_135 = arith.shli %and3A_132, %shift_left3A_134 : vector<16xi32>
      %get3A_136 = arith.index_cast %add3A_124 : i32 to index
      %get3A_137 = tpu.vector_load %arg8[%get3A_136] {strides = array<i32>} : memref<6400xi32, #tpu.memory_space<vmem>>, vector<16xi32>,
      %and3A_138 = arith.constant 1 : i32
      %and3A_139 = vector.broadcast %and3A_138 : i32 to vector<16xi32>
      %and3A_140 = arith.andi %get3A_137, %and3A_139 : vector<16xi32>
      %shift_left3A_141 = arith.constant 6 : i32
      %shift_left3A_142 = vector.broadcast %shift_left3A_141 : i32 to vector<16xi32>
      %shift_left3A_143 = arith.shli %and3A_140, %shift_left3A_142 : vector<16xi32>
      %parallel_loop3A_144 = arith.constant 0 : i32
      %parallel_loop3A_145 = arith.constant 64 : i32
      %parallel_loop3A_146 = arith.constant 1 : i32
      scf.for %parallel_loop3A_539 = %parallel_loop3A_144 to %parallel_loop3A_145 step %parallel_loop3A_146  : i32 {
        %parallel_loop3A_540 = vector.broadcast %parallel_loop3A_539 : i32 to vector<16xi32>
        %parallel_loop3A_541 = arith.addi %iota3A, %parallel_loop3A_540 : vector<16xi32>
        %parallel_loop3A_542 = arith.constant 63 : i32
        %parallel_loop3A_543 = vector.broadcast %parallel_loop3A_542 : i32 to vector<16xi32>
        %parallel_loop3A_544 = arith.andi %parallel_loop3A_541, %parallel_loop3A_543 : vector<16xi32>
        %parallel_loop3A_545 = arith.addi %shift_left3A_135, %parallel_loop3A_544 : vector<16xi32>
        %parallel_loop3A_546 = tpu.vector_load_idx %arg11[%add3A_127, %parallel_loop3A_545] : memref<128x128xf32, #tpu.memory_space<vmem>>[vector<16xi32>, vector<16xi32>], vector<16xf32>,
        %parallel_loop3A_547 = arith.addi %shift_left3A_143, %parallel_loop3A_544 : vector<16xi32>
        %parallel_loop3A_548 = tpu.vector_load_idx %arg13[%add3A_127, %parallel_loop3A_547] : memref<128x128xf32, #tpu.memory_space<vmem>>[vector<16xi32>, vector<16xi32>], vector<16xf32>,
        %parallel_loop3A_549 = arith.addf %parallel_loop3A_546, %parallel_loop3A_548 : vector<16xf32>
        tpu.vector_store_idx %arg15[%parallel_loop3A_544, %add3A_127], %parallel_loop3A_549 : memref<64x128xf32, #tpu.memory_space<vmem>>[vector<16xi32>, vector<16xi32>], vector<16xf32>,
      } {sc.loop_unroll_factor = 8 : i64, sc.parallel_access}
      %mul3A_147 = arith.constant 128 : i32
      %mul3A_148 = arith.muli %add3A_51, %mul3A_147 : i32
      %add3A_149 = arith.constant 48 : i32
      %add3A_150 = arith.addi %mul3A_148, %add3A_149 : i32
      %add3A_151 = arith.constant 48 : i32
      %add3A_152 = vector.broadcast %add3A_151 : i32 to vector<16xi32>
      %add3A_153 = arith.addi %iota3A, %add3A_152 : vector<16xi32>
      %get3A_154 = arith.index_cast %add3A_150 : i32 to index
      %get3A_155 = tpu.vector_load %arg7[%get3A_154] {strides = array<i32>} : memref<6400xi32, #tpu.memory_space<vmem>>, vector<16xi32>,
      %and3A_156 = arith.constant 1 : i32
      %and3A_157 = vector.broadcast %and3A_156 : i32 to vector<16xi32>
      %and3A_158 = arith.andi %get3A_155, %and3A_157 : vector<16xi32>
      %shift_left3A_159 = arith.constant 6 : i32
      %shift_left3A_160 = vector.broadcast %shift_left3A_159 : i32 to vector<16xi32>
      %shift_left3A_161 = arith.shli %and3A_158, %shift_left3A_160 : vector<16xi32>
      %get3A_162 = arith.index_cast %add3A_150 : i32 to index
      %get3A_163 = tpu.vector_load %arg8[%get3A_162] {strides = array<i32>} : memref<6400xi32, #tpu.memory_space<vmem>>, vector<16xi32>,
      %and3A_164 = arith.constant 1 : i32
      %and3A_165 = vector.broadcast %and3A_164 : i32 to vector<16xi32>
      %and3A_166 = arith.andi %get3A_163, %and3A_165 : vector<16xi32>
      %shift_left3A_167 = arith.constant 6 : i32
      %shift_left3A_168 = vector.broadcast %shift_left3A_167 : i32 to vector<16xi32>
      %shift_left3A_169 = arith.shli %and3A_166, %shift_left3A_168 : vector<16xi32>
      %parallel_loop3A_170 = arith.constant 0 : i32
      %parallel_loop3A_171 = arith.constant 64 : i32
      %parallel_loop3A_172 = arith.constant 1 : i32
      scf.for %parallel_loop3A_539 = %parallel_loop3A_170 to %parallel_loop3A_171 step %parallel_loop3A_172  : i32 {
        %parallel_loop3A_540 = vector.broadcast %parallel_loop3A_539 : i32 to vector<16xi32>
        %parallel_loop3A_541 = arith.addi %iota3A, %parallel_loop3A_540 : vector<16xi32>
        %parallel_loop3A_542 = arith.constant 63 : i32
        %parallel_loop3A_543 = vector.broadcast %parallel_loop3A_542 : i32 to vector<16xi32>
        %parallel_loop3A_544 = arith.andi %parallel_loop3A_541, %parallel_loop3A_543 : vector<16xi32>
        %parallel_loop3A_545 = arith.addi %shift_left3A_161, %parallel_loop3A_544 : vector<16xi32>
        %parallel_loop3A_546 = tpu.vector_load_idx %arg11[%add3A_153, %parallel_loop3A_545] : memref<128x128xf32, #tpu.memory_space<vmem>>[vector<16xi32>, vector<16xi32>], vector<16xf32>,
        %parallel_loop3A_547 = arith.addi %shift_left3A_169, %parallel_loop3A_544 : vector<16xi32>
        %parallel_loop3A_548 = tpu.vector_load_idx %arg13[%add3A_153, %parallel_loop3A_547] : memref<128x128xf32, #tpu.memory_space<vmem>>[vector<16xi32>, vector<16xi32>], vector<16xf32>,
        %parallel_loop3A_549 = arith.addf %parallel_loop3A_546, %parallel_loop3A_548 : vector<16xf32>
        tpu.vector_store_idx %arg15[%parallel_loop3A_544, %add3A_153], %parallel_loop3A_549 : memref<64x128xf32, #tpu.memory_space<vmem>>[vector<16xi32>, vector<16xi32>], vector<16xf32>,
      } {sc.loop_unroll_factor = 8 : i64, sc.parallel_access}
      %mul3A_173 = arith.constant 128 : i32
      %mul3A_174 = arith.muli %add3A_51, %mul3A_173 : i32
      %add3A_175 = arith.constant 64 : i32
      %add3A_176 = arith.addi %mul3A_174, %add3A_175 : i32
      %add3A_177 = arith.constant 64 : i32
      %add3A_178 = vector.broadcast %add3A_177 : i32 to vector<16xi32>
      %add3A_179 = arith.addi %iota3A, %add3A_178 : vector<16xi32>
      %get3A_180 = arith.index_cast %add3A_176 : i32 to index
      %get3A_181 = tpu.vector_load %arg7[%get3A_180] {strides = array<i32>} : memref<6400xi32, #tpu.memory_space<vmem>>, vector<16xi32>,
      %and3A_182 = arith.constant 1 : i32
      %and3A_183 = vector.broadcast %and3A_182 : i32 to vector<16xi32>
      %and3A_184 = arith.andi %get3A_181, %and3A_183 : vector<16xi32>
      %shift_left3A_185 = arith.constant 6 : i32
      %shift_left3A_186 = vector.broadcast %shift_left3A_185 : i32 to vector<16xi32>
      %shift_left3A_187 = arith.shli %and3A_184, %shift_left3A_186 : vector<16xi32>
      %get3A_188 = arith.index_cast %add3A_176 : i32 to index
      %get3A_189 = tpu.vector_load %arg8[%get3A_188] {strides = array<i32>} : memref<6400xi32, #tpu.memory_space<vmem>>, vector<16xi32>,
      %and3A_190 = arith.constant 1 : i32
      %and3A_191 = vector.broadcast %and3A_190 : i32 to vector<16xi32>
      %and3A_192 = arith.andi %get3A_189, %and3A_191 : vector<16xi32>
      %shift_left3A_193 = arith.constant 6 : i32
      %shift_left3A_194 = vector.broadcast %shift_left3A_193 : i32 to vector<16xi32>
      %shift_left3A_195 = arith.shli %and3A_192, %shift_left3A_194 : vector<16xi32>
      %parallel_loop3A_196 = arith.constant 0 : i32
      %parallel_loop3A_197 = arith.constant 64 : i32
      %parallel_loop3A_198 = arith.constant 1 : i32
      scf.for %parallel_loop3A_539 = %parallel_loop3A_196 to %parallel_loop3A_197 step %parallel_loop3A_198  : i32 {
        %parallel_loop3A_540 = vector.broadcast %parallel_loop3A_539 : i32 to vector<16xi32>
        %parallel_loop3A_541 = arith.addi %iota3A, %parallel_loop3A_540 : vector<16xi32>
        %parallel_loop3A_542 = arith.constant 63 : i32
        %parallel_loop3A_543 = vector.broadcast %parallel_loop3A_542 : i32 to vector<16xi32>
        %parallel_loop3A_544 = arith.andi %parallel_loop3A_541, %parallel_loop3A_543 : vector<16xi32>
        %parallel_loop3A_545 = arith.addi %shift_left3A_187, %parallel_loop3A_544 : vector<16xi32>
        %parallel_loop3A_546 = tpu.vector_load_idx %arg11[%add3A_179, %parallel_loop3A_545] : memref<128x128xf32, #tpu.memory_space<vmem>>[vector<16xi32>, vector<16xi32>], vector<16xf32>,
        %parallel_loop3A_547 = arith.addi %shift_left3A_195, %parallel_loop3A_544 : vector<16xi32>
        %parallel_loop3A_548 = tpu.vector_load_idx %arg13[%add3A_179, %parallel_loop3A_547] : memref<128x128xf32, #tpu.memory_space<vmem>>[vector<16xi32>, vector<16xi32>], vector<16xf32>,
        %parallel_loop3A_549 = arith.addf %parallel_loop3A_546, %parallel_loop3A_548 : vector<16xf32>
        tpu.vector_store_idx %arg15[%parallel_loop3A_544, %add3A_179], %parallel_loop3A_549 : memref<64x128xf32, #tpu.memory_space<vmem>>[vector<16xi32>, vector<16xi32>], vector<16xf32>,
      } {sc.loop_unroll_factor = 8 : i64, sc.parallel_access}
      %mul3A_199 = arith.constant 128 : i32
      %mul3A_200 = arith.muli %add3A_51, %mul3A_199 : i32
      %add3A_201 = arith.constant 80 : i32
      %add3A_202 = arith.addi %mul3A_200, %add3A_201 : i32
      %add3A_203 = arith.constant 80 : i32
      %add3A_204 = vector.broadcast %add3A_203 : i32 to vector<16xi32>
      %add3A_205 = arith.addi %iota3A, %add3A_204 : vector<16xi32>
      %get3A_206 = arith.index_cast %add3A_202 : i32 to index
      %get3A_207 = tpu.vector_load %arg7[%get3A_206] {strides = array<i32>} : memref<6400xi32, #tpu.memory_space<vmem>>, vector<16xi32>,
      %and3A_208 = arith.constant 1 : i32
      %and3A_209 = vector.broadcast %and3A_208 : i32 to vector<16xi32>
      %and3A_210 = arith.andi %get3A_207, %and3A_209 : vector<16xi32>
      %shift_left3A_211 = arith.constant 6 : i32
      %shift_left3A_212 = vector.broadcast %shift_left3A_211 : i32 to vector<16xi32>
      %shift_left3A_213 = arith.shli %and3A_210, %shift_left3A_212 : vector<16xi32>
      %get3A_214 = arith.index_cast %add3A_202 : i32 to index
      %get3A_215 = tpu.vector_load %arg8[%get3A_214] {strides = array<i32>} : memref<6400xi32, #tpu.memory_space<vmem>>, vector<16xi32>,
      %and3A_216 = arith.constant 1 : i32
      %and3A_217 = vector.broadcast %and3A_216 : i32 to vector<16xi32>
      %and3A_218 = arith.andi %get3A_215, %and3A_217 : vector<16xi32>
      %shift_left3A_219 = arith.constant 6 : i32
      %shift_left3A_220 = vector.broadcast %shift_left3A_219 : i32 to vector<16xi32>
      %shift_left3A_221 = arith.shli %and3A_218, %shift_left3A_220 : vector<16xi32>
      %parallel_loop3A_222 = arith.constant 0 : i32
      %parallel_loop3A_223 = arith.constant 64 : i32
      %parallel_loop3A_224 = arith.constant 1 : i32
      scf.for %parallel_loop3A_539 = %parallel_loop3A_222 to %parallel_loop3A_223 step %parallel_loop3A_224  : i32 {
        %parallel_loop3A_540 = vector.broadcast %parallel_loop3A_539 : i32 to vector<16xi32>
        %parallel_loop3A_541 = arith.addi %iota3A, %parallel_loop3A_540 : vector<16xi32>
        %parallel_loop3A_542 = arith.constant 63 : i32
        %parallel_loop3A_543 = vector.broadcast %parallel_loop3A_542 : i32 to vector<16xi32>
        %parallel_loop3A_544 = arith.andi %parallel_loop3A_541, %parallel_loop3A_543 : vector<16xi32>
        %parallel_loop3A_545 = arith.addi %shift_left3A_213, %parallel_loop3A_544 : vector<16xi32>
        %parallel_loop3A_546 = tpu.vector_load_idx %arg11[%add3A_205, %parallel_loop3A_545] : memref<128x128xf32, #tpu.memory_space<vmem>>[vector<16xi32>, vector<16xi32>], vector<16xf32>,
        %parallel_loop3A_547 = arith.addi %shift_left3A_221, %parallel_loop3A_544 : vector<16xi32>
        %parallel_loop3A_548 = tpu.vector_load_idx %arg13[%add3A_205, %parallel_loop3A_547] : memref<128x128xf32, #tpu.memory_space<vmem>>[vector<16xi32>, vector<16xi32>], vector<16xf32>,
        %parallel_loop3A_549 = arith.addf %parallel_loop3A_546, %parallel_loop3A_548 : vector<16xf32>
        tpu.vector_store_idx %arg15[%parallel_loop3A_544, %add3A_205], %parallel_loop3A_549 : memref<64x128xf32, #tpu.memory_space<vmem>>[vector<16xi32>, vector<16xi32>], vector<16xf32>,
      } {sc.loop_unroll_factor = 8 : i64, sc.parallel_access}
      %mul3A_225 = arith.constant 128 : i32
      %mul3A_226 = arith.muli %add3A_51, %mul3A_225 : i32
      %add3A_227 = arith.constant 96 : i32
      %add3A_228 = arith.addi %mul3A_226, %add3A_227 : i32
      %add3A_229 = arith.constant 96 : i32
      %add3A_230 = vector.broadcast %add3A_229 : i32 to vector<16xi32>
      %add3A_231 = arith.addi %iota3A, %add3A_230 : vector<16xi32>
      %get3A_232 = arith.index_cast %add3A_228 : i32 to index
      %get3A_233 = tpu.vector_load %arg7[%get3A_232] {strides = array<i32>} : memref<6400xi32, #tpu.memory_space<vmem>>, vector<16xi32>,
      %and3A_234 = arith.constant 1 : i32
      %and3A_235 = vector.broadcast %and3A_234 : i32 to vector<16xi32>
      %and3A_236 = arith.andi %get3A_233, %and3A_235 : vector<16xi32>
      %shift_left3A_237 = arith.constant 6 : i32
      %shift_left3A_238 = vector.broadcast %shift_left3A_237 : i32 to vector<16xi32>
      %shift_left3A_239 = arith.shli %and3A_236, %shift_left3A_238 : vector<16xi32>
      %get3A_240 = arith.index_cast %add3A_228 : i32 to index
      %get3A_241 = tpu.vector_load %arg8[%get3A_240] {strides = array<i32>} : memref<6400xi32, #tpu.memory_space<vmem>>, vector<16xi32>,
      %and3A_242 = arith.constant 1 : i32
      %and3A_243 = vector.broadcast %and3A_242 : i32 to vector<16xi32>
      %and3A_244 = arith.andi %get3A_241, %and3A_243 : vector<16xi32>
      %shift_left3A_245 = arith.constant 6 : i32
      %shift_left3A_246 = vector.broadcast %shift_left3A_245 : i32 to vector<16xi32>
      %shift_left3A_247 = arith.shli %and3A_244, %shift_left3A_246 : vector<16xi32>
      %parallel_loop3A_248 = arith.constant 0 : i32
      %parallel_loop3A_249 = arith.constant 64 : i32
      %parallel_loop3A_250 = arith.constant 1 : i32
      scf.for %parallel_loop3A_539 = %parallel_loop3A_248 to %parallel_loop3A_249 step %parallel_loop3A_250  : i32 {
        %parallel_loop3A_540 = vector.broadcast %parallel_loop3A_539 : i32 to vector<16xi32>
        %parallel_loop3A_541 = arith.addi %iota3A, %parallel_loop3A_540 : vector<16xi32>
        %parallel_loop3A_542 = arith.constant 63 : i32
        %parallel_loop3A_543 = vector.broadcast %parallel_loop3A_542 : i32 to vector<16xi32>
        %parallel_loop3A_544 = arith.andi %parallel_loop3A_541, %parallel_loop3A_543 : vector<16xi32>
        %parallel_loop3A_545 = arith.addi %shift_left3A_239, %parallel_loop3A_544 : vector<16xi32>
        %parallel_loop3A_546 = tpu.vector_load_idx %arg11[%add3A_231, %parallel_loop3A_545] : memref<128x128xf32, #tpu.memory_space<vmem>>[vector<16xi32>, vector<16xi32>], vector<16xf32>,
        %parallel_loop3A_547 = arith.addi %shift_left3A_247, %parallel_loop3A_544 : vector<16xi32>
        %parallel_loop3A_548 = tpu.vector_load_idx %arg13[%add3A_231, %parallel_loop3A_547] : memref<128x128xf32, #tpu.memory_space<vmem>>[vector<16xi32>, vector<16xi32>], vector<16xf32>,
        %parallel_loop3A_549 = arith.addf %parallel_loop3A_546, %parallel_loop3A_548 : vector<16xf32>
        tpu.vector_store_idx %arg15[%parallel_loop3A_544, %add3A_231], %parallel_loop3A_549 : memref<64x128xf32, #tpu.memory_space<vmem>>[vector<16xi32>, vector<16xi32>], vector<16xf32>,
      } {sc.loop_unroll_factor = 8 : i64, sc.parallel_access}
      %mul3A_251 = arith.constant 128 : i32
      %mul3A_252 = arith.muli %add3A_51, %mul3A_251 : i32
      %add3A_253 = arith.constant 112 : i32
      %add3A_254 = arith.addi %mul3A_252, %add3A_253 : i32
      %add3A_255 = arith.constant 112 : i32
      %add3A_256 = vector.broadcast %add3A_255 : i32 to vector<16xi32>
      %add3A_257 = arith.addi %iota3A, %add3A_256 : vector<16xi32>
      %get3A_258 = arith.index_cast %add3A_254 : i32 to index
      %get3A_259 = tpu.vector_load %arg7[%get3A_258] {strides = array<i32>} : memref<6400xi32, #tpu.memory_space<vmem>>, vector<16xi32>,
      %and3A_260 = arith.constant 1 : i32
      %and3A_261 = vector.broadcast %and3A_260 : i32 to vector<16xi32>
      %and3A_262 = arith.andi %get3A_259, %and3A_261 : vector<16xi32>
      %shift_left3A_263 = arith.constant 6 : i32
      %shift_left3A_264 = vector.broadcast %shift_left3A_263 : i32 to vector<16xi32>
      %shift_left3A_265 = arith.shli %and3A_262, %shift_left3A_264 : vector<16xi32>
      %get3A_266 = arith.index_cast %add3A_254 : i32 to index
      %get3A_267 = tpu.vector_load %arg8[%get3A_266] {strides = array<i32>} : memref<6400xi32, #tpu.memory_space<vmem>>, vector<16xi32>,
      %and3A_268 = arith.constant 1 : i32
      %and3A_269 = vector.broadcast %and3A_268 : i32 to vector<16xi32>
      %and3A_270 = arith.andi %get3A_267, %and3A_269 : vector<16xi32>
      %shift_left3A_271 = arith.constant 6 : i32
      %shift_left3A_272 = vector.broadcast %shift_left3A_271 : i32 to vector<16xi32>
      %shift_left3A_273 = arith.shli %and3A_270, %shift_left3A_272 : vector<16xi32>
      %parallel_loop3A_274 = arith.constant 0 : i32
      %parallel_loop3A_275 = arith.constant 64 : i32
      %parallel_loop3A_276 = arith.constant 1 : i32
      scf.for %parallel_loop3A_539 = %parallel_loop3A_274 to %parallel_loop3A_275 step %parallel_loop3A_276  : i32 {
        %parallel_loop3A_540 = vector.broadcast %parallel_loop3A_539 : i32 to vector<16xi32>
        %parallel_loop3A_541 = arith.addi %iota3A, %parallel_loop3A_540 : vector<16xi32>
        %parallel_loop3A_542 = arith.constant 63 : i32
        %parallel_loop3A_543 = vector.broadcast %parallel_loop3A_542 : i32 to vector<16xi32>
        %parallel_loop3A_544 = arith.andi %parallel_loop3A_541, %parallel_loop3A_543 : vector<16xi32>
        %parallel_loop3A_545 = arith.addi %shift_left3A_265, %parallel_loop3A_544 : vector<16xi32>
        %parallel_loop3A_546 = tpu.vector_load_idx %arg11[%add3A_257, %parallel_loop3A_545] : memref<128x128xf32, #tpu.memory_space<vmem>>[vector<16xi32>, vector<16xi32>], vector<16xf32>,
        %parallel_loop3A_547 = arith.addi %shift_left3A_273, %parallel_loop3A_544 : vector<16xi32>
        %parallel_loop3A_548 = tpu.vector_load_idx %arg13[%add3A_257, %parallel_loop3A_547] : memref<128x128xf32, #tpu.memory_space<vmem>>[vector<16xi32>, vector<16xi32>], vector<16xf32>,
        %parallel_loop3A_549 = arith.addf %parallel_loop3A_546, %parallel_loop3A_548 : vector<16xf32>
        tpu.vector_store_idx %arg15[%parallel_loop3A_544, %add3A_257], %parallel_loop3A_549 : memref<64x128xf32, #tpu.memory_space<vmem>>[vector<16xi32>, vector<16xi32>], vector<16xf32>,
      } {sc.loop_unroll_factor = 8 : i64, sc.parallel_access}
      %mul3A_277 = arith.constant 128 : i32
      %mul3A_278 = arith.muli %add3A_51, %mul3A_277 : i32
      %add3A_279 = arith.addi %mul3A_2, %mul3A_278 : i32
      %shift_right_arithmetic3A_280 = arith.constant 12 : i32
      %shift_right_arithmetic3A_281 = arith.shrsi %add3A_279, %shift_right_arithmetic3A_280 : i32
      %mul3A_282 = arith.constant 64 : i32
      %mul3A_283 = arith.muli %shift_right_arithmetic3A_281, %mul3A_282 : i32
      %multiple_of3A_284 = tpu.assume_multiple %mul3A_283, 64 : i32
      %and3A_285 = arith.constant 4095 : i32
      %and3A_286 = arith.andi %add3A_279, %and3A_285 : i32
      %multiple_of3A_287 = tpu.assume_multiple %and3A_286, 128 : i32
      %dma_start3A_288 = tpu.memref_slice %arg6[%multiple_of3A_284, %multiple_of3A_287] : memref<3200x4096xf32, #tpu.memory_space<hbm>> -> memref<64x128xf32, #tpu.memory_space<hbm>>
      %dma_start3A_289 = tpu.memref_slice %arg6[%multiple_of3A_284, %multiple_of3A_287] : memref<3200x4096xf32, #tpu.memory_space<hbm>> -> memref<64x128xf32, #tpu.memory_space<hbm>>
      tpu.enqueue_dma source(%arg15 : memref<64x128xf32, #tpu.memory_space<vmem>>) target(%dma_start3A_289 : memref<64x128xf32, #tpu.memory_space<hbm>>) target_semaphore(%arg21 : memref<!tpu.dma_semaphore, #tpu.memory_space<semaphore_mem>>)
      %mul3A_290 = arith.constant 2 : i32
      %mul3A_291 = arith.muli %mul3A_290, %scan3A_47 : i32
      %add3A_292 = arith.constant 1 : i32
      %add3A_293 = arith.addi %mul3A_291, %add3A_292 : i32
      %add3A_294 = arith.constant 1 : i32
      %add3A_295 = arith.addi %add3A_293, %add3A_294 : i32
      %lt3A_296 = arith.constant 50 : i32
      %lt3A_297 = arith.cmpi slt, %add3A_295, %lt3A_296 : i32
      %convert_element_type3A_298 = arith.extui %lt3A_297 : i1 to i32
      %cond3A_299 = arith.constant 0 : i32
      %cond3A_300 = arith.cmpi ne, %convert_element_type3A_298, %cond3A_299 : i32
      scf.if %cond3A_300 {
        %add3A_539 = arith.constant 1 : i32
        %add3A_540 = arith.addi %add3A_293, %add3A_539 : i32
        %dma_start3A_541 = arith.constant 0 : i32
        %dma_start3A_542 = tpu.memref_slice %arg9[%add3A_540, %dma_start3A_541] : memref<50x128xi32, #tpu.memory_space<vmem>> -> memref<1x128xi32, #tpu.memory_space<vmem>>
        %dma_start3A_543 = tpu.memref_squeeze %dma_start3A_542 : memref<1x128xi32, #tpu.memory_space<vmem>> -> memref<128xi32, #tpu.memory_space<vmem>>
        %dma_start3A_544 = arith.constant 0 : i32
        %dma_start3A_545 = arith.constant 0 : i32
        %dma_start3A_546 = tpu.memref_slice %arg2[%dma_start3A_544, %dma_start3A_545] : memref<50000x128xf32, #tpu.memory_space<hbm>> -> memref<50000x128xf32, #tpu.memory_space<hbm>>
        tpu.enqueue_indirect_dma source(%dma_start3A_546 : memref<50000x128xf32, #tpu.memory_space<hbm>>) target(%arg11 : memref<128x128xf32, #tpu.memory_space<vmem>>) offsets(%dma_start3A_543 : memref<128xi32, #tpu.memory_space<vmem>>) semaphore(%arg17 : memref<!tpu.dma_semaphore, #tpu.memory_space<semaphore_mem>>)
        %dma_start3A_547 = arith.constant 0 : i32
        %dma_start3A_548 = tpu.memref_slice %arg10[%add3A_540, %dma_start3A_547] : memref<50x128xi32, #tpu.memory_space<vmem>> -> memref<1x128xi32, #tpu.memory_space<vmem>>
        %dma_start3A_549 = tpu.memref_squeeze %dma_start3A_548 : memref<1x128xi32, #tpu.memory_space<vmem>> -> memref<128xi32, #tpu.memory_space<vmem>>
        %dma_start3A_550 = arith.constant 0 : i32
        %dma_start3A_551 = arith.constant 0 : i32
        %dma_start3A_552 = tpu.memref_slice %arg3[%dma_start3A_550, %dma_start3A_551] : memref<50000x128xf32, #tpu.memory_space<hbm>> -> memref<50000x128xf32, #tpu.memory_space<hbm>>
        tpu.enqueue_indirect_dma source(%dma_start3A_552 : memref<50000x128xf32, #tpu.memory_space<hbm>>) target(%arg13 : memref<128x128xf32, #tpu.memory_space<vmem>>) offsets(%dma_start3A_549 : memref<128xi32, #tpu.memory_space<vmem>>) semaphore(%arg19 : memref<!tpu.dma_semaphore, #tpu.memory_space<semaphore_mem>>)
      } else {
      }
      %dma_wait3A_301 = arith.constant 0 : i32
      %dma_wait3A_302 = tpu.memref_slice %arg9[%add3A_293, %dma_wait3A_301] : memref<50x128xi32, #tpu.memory_space<vmem>> -> memref<1x128xi32, #tpu.memory_space<vmem>>
      %dma_wait3A_303 = tpu.memref_squeeze %dma_wait3A_302 : memref<1x128xi32, #tpu.memory_space<vmem>> -> memref<128xi32, #tpu.memory_space<vmem>>
      %dma_wait3A_304 = arith.constant 0 : i32
      %dma_wait3A_305 = arith.constant 0 : i32
      %dma_wait3A_306 = tpu.memref_slice %arg2[%dma_wait3A_304, %dma_wait3A_305] : memref<50000x128xf32, #tpu.memory_space<hbm>> -> memref<50000x128xf32, #tpu.memory_space<hbm>>
      tpu.wait_indirect_dma semaphore(%arg18 : memref<!tpu.dma_semaphore, #tpu.memory_space<semaphore_mem>>) src(%dma_wait3A_306 : memref<50000x128xf32, #tpu.memory_space<hbm>>) dst(%arg12 : memref<128x128xf32, #tpu.memory_space<vmem>>)
      %dma_wait3A_307 = arith.constant 0 : i32
      %dma_wait3A_308 = tpu.memref_slice %arg10[%add3A_293, %dma_wait3A_307] : memref<50x128xi32, #tpu.memory_space<vmem>> -> memref<1x128xi32, #tpu.memory_space<vmem>>
      %dma_wait3A_309 = tpu.memref_squeeze %dma_wait3A_308 : memref<1x128xi32, #tpu.memory_space<vmem>> -> memref<128xi32, #tpu.memory_space<vmem>>
      %dma_wait3A_310 = arith.constant 0 : i32
      %dma_wait3A_311 = arith.constant 0 : i32
      %dma_wait3A_312 = tpu.memref_slice %arg3[%dma_wait3A_310, %dma_wait3A_311] : memref<50000x128xf32, #tpu.memory_space<hbm>> -> memref<50000x128xf32, #tpu.memory_space<hbm>>
      tpu.wait_indirect_dma semaphore(%arg20 : memref<!tpu.dma_semaphore, #tpu.memory_space<semaphore_mem>>) src(%dma_wait3A_312 : memref<50000x128xf32, #tpu.memory_space<hbm>>) dst(%arg14 : memref<128x128xf32, #tpu.memory_space<vmem>>)
      %ge3A_313 = arith.constant 2 : i32
      %ge3A_314 = arith.cmpi sge, %add3A_293, %ge3A_313 : i32
      %convert_element_type3A_315 = arith.extui %ge3A_314 : i1 to i32
      %cond3A_316 = arith.constant 0 : i32
      %cond3A_317 = arith.cmpi ne, %convert_element_type3A_315, %cond3A_316 : i32
      scf.if %cond3A_317 {
        %mul3A_539 = arith.constant 128 : i32
        %mul3A_540 = arith.muli %add3A_293, %mul3A_539 : i32
        %add3A_541 = arith.addi %mul3A_2, %mul3A_540 : i32
        %shift_right_arithmetic3A_542 = arith.constant 12 : i32
        %shift_right_arithmetic3A_543 = arith.shrsi %add3A_541, %shift_right_arithmetic3A_542 : i32
        %mul3A_544 = arith.constant 64 : i32
        %mul3A_545 = arith.muli %shift_right_arithmetic3A_543, %mul3A_544 : i32
        %multiple_of3A_546 = tpu.assume_multiple %mul3A_545, 64 : i32
        %and3A_547 = arith.constant 4095 : i32
        %and3A_548 = arith.andi %add3A_541, %and3A_547 : i32
        %multiple_of3A_549 = tpu.assume_multiple %and3A_548, 128 : i32
        %dma_wait3A_550 = tpu.memref_slice %arg6[%multiple_of3A_546, %multiple_of3A_549] : memref<3200x4096xf32, #tpu.memory_space<hbm>> -> memref<64x128xf32, #tpu.memory_space<hbm>>
        %dma_wait3A_551 = tpu.memref_slice %arg6[%multiple_of3A_546, %multiple_of3A_549] : memref<3200x4096xf32, #tpu.memory_space<hbm>> -> memref<64x128xf32, #tpu.memory_space<hbm>>
        tpu.wait_dma2 semaphore(%arg22 : memref<!tpu.dma_semaphore, #tpu.memory_space<semaphore_mem>>) src(%arg16 : memref<64x128xf32, #tpu.memory_space<vmem>>) dst(%dma_wait3A_551 : memref<64x128xf32, #tpu.memory_space<hbm>>)
      } else {
      }
      %mul3A_318 = arith.constant 128 : i32
      %mul3A_319 = arith.muli %add3A_293, %mul3A_318 : i32
      %add3A_320 = arith.constant 0 : i32
      %add3A_321 = arith.addi %mul3A_319, %add3A_320 : i32
      %add3A_322 = arith.constant 0 : i32
      %add3A_323 = vector.broadcast %add3A_322 : i32 to vector<16xi32>
      %add3A_324 = arith.addi %iota3A, %add3A_323 : vector<16xi32>
      %get3A_325 = arith.index_cast %add3A_321 : i32 to index
      %get3A_326 = tpu.vector_load %arg7[%get3A_325] {strides = array<i32>} : memref<6400xi32, #tpu.memory_space<vmem>>, vector<16xi32>,
      %and3A_327 = arith.constant 1 : i32
      %and3A_328 = vector.broadcast %and3A_327 : i32 to vector<16xi32>
      %and3A_329 = arith.andi %get3A_326, %and3A_328 : vector<16xi32>
      %shift_left3A_330 = arith.constant 6 : i32
      %shift_left3A_331 = vector.broadcast %shift_left3A_330 : i32 to vector<16xi32>
      %shift_left3A_332 = arith.shli %and3A_329, %shift_left3A_331 : vector<16xi32>
      %get3A_333 = arith.index_cast %add3A_321 : i32 to index
      %get3A_334 = tpu.vector_load %arg8[%get3A_333] {strides = array<i32>} : memref<6400xi32, #tpu.memory_space<vmem>>, vector<16xi32>,
      %and3A_335 = arith.constant 1 : i32
      %and3A_336 = vector.broadcast %and3A_335 : i32 to vector<16xi32>
      %and3A_337 = arith.andi %get3A_334, %and3A_336 : vector<16xi32>
      %shift_left3A_338 = arith.constant 6 : i32
      %shift_left3A_339 = vector.broadcast %shift_left3A_338 : i32 to vector<16xi32>
      %shift_left3A_340 = arith.shli %and3A_337, %shift_left3A_339 : vector<16xi32>
      %parallel_loop3A_341 = arith.constant 0 : i32
      %parallel_loop3A_342 = arith.constant 64 : i32
      %parallel_loop3A_343 = arith.constant 1 : i32
      scf.for %parallel_loop3A_539 = %parallel_loop3A_341 to %parallel_loop3A_342 step %parallel_loop3A_343  : i32 {
        %parallel_loop3A_540 = vector.broadcast %parallel_loop3A_539 : i32 to vector<16xi32>
        %parallel_loop3A_541 = arith.addi %iota3A, %parallel_loop3A_540 : vector<16xi32>
        %parallel_loop3A_542 = arith.constant 63 : i32
        %parallel_loop3A_543 = vector.broadcast %parallel_loop3A_542 : i32 to vector<16xi32>
        %parallel_loop3A_544 = arith.andi %parallel_loop3A_541, %parallel_loop3A_543 : vector<16xi32>
        %parallel_loop3A_545 = arith.addi %shift_left3A_332, %parallel_loop3A_544 : vector<16xi32>
        %parallel_loop3A_546 = tpu.vector_load_idx %arg12[%add3A_324, %parallel_loop3A_545] : memref<128x128xf32, #tpu.memory_space<vmem>>[vector<16xi32>, vector<16xi32>], vector<16xf32>,
        %parallel_loop3A_547 = arith.addi %shift_left3A_340, %parallel_loop3A_544 : vector<16xi32>
        %parallel_loop3A_548 = tpu.vector_load_idx %arg14[%add3A_324, %parallel_loop3A_547] : memref<128x128xf32, #tpu.memory_space<vmem>>[vector<16xi32>, vector<16xi32>], vector<16xf32>,
        %parallel_loop3A_549 = arith.addf %parallel_loop3A_546, %parallel_loop3A_548 : vector<16xf32>
        tpu.vector_store_idx %arg16[%parallel_loop3A_544, %add3A_324], %parallel_loop3A_549 : memref<64x128xf32, #tpu.memory_space<vmem>>[vector<16xi32>, vector<16xi32>], vector<16xf32>,
      } {sc.loop_unroll_factor = 8 : i64, sc.parallel_access}
      %mul3A_344 = arith.constant 128 : i32
      %mul3A_345 = arith.muli %add3A_293, %mul3A_344 : i32
      %add3A_346 = arith.constant 16 : i32
      %add3A_347 = arith.addi %mul3A_345, %add3A_346 : i32
      %add3A_348 = arith.constant 16 : i32
      %add3A_349 = vector.broadcast %add3A_348 : i32 to vector<16xi32>
      %add3A_350 = arith.addi %iota3A, %add3A_349 : vector<16xi32>
      %get3A_351 = arith.index_cast %add3A_347 : i32 to index
      %get3A_352 = tpu.vector_load %arg7[%get3A_351] {strides = array<i32>} : memref<6400xi32, #tpu.memory_space<vmem>>, vector<16xi32>,
      %and3A_353 = arith.constant 1 : i32
      %and3A_354 = vector.broadcast %and3A_353 : i32 to vector<16xi32>
      %and3A_355 = arith.andi %get3A_352, %and3A_354 : vector<16xi32>
      %shift_left3A_356 = arith.constant 6 : i32
      %shift_left3A_357 = vector.broadcast %shift_left3A_356 : i32 to vector<16xi32>
      %shift_left3A_358 = arith.shli %and3A_355, %shift_left3A_357 : vector<16xi32>
      %get3A_359 = arith.index_cast %add3A_347 : i32 to index
      %get3A_360 = tpu.vector_load %arg8[%get3A_359] {strides = array<i32>} : memref<6400xi32, #tpu.memory_space<vmem>>, vector<16xi32>,
      %and3A_361 = arith.constant 1 : i32
      %and3A_362 = vector.broadcast %and3A_361 : i32 to vector<16xi32>
      %and3A_363 = arith.andi %get3A_360, %and3A_362 : vector<16xi32>
      %shift_left3A_364 = arith.constant 6 : i32
      %shift_left3A_365 = vector.broadcast %shift_left3A_364 : i32 to vector<16xi32>
      %shift_left3A_366 = arith.shli %and3A_363, %shift_left3A_365 : vector<16xi32>
      %parallel_loop3A_367 = arith.constant 0 : i32
      %parallel_loop3A_368 = arith.constant 64 : i32
      %parallel_loop3A_369 = arith.constant 1 : i32
      scf.for %parallel_loop3A_539 = %parallel_loop3A_367 to %parallel_loop3A_368 step %parallel_loop3A_369  : i32 {
        %parallel_loop3A_540 = vector.broadcast %parallel_loop3A_539 : i32 to vector<16xi32>
        %parallel_loop3A_541 = arith.addi %iota3A, %parallel_loop3A_540 : vector<16xi32>
        %parallel_loop3A_542 = arith.constant 63 : i32
        %parallel_loop3A_543 = vector.broadcast %parallel_loop3A_542 : i32 to vector<16xi32>
        %parallel_loop3A_544 = arith.andi %parallel_loop3A_541, %parallel_loop3A_543 : vector<16xi32>
        %parallel_loop3A_545 = arith.addi %shift_left3A_358, %parallel_loop3A_544 : vector<16xi32>
        %parallel_loop3A_546 = tpu.vector_load_idx %arg12[%add3A_350, %parallel_loop3A_545] : memref<128x128xf32, #tpu.memory_space<vmem>>[vector<16xi32>, vector<16xi32>], vector<16xf32>,
        %parallel_loop3A_547 = arith.addi %shift_left3A_366, %parallel_loop3A_544 : vector<16xi32>
        %parallel_loop3A_548 = tpu.vector_load_idx %arg14[%add3A_350, %parallel_loop3A_547] : memref<128x128xf32, #tpu.memory_space<vmem>>[vector<16xi32>, vector<16xi32>], vector<16xf32>,
        %parallel_loop3A_549 = arith.addf %parallel_loop3A_546, %parallel_loop3A_548 : vector<16xf32>
        tpu.vector_store_idx %arg16[%parallel_loop3A_544, %add3A_350], %parallel_loop3A_549 : memref<64x128xf32, #tpu.memory_space<vmem>>[vector<16xi32>, vector<16xi32>], vector<16xf32>,
      } {sc.loop_unroll_factor = 8 : i64, sc.parallel_access}
      %mul3A_370 = arith.constant 128 : i32
      %mul3A_371 = arith.muli %add3A_293, %mul3A_370 : i32
      %add3A_372 = arith.constant 32 : i32
      %add3A_373 = arith.addi %mul3A_371, %add3A_372 : i32
      %add3A_374 = arith.constant 32 : i32
      %add3A_375 = vector.broadcast %add3A_374 : i32 to vector<16xi32>
      %add3A_376 = arith.addi %iota3A, %add3A_375 : vector<16xi32>
      %get3A_377 = arith.index_cast %add3A_373 : i32 to index
      %get3A_378 = tpu.vector_load %arg7[%get3A_377] {strides = array<i32>} : memref<6400xi32, #tpu.memory_space<vmem>>, vector<16xi32>,
      %and3A_379 = arith.constant 1 : i32
      %and3A_380 = vector.broadcast %and3A_379 : i32 to vector<16xi32>
      %and3A_381 = arith.andi %get3A_378, %and3A_380 : vector<16xi32>
      %shift_left3A_382 = arith.constant 6 : i32
      %shift_left3A_383 = vector.broadcast %shift_left3A_382 : i32 to vector<16xi32>
      %shift_left3A_384 = arith.shli %and3A_381, %shift_left3A_383 : vector<16xi32>
      %get3A_385 = arith.index_cast %add3A_373 : i32 to index
      %get3A_386 = tpu.vector_load %arg8[%get3A_385] {strides = array<i32>} : memref<6400xi32, #tpu.memory_space<vmem>>, vector<16xi32>,
      %and3A_387 = arith.constant 1 : i32
      %and3A_388 = vector.broadcast %and3A_387 : i32 to vector<16xi32>
      %and3A_389 = arith.andi %get3A_386, %and3A_388 : vector<16xi32>
      %shift_left3A_390 = arith.constant 6 : i32
      %shift_left3A_391 = vector.broadcast %shift_left3A_390 : i32 to vector<16xi32>
      %shift_left3A_392 = arith.shli %and3A_389, %shift_left3A_391 : vector<16xi32>
      %parallel_loop3A_393 = arith.constant 0 : i32
      %parallel_loop3A_394 = arith.constant 64 : i32
      %parallel_loop3A_395 = arith.constant 1 : i32
      scf.for %parallel_loop3A_539 = %parallel_loop3A_393 to %parallel_loop3A_394 step %parallel_loop3A_395  : i32 {
        %parallel_loop3A_540 = vector.broadcast %parallel_loop3A_539 : i32 to vector<16xi32>
        %parallel_loop3A_541 = arith.addi %iota3A, %parallel_loop3A_540 : vector<16xi32>
        %parallel_loop3A_542 = arith.constant 63 : i32
        %parallel_loop3A_543 = vector.broadcast %parallel_loop3A_542 : i32 to vector<16xi32>
        %parallel_loop3A_544 = arith.andi %parallel_loop3A_541, %parallel_loop3A_543 : vector<16xi32>
        %parallel_loop3A_545 = arith.addi %shift_left3A_384, %parallel_loop3A_544 : vector<16xi32>
        %parallel_loop3A_546 = tpu.vector_load_idx %arg12[%add3A_376, %parallel_loop3A_545] : memref<128x128xf32, #tpu.memory_space<vmem>>[vector<16xi32>, vector<16xi32>], vector<16xf32>,
        %parallel_loop3A_547 = arith.addi %shift_left3A_392, %parallel_loop3A_544 : vector<16xi32>
        %parallel_loop3A_548 = tpu.vector_load_idx %arg14[%add3A_376, %parallel_loop3A_547] : memref<128x128xf32, #tpu.memory_space<vmem>>[vector<16xi32>, vector<16xi32>], vector<16xf32>,
        %parallel_loop3A_549 = arith.addf %parallel_loop3A_546, %parallel_loop3A_548 : vector<16xf32>
        tpu.vector_store_idx %arg16[%parallel_loop3A_544, %add3A_376], %parallel_loop3A_549 : memref<64x128xf32, #tpu.memory_space<vmem>>[vector<16xi32>, vector<16xi32>], vector<16xf32>,
      } {sc.loop_unroll_factor = 8 : i64, sc.parallel_access}
      %mul3A_396 = arith.constant 128 : i32
      %mul3A_397 = arith.muli %add3A_293, %mul3A_396 : i32
      %add3A_398 = arith.constant 48 : i32
      %add3A_399 = arith.addi %mul3A_397, %add3A_398 : i32
      %add3A_400 = arith.constant 48 : i32
      %add3A_401 = vector.broadcast %add3A_400 : i32 to vector<16xi32>
      %add3A_402 = arith.addi %iota3A, %add3A_401 : vector<16xi32>
      %get3A_403 = arith.index_cast %add3A_399 : i32 to index
      %get3A_404 = tpu.vector_load %arg7[%get3A_403] {strides = array<i32>} : memref<6400xi32, #tpu.memory_space<vmem>>, vector<16xi32>,
      %and3A_405 = arith.constant 1 : i32
      %and3A_406 = vector.broadcast %and3A_405 : i32 to vector<16xi32>
      %and3A_407 = arith.andi %get3A_404, %and3A_406 : vector<16xi32>
      %shift_left3A_408 = arith.constant 6 : i32
      %shift_left3A_409 = vector.broadcast %shift_left3A_408 : i32 to vector<16xi32>
      %shift_left3A_410 = arith.shli %and3A_407, %shift_left3A_409 : vector<16xi32>
      %get3A_411 = arith.index_cast %add3A_399 : i32 to index
      %get3A_412 = tpu.vector_load %arg8[%get3A_411] {strides = array<i32>} : memref<6400xi32, #tpu.memory_space<vmem>>, vector<16xi32>,
      %and3A_413 = arith.constant 1 : i32
      %and3A_414 = vector.broadcast %and3A_413 : i32 to vector<16xi32>
      %and3A_415 = arith.andi %get3A_412, %and3A_414 : vector<16xi32>
      %shift_left3A_416 = arith.constant 6 : i32
      %shift_left3A_417 = vector.broadcast %shift_left3A_416 : i32 to vector<16xi32>
      %shift_left3A_418 = arith.shli %and3A_415, %shift_left3A_417 : vector<16xi32>
      %parallel_loop3A_419 = arith.constant 0 : i32
      %parallel_loop3A_420 = arith.constant 64 : i32
      %parallel_loop3A_421 = arith.constant 1 : i32
      scf.for %parallel_loop3A_539 = %parallel_loop3A_419 to %parallel_loop3A_420 step %parallel_loop3A_421  : i32 {
        %parallel_loop3A_540 = vector.broadcast %parallel_loop3A_539 : i32 to vector<16xi32>
        %parallel_loop3A_541 = arith.addi %iota3A, %parallel_loop3A_540 : vector<16xi32>
        %parallel_loop3A_542 = arith.constant 63 : i32
        %parallel_loop3A_543 = vector.broadcast %parallel_loop3A_542 : i32 to vector<16xi32>
        %parallel_loop3A_544 = arith.andi %parallel_loop3A_541, %parallel_loop3A_543 : vector<16xi32>
        %parallel_loop3A_545 = arith.addi %shift_left3A_410, %parallel_loop3A_544 : vector<16xi32>
        %parallel_loop3A_546 = tpu.vector_load_idx %arg12[%add3A_402, %parallel_loop3A_545] : memref<128x128xf32, #tpu.memory_space<vmem>>[vector<16xi32>, vector<16xi32>], vector<16xf32>,
        %parallel_loop3A_547 = arith.addi %shift_left3A_418, %parallel_loop3A_544 : vector<16xi32>
        %parallel_loop3A_548 = tpu.vector_load_idx %arg14[%add3A_402, %parallel_loop3A_547] : memref<128x128xf32, #tpu.memory_space<vmem>>[vector<16xi32>, vector<16xi32>], vector<16xf32>,
        %parallel_loop3A_549 = arith.addf %parallel_loop3A_546, %parallel_loop3A_548 : vector<16xf32>
        tpu.vector_store_idx %arg16[%parallel_loop3A_544, %add3A_402], %parallel_loop3A_549 : memref<64x128xf32, #tpu.memory_space<vmem>>[vector<16xi32>, vector<16xi32>], vector<16xf32>,
      } {sc.loop_unroll_factor = 8 : i64, sc.parallel_access}
      %mul3A_422 = arith.constant 128 : i32
      %mul3A_423 = arith.muli %add3A_293, %mul3A_422 : i32
      %add3A_424 = arith.constant 64 : i32
      %add3A_425 = arith.addi %mul3A_423, %add3A_424 : i32
      %add3A_426 = arith.constant 64 : i32
      %add3A_427 = vector.broadcast %add3A_426 : i32 to vector<16xi32>
      %add3A_428 = arith.addi %iota3A, %add3A_427 : vector<16xi32>
      %get3A_429 = arith.index_cast %add3A_425 : i32 to index
      %get3A_430 = tpu.vector_load %arg7[%get3A_429] {strides = array<i32>} : memref<6400xi32, #tpu.memory_space<vmem>>, vector<16xi32>,
      %and3A_431 = arith.constant 1 : i32
      %and3A_432 = vector.broadcast %and3A_431 : i32 to vector<16xi32>
      %and3A_433 = arith.andi %get3A_430, %and3A_432 : vector<16xi32>
      %shift_left3A_434 = arith.constant 6 : i32
      %shift_left3A_435 = vector.broadcast %shift_left3A_434 : i32 to vector<16xi32>
      %shift_left3A_436 = arith.shli %and3A_433, %shift_left3A_435 : vector<16xi32>
      %get3A_437 = arith.index_cast %add3A_425 : i32 to index
      %get3A_438 = tpu.vector_load %arg8[%get3A_437] {strides = array<i32>} : memref<6400xi32, #tpu.memory_space<vmem>>, vector<16xi32>,
      %and3A_439 = arith.constant 1 : i32
      %and3A_440 = vector.broadcast %and3A_439 : i32 to vector<16xi32>
      %and3A_441 = arith.andi %get3A_438, %and3A_440 : vector<16xi32>
      %shift_left3A_442 = arith.constant 6 : i32
      %shift_left3A_443 = vector.broadcast %shift_left3A_442 : i32 to vector<16xi32>
      %shift_left3A_444 = arith.shli %and3A_441, %shift_left3A_443 : vector<16xi32>
      %parallel_loop3A_445 = arith.constant 0 : i32
      %parallel_loop3A_446 = arith.constant 64 : i32
      %parallel_loop3A_447 = arith.constant 1 : i32
      scf.for %parallel_loop3A_539 = %parallel_loop3A_445 to %parallel_loop3A_446 step %parallel_loop3A_447  : i32 {
        %parallel_loop3A_540 = vector.broadcast %parallel_loop3A_539 : i32 to vector<16xi32>
        %parallel_loop3A_541 = arith.addi %iota3A, %parallel_loop3A_540 : vector<16xi32>
        %parallel_loop3A_542 = arith.constant 63 : i32
        %parallel_loop3A_543 = vector.broadcast %parallel_loop3A_542 : i32 to vector<16xi32>
        %parallel_loop3A_544 = arith.andi %parallel_loop3A_541, %parallel_loop3A_543 : vector<16xi32>
        %parallel_loop3A_545 = arith.addi %shift_left3A_436, %parallel_loop3A_544 : vector<16xi32>
        %parallel_loop3A_546 = tpu.vector_load_idx %arg12[%add3A_428, %parallel_loop3A_545] : memref<128x128xf32, #tpu.memory_space<vmem>>[vector<16xi32>, vector<16xi32>], vector<16xf32>,
        %parallel_loop3A_547 = arith.addi %shift_left3A_444, %parallel_loop3A_544 : vector<16xi32>
        %parallel_loop3A_548 = tpu.vector_load_idx %arg14[%add3A_428, %parallel_loop3A_547] : memref<128x128xf32, #tpu.memory_space<vmem>>[vector<16xi32>, vector<16xi32>], vector<16xf32>,
        %parallel_loop3A_549 = arith.addf %parallel_loop3A_546, %parallel_loop3A_548 : vector<16xf32>
        tpu.vector_store_idx %arg16[%parallel_loop3A_544, %add3A_428], %parallel_loop3A_549 : memref<64x128xf32, #tpu.memory_space<vmem>>[vector<16xi32>, vector<16xi32>], vector<16xf32>,
      } {sc.loop_unroll_factor = 8 : i64, sc.parallel_access}
      %mul3A_448 = arith.constant 128 : i32
      %mul3A_449 = arith.muli %add3A_293, %mul3A_448 : i32
      %add3A_450 = arith.constant 80 : i32
      %add3A_451 = arith.addi %mul3A_449, %add3A_450 : i32
      %add3A_452 = arith.constant 80 : i32
      %add3A_453 = vector.broadcast %add3A_452 : i32 to vector<16xi32>
      %add3A_454 = arith.addi %iota3A, %add3A_453 : vector<16xi32>
      %get3A_455 = arith.index_cast %add3A_451 : i32 to index
      %get3A_456 = tpu.vector_load %arg7[%get3A_455] {strides = array<i32>} : memref<6400xi32, #tpu.memory_space<vmem>>, vector<16xi32>,
      %and3A_457 = arith.constant 1 : i32
      %and3A_458 = vector.broadcast %and3A_457 : i32 to vector<16xi32>
      %and3A_459 = arith.andi %get3A_456, %and3A_458 : vector<16xi32>
      %shift_left3A_460 = arith.constant 6 : i32
      %shift_left3A_461 = vector.broadcast %shift_left3A_460 : i32 to vector<16xi32>
      %shift_left3A_462 = arith.shli %and3A_459, %shift_left3A_461 : vector<16xi32>
      %get3A_463 = arith.index_cast %add3A_451 : i32 to index
      %get3A_464 = tpu.vector_load %arg8[%get3A_463] {strides = array<i32>} : memref<6400xi32, #tpu.memory_space<vmem>>, vector<16xi32>,
      %and3A_465 = arith.constant 1 : i32
      %and3A_466 = vector.broadcast %and3A_465 : i32 to vector<16xi32>
      %and3A_467 = arith.andi %get3A_464, %and3A_466 : vector<16xi32>
      %shift_left3A_468 = arith.constant 6 : i32
      %shift_left3A_469 = vector.broadcast %shift_left3A_468 : i32 to vector<16xi32>
      %shift_left3A_470 = arith.shli %and3A_467, %shift_left3A_469 : vector<16xi32>
      %parallel_loop3A_471 = arith.constant 0 : i32
      %parallel_loop3A_472 = arith.constant 64 : i32
      %parallel_loop3A_473 = arith.constant 1 : i32
      scf.for %parallel_loop3A_539 = %parallel_loop3A_471 to %parallel_loop3A_472 step %parallel_loop3A_473  : i32 {
        %parallel_loop3A_540 = vector.broadcast %parallel_loop3A_539 : i32 to vector<16xi32>
        %parallel_loop3A_541 = arith.addi %iota3A, %parallel_loop3A_540 : vector<16xi32>
        %parallel_loop3A_542 = arith.constant 63 : i32
        %parallel_loop3A_543 = vector.broadcast %parallel_loop3A_542 : i32 to vector<16xi32>
        %parallel_loop3A_544 = arith.andi %parallel_loop3A_541, %parallel_loop3A_543 : vector<16xi32>
        %parallel_loop3A_545 = arith.addi %shift_left3A_462, %parallel_loop3A_544 : vector<16xi32>
        %parallel_loop3A_546 = tpu.vector_load_idx %arg12[%add3A_454, %parallel_loop3A_545] : memref<128x128xf32, #tpu.memory_space<vmem>>[vector<16xi32>, vector<16xi32>], vector<16xf32>,
        %parallel_loop3A_547 = arith.addi %shift_left3A_470, %parallel_loop3A_544 : vector<16xi32>
        %parallel_loop3A_548 = tpu.vector_load_idx %arg14[%add3A_454, %parallel_loop3A_547] : memref<128x128xf32, #tpu.memory_space<vmem>>[vector<16xi32>, vector<16xi32>], vector<16xf32>,
        %parallel_loop3A_549 = arith.addf %parallel_loop3A_546, %parallel_loop3A_548 : vector<16xf32>
        tpu.vector_store_idx %arg16[%parallel_loop3A_544, %add3A_454], %parallel_loop3A_549 : memref<64x128xf32, #tpu.memory_space<vmem>>[vector<16xi32>, vector<16xi32>], vector<16xf32>,
      } {sc.loop_unroll_factor = 8 : i64, sc.parallel_access}
      %mul3A_474 = arith.constant 128 : i32
      %mul3A_475 = arith.muli %add3A_293, %mul3A_474 : i32
      %add3A_476 = arith.constant 96 : i32
      %add3A_477 = arith.addi %mul3A_475, %add3A_476 : i32
      %add3A_478 = arith.constant 96 : i32
      %add3A_479 = vector.broadcast %add3A_478 : i32 to vector<16xi32>
      %add3A_480 = arith.addi %iota3A, %add3A_479 : vector<16xi32>
      %get3A_481 = arith.index_cast %add3A_477 : i32 to index
      %get3A_482 = tpu.vector_load %arg7[%get3A_481] {strides = array<i32>} : memref<6400xi32, #tpu.memory_space<vmem>>, vector<16xi32>,
      %and3A_483 = arith.constant 1 : i32
      %and3A_484 = vector.broadcast %and3A_483 : i32 to vector<16xi32>
      %and3A_485 = arith.andi %get3A_482, %and3A_484 : vector<16xi32>
      %shift_left3A_486 = arith.constant 6 : i32
      %shift_left3A_487 = vector.broadcast %shift_left3A_486 : i32 to vector<16xi32>
      %shift_left3A_488 = arith.shli %and3A_485, %shift_left3A_487 : vector<16xi32>
      %get3A_489 = arith.index_cast %add3A_477 : i32 to index
      %get3A_490 = tpu.vector_load %arg8[%get3A_489] {strides = array<i32>} : memref<6400xi32, #tpu.memory_space<vmem>>, vector<16xi32>,
      %and3A_491 = arith.constant 1 : i32
      %and3A_492 = vector.broadcast %and3A_491 : i32 to vector<16xi32>
      %and3A_493 = arith.andi %get3A_490, %and3A_492 : vector<16xi32>
      %shift_left3A_494 = arith.constant 6 : i32
      %shift_left3A_495 = vector.broadcast %shift_left3A_494 : i32 to vector<16xi32>
      %shift_left3A_496 = arith.shli %and3A_493, %shift_left3A_495 : vector<16xi32>
      %parallel_loop3A_497 = arith.constant 0 : i32
      %parallel_loop3A_498 = arith.constant 64 : i32
      %parallel_loop3A_499 = arith.constant 1 : i32
      scf.for %parallel_loop3A_539 = %parallel_loop3A_497 to %parallel_loop3A_498 step %parallel_loop3A_499  : i32 {
        %parallel_loop3A_540 = vector.broadcast %parallel_loop3A_539 : i32 to vector<16xi32>
        %parallel_loop3A_541 = arith.addi %iota3A, %parallel_loop3A_540 : vector<16xi32>
        %parallel_loop3A_542 = arith.constant 63 : i32
        %parallel_loop3A_543 = vector.broadcast %parallel_loop3A_542 : i32 to vector<16xi32>
        %parallel_loop3A_544 = arith.andi %parallel_loop3A_541, %parallel_loop3A_543 : vector<16xi32>
        %parallel_loop3A_545 = arith.addi %shift_left3A_488, %parallel_loop3A_544 : vector<16xi32>
        %parallel_loop3A_546 = tpu.vector_load_idx %arg12[%add3A_480, %parallel_loop3A_545] : memref<128x128xf32, #tpu.memory_space<vmem>>[vector<16xi32>, vector<16xi32>], vector<16xf32>,
        %parallel_loop3A_547 = arith.addi %shift_left3A_496, %parallel_loop3A_544 : vector<16xi32>
        %parallel_loop3A_548 = tpu.vector_load_idx %arg14[%add3A_480, %parallel_loop3A_547] : memref<128x128xf32, #tpu.memory_space<vmem>>[vector<16xi32>, vector<16xi32>], vector<16xf32>,
        %parallel_loop3A_549 = arith.addf %parallel_loop3A_546, %parallel_loop3A_548 : vector<16xf32>
        tpu.vector_store_idx %arg16[%parallel_loop3A_544, %add3A_480], %parallel_loop3A_549 : memref<64x128xf32, #tpu.memory_space<vmem>>[vector<16xi32>, vector<16xi32>], vector<16xf32>,
      } {sc.loop_unroll_factor = 8 : i64, sc.parallel_access}
      %mul3A_500 = arith.constant 128 : i32
      %mul3A_501 = arith.muli %add3A_293, %mul3A_500 : i32
      %add3A_502 = arith.constant 112 : i32
      %add3A_503 = arith.addi %mul3A_501, %add3A_502 : i32
      %add3A_504 = arith.constant 112 : i32
      %add3A_505 = vector.broadcast %add3A_504 : i32 to vector<16xi32>
      %add3A_506 = arith.addi %iota3A, %add3A_505 : vector<16xi32>
      %get3A_507 = arith.index_cast %add3A_503 : i32 to index
      %get3A_508 = tpu.vector_load %arg7[%get3A_507] {strides = array<i32>} : memref<6400xi32, #tpu.memory_space<vmem>>, vector<16xi32>,
      %and3A_509 = arith.constant 1 : i32
      %and3A_510 = vector.broadcast %and3A_509 : i32 to vector<16xi32>
      %and3A_511 = arith.andi %get3A_508, %and3A_510 : vector<16xi32>
      %shift_left3A_512 = arith.constant 6 : i32
      %shift_left3A_513 = vector.broadcast %shift_left3A_512 : i32 to vector<16xi32>
      %shift_left3A_514 = arith.shli %and3A_511, %shift_left3A_513 : vector<16xi32>
      %get3A_515 = arith.index_cast %add3A_503 : i32 to index
      %get3A_516 = tpu.vector_load %arg8[%get3A_515] {strides = array<i32>} : memref<6400xi32, #tpu.memory_space<vmem>>, vector<16xi32>,
      %and3A_517 = arith.constant 1 : i32
      %and3A_518 = vector.broadcast %and3A_517 : i32 to vector<16xi32>
      %and3A_519 = arith.andi %get3A_516, %and3A_518 : vector<16xi32>
      %shift_left3A_520 = arith.constant 6 : i32
      %shift_left3A_521 = vector.broadcast %shift_left3A_520 : i32 to vector<16xi32>
      %shift_left3A_522 = arith.shli %and3A_519, %shift_left3A_521 : vector<16xi32>
      %parallel_loop3A_523 = arith.constant 0 : i32
      %parallel_loop3A_524 = arith.constant 64 : i32
      %parallel_loop3A_525 = arith.constant 1 : i32
      scf.for %parallel_loop3A_539 = %parallel_loop3A_523 to %parallel_loop3A_524 step %parallel_loop3A_525  : i32 {
        %parallel_loop3A_540 = vector.broadcast %parallel_loop3A_539 : i32 to vector<16xi32>
        %parallel_loop3A_541 = arith.addi %iota3A, %parallel_loop3A_540 : vector<16xi32>
        %parallel_loop3A_542 = arith.constant 63 : i32
        %parallel_loop3A_543 = vector.broadcast %parallel_loop3A_542 : i32 to vector<16xi32>
        %parallel_loop3A_544 = arith.andi %parallel_loop3A_541, %parallel_loop3A_543 : vector<16xi32>
        %parallel_loop3A_545 = arith.addi %shift_left3A_514, %parallel_loop3A_544 : vector<16xi32>
        %parallel_loop3A_546 = tpu.vector_load_idx %arg12[%add3A_506, %parallel_loop3A_545] : memref<128x128xf32, #tpu.memory_space<vmem>>[vector<16xi32>, vector<16xi32>], vector<16xf32>,
        %parallel_loop3A_547 = arith.addi %shift_left3A_522, %parallel_loop3A_544 : vector<16xi32>
        %parallel_loop3A_548 = tpu.vector_load_idx %arg14[%add3A_506, %parallel_loop3A_547] : memref<128x128xf32, #tpu.memory_space<vmem>>[vector<16xi32>, vector<16xi32>], vector<16xf32>,
        %parallel_loop3A_549 = arith.addf %parallel_loop3A_546, %parallel_loop3A_548 : vector<16xf32>
        tpu.vector_store_idx %arg16[%parallel_loop3A_544, %add3A_506], %parallel_loop3A_549 : memref<64x128xf32, #tpu.memory_space<vmem>>[vector<16xi32>, vector<16xi32>], vector<16xf32>,
      } {sc.loop_unroll_factor = 8 : i64, sc.parallel_access}
      %mul3A_526 = arith.constant 128 : i32
      %mul3A_527 = arith.muli %add3A_293, %mul3A_526 : i32
      %add3A_528 = arith.addi %mul3A_2, %mul3A_527 : i32
      %shift_right_arithmetic3A_529 = arith.constant 12 : i32
      %shift_right_arithmetic3A_530 = arith.shrsi %add3A_528, %shift_right_arithmetic3A_529 : i32
      %mul3A_531 = arith.constant 64 : i32
      %mul3A_532 = arith.muli %shift_right_arithmetic3A_530, %mul3A_531 : i32
      %multiple_of3A_533 = tpu.assume_multiple %mul3A_532, 64 : i32
      %and3A_534 = arith.constant 4095 : i32
      %and3A_535 = arith.andi %add3A_528, %and3A_534 : i32
      %multiple_of3A_536 = tpu.assume_multiple %and3A_535, 128 : i32
      %dma_start3A_537 = tpu.memref_slice %arg6[%multiple_of3A_533, %multiple_of3A_536] : memref<3200x4096xf32, #tpu.memory_space<hbm>> -> memref<64x128xf32, #tpu.memory_space<hbm>>
      %dma_start3A_538 = tpu.memref_slice %arg6[%multiple_of3A_533, %multiple_of3A_536] : memref<3200x4096xf32, #tpu.memory_space<hbm>> -> memref<64x128xf32, #tpu.memory_space<hbm>>
      tpu.enqueue_dma source(%arg16 : memref<64x128xf32, #tpu.memory_space<vmem>>) target(%dma_start3A_538 : memref<64x128xf32, #tpu.memory_space<hbm>>) target_semaphore(%arg22 : memref<!tpu.dma_semaphore, #tpu.memory_space<semaphore_mem>>)
    }
    %scan3A_26 = arith.constant 25 : i32
    %add3A_27 = arith.constant 6144 : i32
    %add3A_28 = arith.addi %mul3A_2, %add3A_27 : i32
    %shift_right_arithmetic3A = arith.constant 12 : i32
    %shift_right_arithmetic3A_29 = arith.shrsi %add3A_28, %shift_right_arithmetic3A : i32
    %mul3A_30 = arith.constant 64 : i32
    %mul3A_31 = arith.muli %shift_right_arithmetic3A_29, %mul3A_30 : i32
    %multiple_of3A = tpu.assume_multiple %mul3A_31, 64 : i32
    %and3A = arith.constant 4095 : i32
    %and3A_32 = arith.andi %add3A_28, %and3A : i32
    %multiple_of3A_33 = tpu.assume_multiple %and3A_32, 128 : i32
    %dma_wait3A = tpu.memref_slice %arg6[%multiple_of3A, %multiple_of3A_33] : memref<3200x4096xf32, #tpu.memory_space<hbm>> -> memref<64x128xf32, #tpu.memory_space<hbm>>
    %dma_wait3A_34 = tpu.memref_slice %arg6[%multiple_of3A, %multiple_of3A_33] : memref<3200x4096xf32, #tpu.memory_space<hbm>> -> memref<64x128xf32, #tpu.memory_space<hbm>>
    tpu.wait_dma2 semaphore(%arg21 : memref<!tpu.dma_semaphore, #tpu.memory_space<semaphore_mem>>) src(%arg15 : memref<64x128xf32, #tpu.memory_space<vmem>>) dst(%dma_wait3A_34 : memref<64x128xf32, #tpu.memory_space<hbm>>)
    %add3A_35 = arith.constant 6272 : i32
    %add3A_36 = arith.addi %mul3A_2, %add3A_35 : i32
    %shift_right_arithmetic3A_37 = arith.constant 12 : i32
    %shift_right_arithmetic3A_38 = arith.shrsi %add3A_36, %shift_right_arithmetic3A_37 : i32
    %mul3A_39 = arith.constant 64 : i32
    %mul3A_40 = arith.muli %shift_right_arithmetic3A_38, %mul3A_39 : i32
    %multiple_of3A_41 = tpu.assume_multiple %mul3A_40, 64 : i32
    %and3A_42 = arith.constant 4095 : i32
    %and3A_43 = arith.andi %add3A_36, %and3A_42 : i32
    %multiple_of3A_44 = tpu.assume_multiple %and3A_43, 128 : i32
    %dma_wait3A_45 = tpu.memref_slice %arg6[%multiple_of3A_41, %multiple_of3A_44] : memref<3200x4096xf32, #tpu.memory_space<hbm>> -> memref<64x128xf32, #tpu.memory_space<hbm>>
    %dma_wait3A_46 = tpu.memref_slice %arg6[%multiple_of3A_41, %multiple_of3A_44] : memref<3200x4096xf32, #tpu.memory_space<hbm>> -> memref<64x128xf32, #tpu.memory_space<hbm>>
    tpu.wait_dma2 semaphore(%arg22 : memref<!tpu.dma_semaphore, #tpu.memory_space<semaphore_mem>>) src(%arg16 : memref<64x128xf32, #tpu.memory_space<vmem>>) dst(%dma_wait3A_46 : memref<64x128xf32, #tpu.memory_space<hbm>>)
    return
  }
}

module attributes {stable_mosaic.version = 14 : i64} {
  func.func @body(%arg0: i32, %arg1: i32, %arg2: memref<64x4096xf32, #tpu.memory_space<vmem>>, %arg3: memref<1x4096x128xf32, #tpu.memory_space<vmem>>, %arg4: memref<1x8x4096xf32, #tpu.memory_space<vmem>>, %arg5: memref<1x199x4096xf32, #tpu.memory_space<vmem>>, %arg6: memref<7x50x4096xf32, #tpu.memory_space<vmem>>) attributes {dimension_semantics = [#tpu.dimension_semantics<arbitrary>, #tpu.dimension_semantics<arbitrary>], iteration_bounds = array<i64: 1, 50>, scalar_prefetch = 0 : i64, scratch_operands = 0 : i64, tpu.core_type = #tpu.core_type<tc>, window_params = [{transform_indices = @transform_0, window_bounds = array<i64: 64, 4096>}, {transform_indices = @transform_1, window_bounds = array<i64: 1, 4096, 128>}, {transform_indices = @transform_2, window_bounds = array<i64: 1, 8, 4096>}, {transform_indices = @transform_3, window_bounds = array<i64: 1, 199, 4096>}, {transform_indices = @transform_4, window_bounds = array<i64: 7, 50, 4096>}]} {
    %iota3A = tpu.iota {dimensions = array<i32: 0>} : vector<128x128xi32>
    %iota3A_0 = tpu.iota {dimensions = array<i32: 1>} : vector<128x128xi32>
    %add3A = arith.constant 0 : i32
    %add3A_1 = vector.broadcast %add3A : i32 to vector<128x128xi32>
    %add3A_2 = arith.addi %iota3A, %add3A_1 : vector<128x128xi32>
    %eq3A = arith.cmpi eq, %add3A_2, %iota3A_0 : vector<128x128xi32>
    %convert_element_type3A = arith.extui %eq3A : vector<128x128xi1> to vector<128x128xi32>
    %convert_element_type3A_3 = arith.sitofp %convert_element_type3A : vector<128x128xi32> to vector<128x128xf32>
    %get3A = arith.constant 0 : index
    %get3A_4 = arith.constant 0 : index
    %get3A_5 = vector.load %arg2[%get3A, %get3A_4] : memref<64x4096xf32, #tpu.memory_space<vmem>>, vector<64x4096xf32>
    %swap3A = arith.constant 0 : index
    %swap3A_6 = arith.constant 0 : index
    %swap3A_7 = arith.constant 0 : index
    %swap3A_8 = vector.load %arg5[%swap3A, %swap3A_6, %swap3A_7] : memref<1x199x4096xf32, #tpu.memory_space<vmem>>, vector<1x64x4096xf32>
    %swap3A_9 = vector.shape_cast %swap3A_8 : vector<1x64x4096xf32> to vector<64x4096xf32>
    %swap3A_10 = vector.shape_cast %get3A_5 : vector<64x4096xf32> to vector<1x64x4096xf32>
    tpu.vector_store %arg5[%swap3A, %swap3A_6, %swap3A_7], %swap3A_10 {strides = array<i32>} : memref<1x199x4096xf32, #tpu.memory_space<vmem>>, vector<1x64x4096xf32>,
    %get3A_11 = arith.constant 0 : index
    %get3A_12 = arith.constant 0 : index
    %get3A_13 = arith.constant 0 : index
    %get3A_14 = vector.load %arg3[%get3A_11, %get3A_12, %get3A_13] : memref<1x4096x128xf32, #tpu.memory_space<vmem>>, vector<1x4096x128xf32>
    %get3A_15 = vector.shape_cast %get3A_14 : vector<1x4096x128xf32> to vector<4096x128xf32>
    %dot_general3A = arith.constant dense<0.000000e+00> : vector<128x4096xf32>
    %dot_general3A_16 = tpu.matmul %convert_element_type3A_3, %get3A_15, %dot_general3A {dimension_numbers = #tpu.dot_dimension_numbers<[1], [1], [0], [0], [0, 0, 1, 0], [], []>, precision = #tpu.contract_precision<fp32>, transpose_lhs_hint = false} : vector<128x128xf32>, vector<4096x128xf32>, vector<128x4096xf32> -> vector<128x4096xf32>
    %swap3A_17 = arith.constant 0 : index
    %swap3A_18 = arith.constant 64 : index
    %swap3A_19 = arith.constant 0 : index
    %swap3A_20 = vector.load %arg5[%swap3A_17, %swap3A_18, %swap3A_19] : memref<1x199x4096xf32, #tpu.memory_space<vmem>>, vector<1x128x4096xf32>
    %swap3A_21 = vector.shape_cast %swap3A_20 : vector<1x128x4096xf32> to vector<128x4096xf32>
    %swap3A_22 = vector.shape_cast %dot_general3A_16 : vector<128x4096xf32> to vector<1x128x4096xf32>
    tpu.vector_store %arg5[%swap3A_17, %swap3A_18, %swap3A_19], %swap3A_22 {strides = array<i32>} : memref<1x199x4096xf32, #tpu.memory_space<vmem>>, vector<1x128x4096xf32>,
    %get3A_23 = arith.constant 0 : index
    %get3A_24 = arith.constant 1 : index
    %get3A_25 = arith.constant 0 : index
    %get3A_26 = vector.load %arg4[%get3A_23, %get3A_24, %get3A_25] : memref<1x8x4096xf32, #tpu.memory_space<vmem>>, vector<1x7x4096xf32>
    %get3A_27 = vector.shape_cast %get3A_26 : vector<1x7x4096xf32> to vector<7x4096xf32>
    %swap3A_28 = arith.constant 0 : index
    %swap3A_29 = arith.constant 192 : index
    %swap3A_30 = arith.constant 0 : index
    %swap3A_31 = vector.load %arg5[%swap3A_28, %swap3A_29, %swap3A_30] : memref<1x199x4096xf32, #tpu.memory_space<vmem>>, vector<1x7x4096xf32>
    %swap3A_32 = vector.shape_cast %swap3A_31 : vector<1x7x4096xf32> to vector<7x4096xf32>
    %swap3A_33 = vector.shape_cast %get3A_27 : vector<7x4096xf32> to vector<1x7x4096xf32>
    tpu.vector_store %arg5[%swap3A_28, %swap3A_29, %swap3A_30], %swap3A_33 {strides = array<i32>} : memref<1x199x4096xf32, #tpu.memory_space<vmem>>, vector<1x7x4096xf32>,
    %broadcast_in_dim3A = vector.shape_cast %get3A_27 : vector<7x4096xf32> to vector<7x1x4096xf32>
    %swap3A_34 = arith.constant 0 : index
    %swap3A_35 = arith.index_cast %arg1 : i32 to index
    %swap3A_36 = arith.constant 0 : index
    %swap3A_37 = vector.load %arg6[%swap3A_34, %swap3A_35, %swap3A_36] : memref<7x50x4096xf32, #tpu.memory_space<vmem>>, vector<7x1x4096xf32>
    tpu.vector_store %arg6[%swap3A_34, %swap3A_35, %swap3A_36], %broadcast_in_dim3A {strides = array<i32>} : memref<7x50x4096xf32, #tpu.memory_space<vmem>>, vector<7x1x4096xf32>,
    return
  }
  func.func @transform_0(%arg0: i32, %arg1: i32) -> (i32, i32) {
    %c0_i32 = arith.constant 0 : i32
    return %arg1, %arg0 : i32, i32
  }
  func.func @transform_1(%arg0: i32, %arg1: i32) -> (i32, i32, i32) {
    %c0_i32 = arith.constant 0 : i32
    %c0_i32_0 = arith.constant 0 : i32
    return %arg1, %arg0, %c0_i32 : i32, i32, i32
  }
  func.func @transform_2(%arg0: i32, %arg1: i32) -> (i32, i32, i32) {
    %c0_i32 = arith.constant 0 : i32
    %c0_i32_0 = arith.constant 0 : i32
    return %arg1, %c0_i32, %arg0 : i32, i32, i32
  }
  func.func @transform_3(%arg0: i32, %arg1: i32) -> (i32, i32, i32) {
    %c0_i32 = arith.constant 0 : i32
    %c0_i32_0 = arith.constant 0 : i32
    return %arg1, %c0_i32, %arg0 : i32, i32, i32
  }
  func.func @transform_4(%arg0: i32, %arg1: i32) -> (i32, i32, i32) {
    %c0_i32 = arith.constant 0 : i32
    %c0_i32_0 = arith.constant 0 : i32
    %c0_i32_1 = arith.constant 0 : i32
    return %c0_i32, %c0_i32_0, %arg0 : i32, i32, i32
  }
}

</mosaic_0001>

<sc_bundles>
// kernel: kernel.4.cloned.1.call-start
scs
__scs_entry_jumppad:
0x0: {  	(pc) =	sbr.rel $0x88, $3  }
0x1: {  	(tag) =	ssettag $0x0;
	lr =	simm.s32 $0x1  }
0x2: {  	[smem:$0x3F9B] =	sst lr;
	_ =	strace $0xD0000000  }
0x3: {  	_ = 	snop  }
0x4: {  	_ = 	snop  }
0x5: {  	_ = 	snop  }
0x6: {  	_ = 	snop  }
0x7: {  	_ = 	snop  }
__scs_overlays_trampoline_lowered:
0x8: {  	[smem:$0x3FAA] =	sst s0  }
0x9: {  	[smem:$0x3FAB] =	sst s1  }
0xa: {  	[smem:$0x3FAC] =	sst s2  }
0xb: {  	[smem:$0x3FAD] =	sst s3  }
0xc: {  	[smem:$0x3FAE] =	sst s4  }
0xd: {  	[smem:$0x3FAF] =	sst s5  }
0xe: {  	[smem:$0x3FB0] =	sst s6  }
0xf: {  	[smem:$0x3FB1] =	sst s7  }
0x10: {  	[smem:$0x3FB2] =	sst s8  }
0x11: {  	[smem:$0x3FB3] =	sst s9;
	s0 =	simm.s32 @!p0 $0x0  }
0x12: {  	s1 =	sld [smem:$0x3F99];
	s0 =	simm.s32 @p0 $0x1  }
0x13: {  	[smem:$0x3FB4] =	sst s0;
	s0 =	simm.s32 @!p1 $0x0  }
0x14: {  	s2 =	sld [smem:$0x3F98];
	s0 =	simm.s32 @p1 $0x1  }
0x15: {  	[smem:$0x3FB5] =	sst s0;
	s0 =	simm.s32 @!p2 $0x0  }
0x16: {  	s3 =	sld [smem:$0x3FDB];
	s0 =	simm.s32 @p2 $0x1  }
0x17: {  	s4 =	simm.s32 $0x1BF5;
	[smem:$0x3FB7] =	sst s0  }
0x18: {  	s0 =	sld [smem:$0x3F9A];
	_ =	swait.ge [sflag:s4], $0x0  }
0x19: {  	s7 =	sld [smem:$0x3F9B]  }
0x1a: {  	s8 =	sadd.s32 $0xFFFFE003, lr  }
0x1b: {  	s9 =	sadd.s32 $0xFFFFFEF7, lr;
	s5 =	simm.s32 $0xFFFFFFFF;
	p2 =	slt.u32 s8, $0xFFFFF086  }
0x1c: {  	p1 =	slt.u32 s9, $0xF7A;
	s5 =	simm.s32 @!p2 $0x0  }
0x1d: {  	s5 =	simm.s32 @p1 $0x1;
	p0 =	seq.s32 s7, s2  }
0x1e: {  	s7 =	smul.u32 @!p0 $0xF7A, s2;
	p2 =	seq.s32 @!p0 s5, $0x0  }
0x1f: {  	s9 =	smul.u32 $0xF7A, s1;
	s8 =	simm.s32 @!p0 $0x1BF5;
	p2 =	por !p2, p0  }
0x20: {  	[sflag:s8] =	ssyncset.s32 @!p0 $0xFFFFF086;
	s6 =	sadd.s32 @!p0 s3, s7;
	s7 =	simm.s32 @!p0 $0x108  }
0x21: {  	s3 =	sadd.s32 s3, s9;
	s6 =	sadd.s32 @!p0 $0x88, s6;
	s7 =	simm.s32 @p2 $0x1082  }
0x22: {  	[simem:s7], [sflag:s8] =	dma.local @!p0 [hbm:s6], $0xF7A  }
0x23: {  	s9 =	sor.u32 $0xD0000000, s2;
	s6 =	simm.s32 $0x108;
	_ =	swait.ge @!p0 [sflag:s8], $0x0  }
0x24: {  	s3 =	sadd.s32 $0x88, s3;
	s6 =	simm.s32 @!p1 $0x1082;
	[sflag:s4] =	ssyncset.s32 $0xFFFFF086  }
0x25: {  	[simem:s6], [sflag:s4] =	dma.local [hbm:s3], $0xF7A  }
0x26: {  	[smem:$0x3F9B] =	sst s1;
	(tag) =	ssettag s2;
	_ =	strace s9  }
0x27: {  	s1 =	sld [smem:$0x3FAB]  }
0x28: {  	s2 =	sld [smem:$0x3FAC]  }
0x29: {  	s4 =	sld [smem:$0x3FAE]  }
0x2a: {  	p0 =	seq.s32 s5, $0x0;
	s5 =	sld [smem:$0x3FAF]  }
0x2b: {  	s6 =	sld [smem:$0x3FB0]  }
0x2c: {  	s7 =	sld [smem:$0x3FB1]  }
0x2d: {  	s3 =	simm.s32 $0x108;
	s8 =	sld [smem:$0x3FB2]  }
0x2e: {  	s3 =	simm.s32 @!p0 $0x1082;
	s9 =	sld [smem:$0x3FB3]  }
0x2f: {  	lr =	sadd.s32 s0, s3;
	s0 =	sld [smem:$0x3FAA]  }
0x30: {  	s3 =	sld [smem:$0x3FAD]  }
0x31: {  	[smem:$0x3FB6] =	sst s10  }
0x32: {  	s10 =	sld [smem:$0x3FB4];
	_ =	sdelay $0x3  }
0x33: {  	p0 =	seq.s32 s10, $0x1;
	s10 =	sld [smem:$0x3FB6];
	_ =	sdelay $0x3  }
0x34: {  	[smem:$0x3FB6] =	sst s10  }
0x35: {  	s10 =	sld [smem:$0x3FB5];
	_ =	sdelay $0x3  }
0x36: {  	p1 =	seq.s32 s10, $0x1;
	s10 =	sld [smem:$0x3FB6];
	_ =	sdelay $0x3  }
0x37: {  	[smem:$0x3FB6] =	sst s10  }
0x38: {  	s10 =	sld [smem:$0x3FB7]  }
0x39: {  	_ = 	snop;
	(pc) =	sbr.ind lr, $3  }
0x3a: {  	_ = 	snop  }
0x3b: {  	_ = 	snop  }
0x3c: {  	p2 =	seq.s32 s10, $0x1;
	s10 =	sld [smem:$0x3FB6]  }
0x3d: {  	_ =	shalt  }
0x3e: {  	_ =	shalt  }
0x3f: {  	_ =	shalt  }
0x40: {  	_ =	shalt  }
0x41: {  	_ =	shalt  }
0x42: {  	_ =	shalt  }
0x43: {  	_ =	shalt  }
0x44: {  	_ =	shalt  }
0x45: {  	_ =	shalt  }
0x46: {  	_ =	shalt  }
0x47: {  	_ =	shalt  }
0x48: {  	_ =	shalt  }
0x49: {  	_ =	shalt  }
0x4a: {  	_ =	shalt  }
0x4b: {  	_ =	shalt  }
0x4c: {  	_ =	shalt  }
0x4d: {  	_ =	shalt  }
0x4e: {  	_ =	shalt  }
0x4f: {  	_ =	shalt  }
0x50: {  	_ =	shalt  }
0x51: {  	_ =	shalt  }
0x52: {  	_ =	shalt  }
0x53: {  	_ =	shalt  }
0x54: {  	_ =	shalt  }
0x55: {  	_ =	shalt  }
0x56: {  	_ =	shalt  }
0x57: {  	_ =	shalt  }
0x58: {  	_ =	shalt  }
0x59: {  	_ =	shalt  }
0x5a: {  	_ =	shalt  }
0x5b: {  	_ =	shalt  }
0x5c: {  	_ =	shalt  }
0x5d: {  	_ =	shalt  }
0x5e: {  	_ =	shalt  }
0x5f: {  	_ =	shalt  }
0x60: {  	_ =	shalt  }
0x61: {  	_ =	shalt  }
0x62: {  	_ =	shalt  }
0x63: {  	_ =	shalt  }
0x64: {  	_ =	shalt  }
0x65: {  	_ =	shalt  }
0x66: {  	_ =	shalt  }
0x67: {  	_ =	shalt  }
0x68: {  	_ =	shalt  }
0x69: {  	_ =	shalt  }
0x6a: {  	_ =	shalt  }
0x6b: {  	_ =	shalt  }
0x6c: {  	_ =	shalt  }
0x6d: {  	_ =	shalt  }
0x6e: {  	_ =	shalt  }
0x6f: {  	_ =	shalt  }
0x70: {  	_ =	shalt  }
0x71: {  	_ =	shalt  }
0x72: {  	_ =	shalt  }
0x73: {  	_ =	shalt  }
0x74: {  	_ =	shalt  }
0x75: {  	_ =	shalt  }
0x76: {  	_ =	shalt  }
0x77: {  	_ =	shalt  }
0x78: {  	_ =	shalt  }
0x79: {  	_ =	shalt  }
0x7a: {  	_ =	shalt  }
0x7b: {  	_ =	shalt  }
0x7c: {  	_ =	shalt  }
0x7d: {  	_ =	shalt  }
0x7e: {  	_ =	shalt  }
0x7f: {  	_ =	shalt  }
0x80: {  	_ =	shalt  }
0x81: {  	_ =	shalt  }
0x82: {  	_ =	shalt  }
0x83: {  	_ =	shalt  }
0x84: {  	_ =	shalt  }
0x85: {  	_ =	shalt  }
0x86: {  	_ =	shalt  }
0x87: {  	_ =	shalt  }
.Lfunc_end0:
.L_simem_size_0:
called_computation_lowered:
.L_overlay_start_0:
0x88: {  	s2 =	sld [smem:$0x3FD9]  }
0x89: {  	s3 =	sld [smem:$0x3FFE];
	_ =	sdelay $0x1  }
0x8a: {  	s1 =	srdreg.scid  }
0x8b: {  	s0 =	sand.u32 $0x1, s1  }
0x8c: {  	s14 =	sshll.u32 s0, $0xA;
	s2 =	sadd.s32 s3, s2  }
0x8d: {  	s2 =	sadd.s32 s2, s14  }
0x8e: {  	[smem:$0x3FC2] =	sst s2  }
0x8f: {  	_ = 	snop  }
0x90: {  	s2 =	sld [smem:$0x3FD0];
	_ =	sdelay $0x2  }
0x91: {  	s15 =	simm.s32 $0xA;
	s4 =	simm.s32 $0x10  }
0x92: {  	[smem:s4], [sflag:s15] =	dma.local [hbm:s2], $0x1  }
0x93: {  	_ =	swait.eq [sflag:s15], $0x1  }
0x94: {  	[sflag:s15] =	ssyncset.done $0x0  }
0x95: {  	[sflag:s15] =	ssyncadd.s32 $0xFFFFFFFF  }
0x96: {  	s16 =	sld [smem:$0x11];
	(tm) =	ssettm $0x1  }
0x97: {  	s17 =	sld [smem:$0x3FFB];
	_ =	sdelay $0x3  }
0x98: {  	_ =	strace s17  }
0x99: {  	s3 =	sld [smem:$0x3FFC];
	_ =	sdelay $0x3  }
0x9a: {  	_ =	strace s3  }
0x9b: {  	s3 =	sld [smem:$0x3FFD];
	_ =	sdelay $0x3  }
0x9c: {  	_ =	strace s3  }
0x9d: {  	_ =	strace $0x8FFFFFFF  }
0x9e: {  	s18 =	sld [smem:$0x3FDB];
	_ =	sdelay $0x1  }
0x9f: {  	s19 =	simm.s32 $_scs_section_size  }
0xa0: {  	s5 =	simm.s32 $_size__tile_overlayer_lowered;
	s6 =	simm.s32 $_tile_overlayer_lowered  }
0xa1: {  	s22 =	simm.s32 $0x1BFF;
	s21 =	sshll.u32 s6, $0x1;
	s3 =	sadd.s32 s19, s18  }
0xa2: {  	s7 =	simm.s32 $0x0;
	s20 =	sshll.u32 s5, $0x1;
	s5 =	sadd.s32 s21, s3  }
0xa3: {  	[timem:s7], [sflag:s22] =	dma.local [hbm:s5], s20  }
0xa4: {  	_ =	swait.ge [sflag:s22], s20  }
0xa5: {  	s4 =	ssub.s32 $0x0, s20;
	[sflag:s22] =	ssyncset.done $0x0  }
0xa6: {  	[sflag:s22] =	ssyncadd.s32 s4;
	_ =	sdelay $0x1  }
0xa7: {  	s23 =	simm.s32 $0x1B8B  }
0xa8: {  	_ =	swait.ge [sflag:s23], $0x1  }
0xa9: {  	[sflag:s23] =	ssyncset.done $0x0  }
0xaa: {  	s25 =	simm.s32 $0x1B8E;
	s24 =	sld [smem:$0x3FFE];
	[sflag:s23] =	ssyncadd.s32 $0xFFFFFFFF  }
0xab: {  	s26 =	simm.s32 $execute0_lowered;
	[smem:$0x3FD2] =	sst s25  }
0xac: {  	s5 =	sshll.u32 s26, $0x1;
	_ =	strace $0x80000046;
	[dreg:$0x1] =	wrdreg $0xFFFFFFFF  }
0xad: {  	s28 =	simm.s32 $_size_execute0_lowered;
	s3 =	sadd.s32 s3, s5;
	[dreg:$0x0] =	wrdreg $0x0  }
0xae: {  	s5 =	sshll.u32 s28, $0x1;
	[dreg:$0x2] =	wrdreg s3  }
0xaf: {  	[dreg:$0x3] =	wrdreg s5  }
0xb0: {  	[dreg:$0x4] =	wrdreg $0xC0  }
0xb1: {  	_ =	task [dreg:s7], $0x5FFFF  }
0xb2: {  	[dreg:$0x1] =	wrdreg $0xFFFFFFFF  }
0xb3: {  	[dreg:$0x0] =	wrdreg $0x60  }
0xb4: {  	[dreg:$0x2] =	wrdreg s24  }
0xb5: {  	[dreg:$0x3] =	wrdreg s16  }
0xb6: {  	[dreg:$0x4] =	wrdreg $0x9  }
0xb7: {  	_ =	task.clear_ibuf [dreg:s7], $0x5FFFF;
	_ =	strace $0x90000046  }
0xb8: {  	s29 =	simm.s32 $0x9;
	_ =	strace $0x80000048  }
0xb9: {  	_ =	swait.ge [sflag:s29], $0x1  }
0xba: {  	[sflag:s29] =	ssyncadd.s32 $0xFFFFFFFF  }
0xbb: {  	_ =	strace $0x90000048  }
0xbc: {  	_ =	sfence  }
0xbd: {  	s30 =	sld [smem:$0x0];
	_ =	sdelay $0x2  }
0xbe: {  	s31 =	sshll.u32 s1, $0xD;
	s1 =	sshrl.u32 s1, $0x2  }
0xbf: {  	s3 =	sand.u32 $0x4000, s31;
	s1 =	sadd.s32 s1, s30  }
0xc0: {  	s0 =	sor.u32 s3, s0;
	s1 =	sshll.u32 s1, $0x11  }
0xc1: {  	s0 =	sor.u32 s1, s0  }
0xc2: {  	s0 =	sadd.s32 $0x8F2B, s0  }
0xc3: {  	[sflag:s0] =	ssyncadd.remote.s32 $0x1  }
0xc4: {  	_ =	sfence.sel $0xFFFF  }
0xc5: {  	[dreg:$0x0] =	wrdreg $0xFFFFFFFF;
	(pc) =	sbr.abs _section_cstart, $3  }
0xc6: {  	[dreg:$0x1] =	wrdreg $0xFFFFFFFF  }
0xc7: {  	_ =	task.clear_ibuf [dreg:s7], $0x2FFFF;
	_ =	strace $0x9FFFFFFF  }
0xc8: {  	(tm) =	ssettm $0x7FFFFFFF  }
0xc9: {  	_ =	shalt  }
tec
execute0_lowered:
.L_overlay_start_1:
0x0: {  	(tag) =	ssettag $0x1  }
0x1: {  	s0 =	rddreg [dreg:$0x0]  }
0x2: {  	s1 =	srdreg.scid;
	s2 =	stileid.u32  }
0x3: {  	s7 =	rddreg [dreg:$0x1];
	s23 =	simm.s32 $0x0;
	s10 =	simm.s32 $0x7  }
0x4: {  	s12 =	simm.s32 $0x80;
	s14 =	simm.s32 $0x6A00;
	s16 =	simm.s32 $0xEA00  }
0x5: {  	s17 =	simm.s32 $0xAA00;
	s18 =	simm.s32 $0x12A00;
	s19 =	simm.s32 $0x1  }
0x6: {  	s20 =	simm.s32 $0x3;
	s21 =	simm.s32 $0x16A00;
	s22 =	simm.s32 $0x400  }
0x7: {  	s28 =	simm.s32 $0x5;
	s1 =	sand.u32 $0x1, s1;
	s3 =	sshll.u32 s2, $0x1  }
0x8: {  	s29 =	simm.s32 $0x6;
	s30 =	simm.s32 $0x0;
	s3 =	sor.u32 s1, s3  }
0x9: {  	s31 =	simm.s32 $0x0;
	[smem:$0x7FF] =	sst s23;
	s3 =	smul.u32 $0x1900, s3  }
0xa: {  	s4 =	sadd.s32 $0xCC400, s0;
	s5 =	sadd.s32 $0x8E00, s0;
	s6 =	sadd.s32 $0x18FA00, s0  }
0xb: {  	v0 =	vlaneseq.u32;
	s23 =	simm.s32 $0x8000;
	s1 =	ssub.s32 $0x2, s1;
	s8 =	sshrl.u32 s3, $0x3  }
0xc: {  	v1 =	vmul.u32 $0x80, v0;
	_ =	strace $0x80000047;
	s24 =	sshrl.u32 s1, $0x1;
	s9 =	sadd.s32 s8, s0  }
0xd: {  	v3 =	vor.u32 $0x10, v0;
	s0 =	ssub.s32 s1, s24;
	s25 =	sadd.s32 s7, s8;
	s24 =	simm.s32 $0x2  }
0xe: {  	v5 =	vor.u32 $0x20, v0;
	v7 =	vor.u32 $0x30, v0;
	v2 =	vor.u32 $0x800, v1;
	[dreg:$0x3] =	wrdreg s25;
	s26 =	sadd.s32 $0x2A00, s9;
	s9 =	smax.u32 s0, $0x1  }
0xf: {  	v4 =	vor.u32 $0x1000, v1;
	v6 =	vor.u32 $0x1800, v1;
	v8 =	vor.u32 $0x2000, v1;
	s25 =	simm.s32 $0x4;
	[dreg:$0x4] =	wrdreg s26;
	s26 =	simm.s32 $0x18A00  }
.LBB2_1:
0x10: {  	s0 =	simm.s32 $0x0;
	s1 =	rddreg [dreg:$0x3]  }
0x11: {  	[tilespmem:s0], [sflag:$0x7] =	stream.linear.gather [hbm4b:s1+s0], $0x1900, $0x38;
	[tilespmem:$0x1AA00] =	vst v63  }
0x12: {  	_ =	swait.ge [sflag:s10], $0x1900  }
0x13: {  	[sflag:s10] =	ssyncset.done $0x0  }
0x14: {  	s2 =	simm.s32 $0x1900;
	s15 =	rddreg [dreg:$0x4];
	[sflag:s10] =	ssyncadd.s32 $0xFFFFE700  }
0x15: {  	[tilespmem:s2], [sflag:$0x7] =	stream.linear.gather [hbm4b:s15+s0], $0x1900, $0x38;
	[tilespmem:$0x1AA00] =	vst v63  }
0x16: {  	_ =	swait.ge [sflag:s10], $0x1900  }
0x17: {  	[sflag:s10] =	ssyncset.done $0x0  }
0x18: {  	s0 =	simm.s32 $0x70;
	[sflag:s10] =	ssyncadd.s32 $0xFFFFE700  }
0x19: {  	v9 =	vld [tilespmem:s0+$0x1890]  }
0x1a: {  	v10 =	vld [tilespmem:s0+$0x18A0];
	_ =	sdelay $0x1  }
0x1b: {  	v11 =	vld [tilespmem:s0+$0x18B0];
	_ =	sdelay $0x1  }
0x1c: {  	v12 =	vld [tilespmem:s0+$0x18C0];
	vm0 =	vgt.s32 v9, $0x0  }
0x1d: {  	v9 =	vnsel vm0, $0x0, v9;
	vm0 =	vgt.s32 v10, $0x0  }
0x1e: {  	v13 =	vld [tilespmem:s0+$0x18D0];
	v9 =	vmin.u32 v9, $0x1869F;
	v10 =	vnsel vm0, $0x0, v10  }
0x1f: {  	vm0 =	vgt.s32 v11, $0x0;
	[tilespmem:s0+$0x1890] =	vst v9;
	v10 =	vmin.u32 v10, $0x1869F  }
0x20: {  	v14 =	vld [tilespmem:s0+$0x18E0];
	v11 =	vnsel vm0, $0x0, v11;
	v9 =	vshrl.u32 v9, $0x1;
	[tilespmem:s0+$0x18A0] =	vst v10  }
0x21: {  	vm0 =	vgt.s32 v12, $0x0;
	v11 =	vmin.u32 v11, $0x1869F;
	[tilespmem:s0+$0x4D90] =	vst v9  }
0x22: {  	v15 =	vld [tilespmem:s0+$0x18F0];
	v12 =	vnsel vm0, $0x0, v12;
	v10 =	vshrl.u32 v10, $0x1;
	[tilespmem:s0+$0x18B0] =	vst v11  }
0x23: {  	vm0 =	vgt.s32 v13, $0x0;
	v12 =	vmin.u32 v12, $0x1869F;
	[tilespmem:s0+$0x4DA0] =	vst v10  }
0x24: {  	v16 =	vld [tilespmem:s0+$0x1900];
	v13 =	vnsel vm0, $0x0, v13;
	v9 =	vshrl.u32 v11, $0x1;
	[tilespmem:s0+$0x18C0] =	vst v12  }
0x25: {  	vm0 =	vgt.s32 v14, $0x0;
	v13 =	vmin.u32 v13, $0x1869F;
	[tilespmem:s0+$0x4DB0] =	vst v9  }
0x26: {  	v14 =	vnsel vm0, $0x0, v14;
	v10 =	vshrl.u32 v12, $0x1;
	[tilespmem:s0+$0x18D0] =	vst v13  }
0x27: {  	v17 =	vld [tilespmem:s0+$0xFFFFFF90];
	vm0 =	vgt.s32 v15, $0x0;
	v14 =	vmin.u32 v14, $0x1869F;
	[tilespmem:s0+$0x4DC0] =	vst v10  }
0x28: {  	v18 =	vld [tilespmem:s0+$0xFFFFFFA0];
	v15 =	vnsel vm0, $0x0, v15;
	v9 =	vshrl.u32 v13, $0x1;
	[tilespmem:s0+$0x18E0] =	vst v14  }
0x29: {  	v19 =	vld [tilespmem:s0+$0xFFFFFFB0];
	vm0 =	vgt.s32 v16, $0x0;
	v15 =	vmin.u32 v15, $0x1869F;
	[tilespmem:s0+$0x4DD0] =	vst v9  }
0x2a: {  	v20 =	vld [tilespmem:s0+$0xFFFFFFC0];
	v16 =	vnsel vm0, $0x0, v16;
	v10 =	vshrl.u32 v14, $0x1;
	[tilespmem:s0+$0x18F0] =	vst v15  }
0x2b: {  	v21 =	vld [tilespmem:s0+$0xFFFFFFD0];
	v16 =	vmin.u32 v16, $0x1869F;
	[tilespmem:s0+$0x4DE0] =	vst v10  }
0x2c: {  	v22 =	vld [tilespmem:s0+$0xFFFFFFE0];
	v9 =	vshrl.u32 v15, $0x1;
	[tilespmem:s0+$0x1900] =	vst v16  }
0x2d: {  	v23 =	vld [tilespmem:s0+$0xFFFFFFF0];
	v10 =	vshrl.u32 v16, $0x1;
	[tilespmem:s0+$0x4DF0] =	vst v9  }
0x2e: {  	s1 =	simm.s32 $0xF0;
	v24 =	vld [tilespmem:s0+$0x0];
	v9 =	vshra.s32 v17, $0x1;
	[tilespmem:s0+$0x4E00] =	vst v10  }
0x2f: {  	v15 =	vld [tilespmem:s1+$0x1890];
	[tilespmem:s0+$0x3190] =	vst v9;
	v9 =	vshra.s32 v18, $0x1  }
0x30: {  	v13 =	vld [tilespmem:s1+$0x18A0];
	[tilespmem:s0+$0x31A0] =	vst v9;
	v9 =	vshra.s32 v19, $0x1  }
0x31: {  	v12 =	vld [tilespmem:s1+$0x18B0];
	[tilespmem:s0+$0x31B0] =	vst v9;
	v9 =	vshra.s32 v20, $0x1  }
0x32: {  	v11 =	vld [tilespmem:s1+$0x18C0];
	[tilespmem:s0+$0x31C0] =	vst v9;
	v9 =	vshra.s32 v21, $0x1  }
0x33: {  	v17 =	vshra.s32 v22, $0x1;
	v10 =	vld [tilespmem:s1+$0x18D0];
	[tilespmem:s0+$0x31D0] =	vst v9  }
0x34: {  	s11 =	simm.s32 $0x5C0;
	v14 =	vshra.s32 v24, $0x1;
	v16 =	vshra.s32 v23, $0x1;
	v9 =	vld [tilespmem:s1+$0x18E0];
	vm0 =	vgt.s32 v15, $0x0;
	[tilespmem:s0+$0x31E0] =	vst v17  }
.LBB2_2:
0x35: {  	p0 =	sne.s32 s11, $0x63C0;
	v15 =	vnsel vm0, $0x0, v15;
	vm0 =	vgt.s32 v13, $0x0;
	v17 =	vld [tilespmem:s1+$0x18F0];
	[tilespmem:s0+$0x31F0] =	vst v16  }
0x36: {  	v15 =	vmin.u32 v15, $0x1869F;
	v13 =	vnsel vm0, $0x0, v13;
	vm0 =	vgt.s32 v12, $0x0;
	v16 =	vld [tilespmem:s1+$0x1900];
	[tilespmem:s0+$0x3200] =	vst v14;
	s0 =	smov.u32 s1  }
0x37: {  	[tilespmem:s0+$0x1890] =	vst v15;
	v14 =	vld [tilespmem:s0+$0xFFFFFF90];
	v13 =	vmin.u32 v13, $0x1869F;
	v12 =	vnsel vm0, $0x0, v12;
	vm0 =	vgt.s32 v11, $0x0  }
0x38: {  	[tilespmem:s0+$0x18A0] =	vst v13;
	v18 =	vld [tilespmem:s0+$0xFFFFFFA0];
	v12 =	vmin.u32 v12, $0x1869F;
	v11 =	vnsel vm0, $0x0, v11;
	vm0 =	vgt.s32 v10, $0x0  }
0x39: {  	[tilespmem:s0+$0x18B0] =	vst v12;
	v19 =	vld [tilespmem:s0+$0xFFFFFFB0];
	v11 =	vmin.u32 v11, $0x1869F;
	v10 =	vnsel vm0, $0x0, v10;
	vm0 =	vgt.s32 v9, $0x0  }
0x3a: {  	[tilespmem:s0+$0x18C0] =	vst v11;
	v20 =	vld [tilespmem:s0+$0xFFFFFFC0];
	v10 =	vmin.u32 v10, $0x1869F;
	v9 =	vnsel vm0, $0x0, v9;
	vm0 =	vgt.s32 v17, $0x0  }
0x3b: {  	[tilespmem:s0+$0x18D0] =	vst v10;
	v21 =	vld [tilespmem:s0+$0xFFFFFFD0];
	v9 =	vmin.u32 v9, $0x1869F;
	v17 =	vnsel vm0, $0x0, v17;
	vm0 =	vgt.s32 v16, $0x0  }
0x3c: {  	v15 =	vshrl.u32 v15, $0x1;
	[tilespmem:s0+$0x18E0] =	vst v9;
	v22 =	vld [tilespmem:s0+$0xFFFFFFE0];
	v17 =	vmin.u32 v17, $0x1869F;
	v16 =	vnsel vm0, $0x0, v16  }
0x3d: {  	v13 =	vshrl.u32 v13, $0x1;
	v12 =	vshrl.u32 v12, $0x1;
	[tilespmem:s0+$0x18F0] =	vst v17;
	v23 =	vld [tilespmem:s0+$0xFFFFFFF0];
	v16 =	vmin.u32 v16, $0x1869F  }
0x3e: {  	v11 =	vshrl.u32 v11, $0x1;
	v10 =	vshrl.u32 v10, $0x1;
	v9 =	vshrl.u32 v9, $0x1;
	[tilespmem:s0+$0x1900] =	vst v16;
	v24 =	vld [tilespmem:s0+$0x0]  }
0x3f: {  	v25 =	vshra.s32 v14, $0x1;
	[tilespmem:s0+$0x4D90] =	vst v15;
	v15 =	vshrl.u32 v17, $0x1;
	v17 =	vshrl.u32 v16, $0x1  }
0x40: {  	v18 =	vshra.s32 v18, $0x1;
	v19 =	vshra.s32 v19, $0x1;
	v20 =	vshra.s32 v20, $0x1;
	[tilespmem:s0+$0x4DA0] =	vst v13  }
0x41: {  	v21 =	vshra.s32 v21, $0x1;
	[tilespmem:s0+$0x4DB0] =	vst v12;
	v22 =	vshra.s32 v22, $0x1  }
0x42: {  	[tilespmem:s0+$0x4DC0] =	vst v11;
	v16 =	vshra.s32 v23, $0x1  }
0x43: {  	[tilespmem:s0+$0x4DD0] =	vst v10;
	v14 =	vshra.s32 v24, $0x1  }
0x44: {  	[tilespmem:s0+$0x4DE0] =	vst v9  }
0x45: {  	[tilespmem:s0+$0x4DF0] =	vst v15  }
0x46: {  	s1 =	sshra.s32 s11, $0x2;
	[tilespmem:s0+$0x4E00] =	vst v17  }
0x47: {  	v15 =	vld [tilespmem:s1+$0x1890];
	[tilespmem:s0+$0x3190] =	vst v25  }
.Ltmp0:
0x48: {  	v13 =	vld [tilespmem:s1+$0x18A0];
	[tilespmem:s0+$0x31A0] =	vst v18;
	(pc) =	sbr.rel @p0 .LBB2_2-.Ltmp0, $4  }
0x49: {  	v12 =	vld [tilespmem:s1+$0x18B0];
	[tilespmem:s0+$0x31B0] =	vst v19  }
0x4a: {  	v11 =	vld [tilespmem:s1+$0x18C0];
	[tilespmem:s0+$0x31C0] =	vst v20  }
0x4b: {  	v10 =	vld [tilespmem:s1+$0x18D0];
	[tilespmem:s0+$0x31D0] =	vst v21  }
0x4c: {  	s11 =	sadd.s32 $0x200, s11;
	vm0 =	vgt.s32 v15, $0x0;
	v9 =	vld [tilespmem:s1+$0x18E0];
	[tilespmem:s0+$0x31E0] =	vst v22  }
0x4d: {  	v17 =	vld [tilespmem:s1+$0x18F0];
	[tilespmem:s0+$0x31F0] =	vst v16;
	v15 =	vnsel vm0, $0x0, v15;
	vm9 =	vgt.s32 v13, $0x0  }
0x4e: {  	v16 =	vld [tilespmem:s1+$0x1900];
	v15 =	vmin.u32 v15, $0x1869F;
	[tilespmem:s0+$0x3200] =	vst v14;
	v13 =	vnsel vm9, $0x0, v13  }
0x4f: {  	vm10 =	vgt.s32 v12, $0x0;
	[tilespmem:s1+$0x1890] =	vst v15;
	v13 =	vmin.u32 v13, $0x1869F  }
0x50: {  	v12 =	vnsel vm10, $0x0, v12;
	v15 =	vshrl.u32 v15, $0x1;
	[tilespmem:s1+$0x18A0] =	vst v13  }
0x51: {  	vm11 =	vgt.s32 v11, $0x0;
	v12 =	vmin.u32 v12, $0x1869F;
	[tilespmem:s1+$0x4D90] =	vst v15  }
0x52: {  	v11 =	vnsel vm11, $0x0, v11;
	v13 =	vshrl.u32 v13, $0x1;
	[tilespmem:s1+$0x18B0] =	vst v12  }
0x53: {  	vm12 =	vgt.s32 v10, $0x0;
	v11 =	vmin.u32 v11, $0x1869F;
	[tilespmem:s1+$0x4DA0] =	vst v13  }
0x54: {  	v10 =	vnsel vm12, $0x0, v10;
	v12 =	vshrl.u32 v12, $0x1;
	[tilespmem:s1+$0x18C0] =	vst v11  }
0x55: {  	vm13 =	vgt.s32 v9, $0x0;
	v10 =	vmin.u32 v10, $0x1869F;
	[tilespmem:s1+$0x4DB0] =	vst v12  }
0x56: {  	v9 =	vnsel vm13, $0x0, v9;
	v11 =	vshrl.u32 v11, $0x1;
	[tilespmem:s1+$0x18D0] =	vst v10  }
0x57: {  	vm14 =	vgt.s32 v17, $0x0;
	v9 =	vmin.u32 v9, $0x1869F;
	[tilespmem:s1+$0x4DC0] =	vst v11  }
0x58: {  	v17 =	vnsel vm14, $0x0, v17;
	v10 =	vshrl.u32 v10, $0x1;
	[tilespmem:s1+$0x18E0] =	vst v9  }
0x59: {  	v14 =	vld [tilespmem:s1+$0xFFFFFF90];
	vm15 =	vgt.s32 v16, $0x0;
	v17 =	vmin.u32 v17, $0x1869F;
	[tilespmem:s1+$0x4DD0] =	vst v10  }
0x5a: {  	v18 =	vld [tilespmem:s1+$0xFFFFFFA0];
	v16 =	vnsel vm15, $0x0, v16;
	v9 =	vshrl.u32 v9, $0x1;
	[tilespmem:s1+$0x18F0] =	vst v17  }
0x5b: {  	v19 =	vld [tilespmem:s1+$0xFFFFFFB0];
	v16 =	vmin.u32 v16, $0x1869F;
	[tilespmem:s1+$0x4DE0] =	vst v9  }
0x5c: {  	v20 =	vld [tilespmem:s1+$0xFFFFFFC0];
	v10 =	vshrl.u32 v17, $0x1;
	[tilespmem:s1+$0x1900] =	vst v16  }
0x5d: {  	v21 =	vld [tilespmem:s1+$0xFFFFFFD0];
	v9 =	vshrl.u32 v16, $0x1;
	[tilespmem:s1+$0x4DF0] =	vst v10  }
0x5e: {  	v22 =	vld [tilespmem:s1+$0xFFFFFFE0];
	v10 =	vshra.s32 v14, $0x1;
	[tilespmem:s1+$0x4E00] =	vst v9  }
0x5f: {  	v23 =	vld [tilespmem:s1+$0xFFFFFFF0];
	v9 =	vshra.s32 v18, $0x1;
	[tilespmem:s1+$0x3190] =	vst v10  }
0x60: {  	v24 =	vld [tilespmem:s1+$0x0];
	v10 =	vshra.s32 v19, $0x1;
	[tilespmem:s1+$0x31A0] =	vst v9  }
0x61: {  	v9 =	vshra.s32 v20, $0x1;
	[tilespmem:s1+$0x31B0] =	vst v10  }
0x62: {  	v10 =	vshra.s32 v21, $0x1;
	[tilespmem:s1+$0x31C0] =	vst v9  }
0x63: {  	v9 =	vshra.s32 v22, $0x1;
	[tilespmem:s1+$0x31D0] =	vst v10  }
0x64: {  	v10 =	vshra.s32 v23, $0x1;
	[tilespmem:s1+$0x31E0] =	vst v9  }
0x65: {  	v9 =	vshra.s32 v24, $0x1;
	[tilespmem:s1+$0x31F0] =	vst v10  }
0x66: {  	s13 =	simm.s32 $0x3200;
	[tilespmem:s1+$0x3200] =	vst v9  }
0x67: {  	[tilespmem:s14], [sflag:$0x1] =	stream.indirect.gather [hbm4b:s4+s12], $0x80, s13, s12, $0xb8;
	[tilespmem:$0x1AA00] =	vst v63  }
0x68: {  	s15 =	simm.s32 $0x4E00;
	s1 =	simm.s32 $0x0  }
0x69: {  	[tilespmem:s16], [sflag:$0x3] =	stream.indirect.gather [hbm4b:s5+s12], $0x80, s15, s12, $0xb8;
	[tilespmem:$0x1AA00] =	vst v63  }
.LBB2_4:
0x6a: {  	s11 =	sshll.u32 s1, $0x8  }
0x6b: {  	s0 =	sadd.s32 $0x3280, s11  }
0x6c: {  	[tilespmem:s17], [sflag:$0x2] =	stream.indirect.gather [hbm4b:s4+s12], $0x80, s0, s12, $0xb8;
	[tilespmem:$0x1AA00] =	vst v63  }
0x6d: {  	s13 =	sadd.s32 $0x4E80, s11  }
0x6e: {  	[tilespmem:s18], [sflag:$0x4] =	stream.indirect.gather [hbm4b:s5+s12], $0x80, s13, s12, $0xb8;
	[tilespmem:$0x1AA00] =	vst v63  }
0x6f: {  	_ =	swait.ge [sflag:s19], $0x4000  }
0x70: {  	[sflag:s19] =	ssyncset.done $0x0  }
0x71: {  	[sflag:s19] =	ssyncadd.s32 $0xFFFFC000  }
0x72: {  	_ =	swait.ge [sflag:s20], $0x4000  }
0x73: {  	p0 =	seq.s32 s1, $0x0;
	[sflag:s20] =	ssyncset.done $0x0  }
0x74: {  	s0 =	simm.s32 @!p0 $0x5;
	[sflag:s20] =	ssyncadd.s32 $0xFFFFC000  }
0x75: {  	_ =	swait.ge @!p0 [sflag:s0], $0x2000  }
0x76: {  	[sflag:s0] =	ssyncset.done @!p0 $0x0  }
0x77: {  	[sflag:s0] =	ssyncadd.s32 @!p0 $0xFFFFE000  }
0x78: {  	v10 =	vld [tilespmem:s11+$0x1900]  }
0x79: {  	v9 =	vld [tilespmem:s11+$0x0];
	_ =	sdelay $0x1  }
0x7a: {  	s15 =	simm.s32 $0x4  }
0x7b: {  	v11 =	vadd.s32 s31, v0;
	s2 =	simm.s32 $0x2;
	v12 =	vadd.s32 s15, v0  }
0x7c: {  	s8 =	simm.s32 $0x7;
	v11 =	vand.u32 $0x3F, v11;
	v19 =	vadd.s32 s2, v0;
	v10 =	vshll.u32 v10, $0x6  }
0x7d: {  	v15 =	vadd.s32 s8, v0;
	v9 =	vshll.u32 v9, $0x6;
	v10 =	vand.u32 $0x40, v10  }
0x7e: {  	s7 =	simm.s32 $0x5;
	v16 =	vand.u32 $0x3F, v12;
	v9 =	vand.u32 $0x40, v9;
	v10 =	vor.u32 v1, v10  }
0x7f: {  	v12 =	vadd.s32 s7, v0;
	v9 =	vor.u32 v1, v9;
	v14 =	vor.u32 v16, v10  }
0x80: {  	v20 =	vshll.u32 v11, $0x7;
	v21 =	vand.u32 $0x3F, v15;
	v17 =	vor.u32 v11, v9  }
0x81: {  	s15 =	simm.s32 $0x6;
	v19 =	vand.u32 $0x3F, v19;
	v18 =	vand.u32 $0x3F, v12;
	v11 =	vor.u32 v11, v10  }
0x82: {  	v12 =	vadd.s32 s15, v0;
	v30 =	vshll.u32 v16, $0x7;
	s13 =	simm.s32 $0x1;
	v22 =	vor.u32 v21, v9  }
0x83: {  	v38 =	vshll.u32 v21, $0x7;
	v13 =	vadd.s32 s13, v0;
	s13 =	simm.s32 $0x3;
	v25 =	vor.u32 v18, v9  }
0x84: {  	v23 =	vand.u32 $0x3F, v12;
	v15 =	vadd.s32 s13, v0;
	v27 =	vor.u32 v18, v10;
	v12 =	vld.idx.msk [tilespmem:v14+s16+$0x0], $0xffff  }
0x85: {  	v26 =	vor.u32 v0, v20;
	v34 =	vand.u32 $0x3F, v15;
	v31 =	vor.u32 v21, v10;
	v36 =	vld.idx.msk [tilespmem:v17+s14+$0x0], $0xffff  }
0x86: {  	v32 =	vshll.u32 v19, $0x7;
	v33 =	vshll.u32 v18, $0x7;
	v37 =	vld.idx.msk [tilespmem:v11+s16+$0x0], $0xffff;
	v11 =	vor.u32 v34, v10  }
0x87: {  	v35 =	vshll.u32 v23, $0x7;
	v13 =	vand.u32 $0x3F, v13;
	v24 =	vor.u32 v16, v9;
	v17 =	vld.idx.msk [tilespmem:v22+s14+$0x0], $0xffff  }
0x88: {  	v18 =	vor.u32 v23, v9;
	v15 =	vor.u32 v23, v10;
	v28 =	vor.u32 v13, v10;
	v22 =	vld.idx.msk [tilespmem:v25+s14+$0x0], $0xffff  }
0x89: {  	v23 =	vor.u32 v13, v9;
	v21 =	vor.u32 v19, v9;
	v29 =	vor.u32 v19, v10;
	v27 =	vld.idx.msk [tilespmem:v27+s16+$0x0], $0xffff  }
0x8a: {  	v19 =	vshll.u32 v34, $0x7;
	v14 =	vor.u32 v34, v9;
	v25 =	vor.u32 v0, v33;
	v20 =	vld.idx.msk [tilespmem:v31+s16+$0x0], $0xffff  }
0x8b: {  	v31 =	vshll.u32 v13, $0x7;
	v13 =	vor.u32 v0, v35;
	v16 =	vld.idx.msk [tilespmem:v11+s16+$0x0], $0xffff;
	v11 =	vor.u32 v0, v19  }
0x8c: {  	s13 =	simm.s32 $0x8;
	s0 =	sor.u32 $0x80, s11;
	v33 =	vadd.f32 v37, v36;
	v19 =	vor.u32 v0, v31;
	v31 =	vld.idx.msk [tilespmem:v24+s14+$0x0], $0xffff;
	v24 =	vor.u32 v0, v38  }
.LBB2_5:
0x8d: {  	v34 =	vadd.s32 s13, v0;
	s15 =	sadd.s32 $0x1, s13;
	s2 =	sadd.s32 $0x2, s13;
	s7 =	sadd.s32 $0x3, s13;
	v28 =	vld.idx.msk [tilespmem:v28+s16+$0x0], $0xffff;
	v32 =	vor.u32 v0, v32;
	v30 =	vor.u32 v0, v30  }
0x8e: {  	s8 =	sadd.s32 $0x6, s13;
	v34 =	vand.u32 $0x3F, v34;
	v35 =	vadd.s32 s15, v0;
	v36 =	vadd.s32 s2, v0;
	s2 =	sadd.s32 $0x4, s13;
	s15 =	sadd.s32 $0x5, s13;
	[tilespmem:v26+s21+$0x0] =	vst.idx.msk $0xffff, v33;
	v23 =	vld.idx.msk [tilespmem:v23+s14+$0x0], $0xffff  }
0x8f: {  	p1 =	slt.u32 s13, $0x38;
	v22 =	vadd.f32 v27, v22;
	v26 =	vadd.s32 s2, v0;
	v33 =	vadd.s32 s15, v0;
	s2 =	sadd.s32 $0x7, s13;
	s13 =	sadd.s32 $0x8, s13;
	v29 =	vld.idx.msk [tilespmem:v29+s16+$0x0], $0xffff  }
0x90: {  	v27 =	vshll.u32 v34, $0x7;
	v35 =	vand.u32 $0x3F, v35;
	v37 =	vadd.s32 s2, v0;
	v38 =	vld.idx.msk [tilespmem:v18+s14+$0x0], $0xffff  }
0x91: {  	v39 =	vadd.s32 s8, v0;
	v18 =	vadd.s32 s7, v0;
	v26 =	vand.u32 $0x3F, v26;
	v21 =	vld.idx.msk [tilespmem:v21+s14+$0x0], $0xffff;
	[tilespmem:v25+s21+$0x0] =	vst.idx.msk $0xffff, v22  }
0x92: {  	v22 =	vor.u32 v26, v10;
	v25 =	vand.u32 $0x3F, v37;
	v12 =	vadd.f32 v12, v31;
	v31 =	vld.idx.msk [tilespmem:v15+s16+$0x0], $0xffff  }
0x93: {  	v15 =	vor.u32 v34, v9;
	v34 =	vor.u32 v34, v10;
	v37 =	vld.idx.msk [tilespmem:v14+s14+$0x0], $0xffff;
	v14 =	vadd.f32 v20, v17  }
0x94: {  	v40 =	vor.u32 v26, v9;
	v17 =	vand.u32 $0x3F, v39;
	v20 =	vor.u32 v25, v9;
	[tilespmem:v30+s21+$0x0] =	vst.idx.msk $0xffff, v12  }
0x95: {  	v23 =	vadd.f32 v28, v23;
	v12 =	vand.u32 $0x3F, v33;
	v33 =	vor.u32 v25, v10;
	[tilespmem:v24+s21+$0x0] =	vst.idx.msk $0xffff, v14  }
0x96: {  	v24 =	vor.u32 v12, v9;
	v39 =	vor.u32 v12, v10;
	v41 =	vshll.u32 v12, $0x7  }
0x97: {  	v42 =	vand.u32 $0x3F, v18;
	v43 =	vshll.u32 v17, $0x7;
	v12 =	vld.idx.msk [tilespmem:v22+s16+$0x0], $0xffff;
	[tilespmem:v19+s21+$0x0] =	vst.idx.msk $0xffff, v23;
	v19 =	vadd.f32 v29, v21  }
0x98: {  	v18 =	vor.u32 v17, v9;
	v21 =	vadd.f32 v31, v38;
	v44 =	vld.idx.msk [tilespmem:v15+s14+$0x0], $0xffff;
	v15 =	vor.u32 v17, v10  }
0x99: {  	v14 =	vor.u32 v42, v9;
	v16 =	vadd.f32 v16, v37;
	v31 =	vld.idx.msk [tilespmem:v34+s16+$0x0], $0xffff;
	v34 =	vor.u32 v42, v10  }
0x9a: {  	v28 =	vor.u32 v35, v10;
	v23 =	vor.u32 v35, v9;
	v17 =	vld.idx.msk [tilespmem:v20+s14+$0x0], $0xffff;
	[tilespmem:v32+s21+$0x0] =	vst.idx.msk $0xffff, v19  }
.Ltmp1:
0x9b: {  	v30 =	vshll.u32 v26, $0x7;
	v19 =	vand.u32 $0x3F, v36;
	v22 =	vld.idx.msk [tilespmem:v24+s14+$0x0], $0xffff;
	v24 =	vshll.u32 v25, $0x7;
	[tilespmem:v13+s21+$0x0] =	vst.idx.msk $0xffff, v21;
	(pc) =	sbr.rel @p1 .LBB2_5-.Ltmp1, $4  }
0x9c: {  	v26 =	vor.u32 v0, v27;
	v21 =	vor.u32 v19, v9;
	v29 =	vor.u32 v19, v10;
	v27 =	vld.idx.msk [tilespmem:v39+s16+$0x0], $0xffff  }
0x9d: {  	v32 =	vshll.u32 v19, $0x7;
	v13 =	vshll.u32 v42, $0x7;
	v25 =	vor.u32 v0, v41;
	v20 =	vld.idx.msk [tilespmem:v33+s16+$0x0], $0xffff;
	[tilespmem:v11+s21+$0x0] =	vst.idx.msk $0xffff, v16  }
0x9e: {  	v19 =	vshll.u32 v35, $0x7;
	v11 =	vor.u32 v0, v13;
	v13 =	vor.u32 v0, v43;
	v16 =	vld.idx.msk [tilespmem:v34+s16+$0x0], $0xffff  }
0x9f: {  	v19 =	vor.u32 v0, v19;
	v24 =	vor.u32 v0, v24;
	v33 =	vadd.f32 v31, v44;
	v31 =	vld.idx.msk [tilespmem:v40+s14+$0x0], $0xffff  }
0xa0: {  	_ =	sdelay $0x3  }
0xa1: {  	v9 =	vld.idx.msk [tilespmem:v28+s16+$0x0], $0xffff  }
0xa2: {  	v10 =	vld.idx.msk [tilespmem:v23+s14+$0x0], $0xffff  }
0xa3: {  	v23 =	vld.idx.msk [tilespmem:v29+s16+$0x0], $0xffff  }
0xa4: {  	v18 =	vld.idx.msk [tilespmem:v18+s14+$0x0], $0xffff  }
0xa5: {  	v28 =	vor.u32 v0, v30;
	v21 =	vld.idx.msk [tilespmem:v21+s14+$0x0], $0xffff  }
0xa6: {  	v14 =	vld.idx.msk [tilespmem:v14+s14+$0x0], $0xffff;
	v22 =	vadd.f32 v27, v22  }
0xa7: {  	v15 =	vld.idx.msk [tilespmem:v15+s16+$0x0], $0xffff;
	v27 =	vor.u32 v0, v32;
	[tilespmem:v26+s21+$0x0] =	vst.idx.msk $0xffff, v33;
	v17 =	vadd.f32 v20, v17  }
0xa8: {  	[tilespmem:v25+s21+$0x0] =	vst.idx.msk $0xffff, v22;
	v12 =	vadd.f32 v12, v31  }
0xa9: {  	[tilespmem:v24+s21+$0x0] =	vst.idx.msk $0xffff, v17;
	v9 =	vadd.f32 v9, v10  }
0xaa: {  	v10 =	vadd.f32 v23, v21;
	[tilespmem:v28+s21+$0x0] =	vst.idx.msk $0xffff, v12  }
0xab: {  	v12 =	vadd.f32 v16, v14;
	[tilespmem:v19+s21+$0x0] =	vst.idx.msk $0xffff, v9  }
0xac: {  	v9 =	vadd.f32 v15, v18;
	[tilespmem:v27+s21+$0x0] =	vst.idx.msk $0xffff, v10  }
0xad: {  	[tilespmem:v11+s21+$0x0] =	vst.idx.msk $0xffff, v12  }
0xae: {  	[tilespmem:v13+s21+$0x0] =	vst.idx.msk $0xffff, v9  }
0xaf: {  	s2 =	sor.u32 $0x10, s11;
	v10 =	vld [tilespmem:s11+$0x1910]  }
0xb0: {  	v9 =	vld [tilespmem:s2+$0x0];
	_ =	sdelay $0x1  }
0xb1: {  	s15 =	simm.s32 $0x0;
	s13 =	simm.s32 $0x2  }
0xb2: {  	s7 =	simm.s32 $0x4;
	v19 =	vadd.s32 s13, v0;
	v11 =	vadd.s32 s15, v0  }
0xb3: {  	v12 =	vadd.s32 s7, v0;
	v19 =	vand.u32 $0x3F, v19;
	v10 =	vshll.u32 v10, $0x6  }
0xb4: {  	v11 =	vand.u32 $0x3F, v11;
	v9 =	vshll.u32 v9, $0x6;
	v10 =	vand.u32 $0x40, v10  }
0xb5: {  	s8 =	simm.s32 $0x1;
	v16 =	vand.u32 $0x3F, v12;
	v9 =	vand.u32 $0x40, v9;
	v10 =	vor.u32 v2, v10  }
0xb6: {  	s15 =	simm.s32 $0x5;
	v13 =	vadd.s32 s8, v0;
	s8 =	simm.s32 $0x7;
	v9 =	vor.u32 v2, v9;
	v14 =	vor.u32 v16, v10  }
0xb7: {  	v12 =	vadd.s32 s15, v0;
	v15 =	vadd.s32 s8, v0;
	v17 =	vor.u32 v11, v9  }
0xb8: {  	v20 =	vshll.u32 v11, $0x7;
	v21 =	vand.u32 $0x3F, v15;
	v11 =	vor.u32 v11, v10  }
0xb9: {  	s15 =	simm.s32 $0x6;
	v32 =	vshll.u32 v19, $0x7;
	v18 =	vand.u32 $0x3F, v12;
	v22 =	vor.u32 v21, v9  }
0xba: {  	s13 =	simm.s32 $0x3;
	v13 =	vand.u32 $0x3F, v13;
	v12 =	vadd.s32 s15, v0;
	v25 =	vor.u32 v18, v9  }
0xbb: {  	v15 =	vadd.s32 s13, v0;
	v24 =	vand.u32 $0x3F, v12;
	v27 =	vor.u32 v18, v10;
	v12 =	vld.idx.msk [tilespmem:v14+s16+$0x0], $0xffff  }
0xbc: {  	v30 =	vshll.u32 v16, $0x7;
	v34 =	vand.u32 $0x3F, v15;
	v31 =	vor.u32 v21, v10;
	v36 =	vld.idx.msk [tilespmem:v17+s14+$0x0], $0xffff  }
0xbd: {  	v63 =	vshll.u32 v18, $0x7;
	v26 =	vor.u32 v3, v20;
	v37 =	vld.idx.msk [tilespmem:v11+s16+$0x0], $0xffff;
	v11 =	vor.u32 v34, v10  }
0xbe: {  	v35 =	vshll.u32 v24, $0x7;
	v38 =	vshll.u32 v21, $0x7;
	v23 =	vor.u32 v16, v9;
	v17 =	vld.idx.msk [tilespmem:v22+s14+$0x0], $0xffff  }
0xbf: {  	v18 =	vor.u32 v24, v9;
	v15 =	vor.u32 v24, v10;
	v28 =	vor.u32 v13, v10;
	v22 =	vld.idx.msk [tilespmem:v25+s14+$0x0], $0xffff  }
0xc0: {  	v24 =	vor.u32 v13, v9;
	v21 =	vor.u32 v19, v9;
	v29 =	vor.u32 v19, v10;
	v27 =	vld.idx.msk [tilespmem:v27+s16+$0x0], $0xffff  }
0xc1: {  	v19 =	vshll.u32 v34, $0x7;
	v14 =	vor.u32 v34, v9;
	v25 =	vor.u32 v3, v63;
	v20 =	vld.idx.msk [tilespmem:v31+s16+$0x0], $0xffff  }
0xc2: {  	v31 =	vshll.u32 v13, $0x7;
	v13 =	vor.u32 v3, v35;
	v16 =	vld.idx.msk [tilespmem:v11+s16+$0x0], $0xffff;
	v11 =	vor.u32 v3, v19  }
0xc3: {  	s13 =	simm.s32 $0x8;
	v33 =	vadd.f32 v37, v36;
	v19 =	vor.u32 v3, v31;
	v31 =	vld.idx.msk [tilespmem:v23+s14+$0x0], $0xffff;
	v23 =	vor.u32 v3, v38  }
.LBB2_7:
0xc4: {  	v34 =	vadd.s32 s13, v0;
	s2 =	sadd.s32 $0x1, s13;
	s7 =	sadd.s32 $0x2, s13;
	s8 =	sadd.s32 $0x3, s13;
	v28 =	vld.idx.msk [tilespmem:v28+s16+$0x0], $0xffff;
	v32 =	vor.u32 v3, v32;
	v30 =	vor.u32 v3, v30  }
0xc5: {  	s15 =	sadd.s32 $0x6, s13;
	v34 =	vand.u32 $0x3F, v34;
	v35 =	vadd.s32 s2, v0;
	v36 =	vadd.s32 s7, v0;
	s2 =	sadd.s32 $0x4, s13;
	s7 =	sadd.s32 $0x5, s13;
	[tilespmem:v26+s21+$0x0] =	vst.idx.msk $0xffff, v33;
	v24 =	vld.idx.msk [tilespmem:v24+s14+$0x0], $0xffff  }
0xc6: {  	p1 =	slt.u32 s13, $0x38;
	v22 =	vadd.f32 v27, v22;
	v26 =	vadd.s32 s2, v0;
	v33 =	vadd.s32 s7, v0;
	s2 =	sadd.s32 $0x7, s13;
	s13 =	sadd.s32 $0x8, s13;
	v29 =	vld.idx.msk [tilespmem:v29+s16+$0x0], $0xffff  }
0xc7: {  	v27 =	vshll.u32 v34, $0x7;
	v35 =	vand.u32 $0x3F, v35;
	v37 =	vadd.s32 s2, v0;
	v38 =	vld.idx.msk [tilespmem:v18+s14+$0x0], $0xffff  }
0xc8: {  	v39 =	vadd.s32 s15, v0;
	v18 =	vadd.s32 s8, v0;
	v26 =	vand.u32 $0x3F, v26;
	v21 =	vld.idx.msk [tilespmem:v21+s14+$0x0], $0xffff;
	[tilespmem:v25+s21+$0x0] =	vst.idx.msk $0xffff, v22  }
0xc9: {  	v22 =	vor.u32 v26, v10;
	v25 =	vand.u32 $0x3F, v37;
	v12 =	vadd.f32 v12, v31;
	v31 =	vld.idx.msk [tilespmem:v15+s16+$0x0], $0xffff  }
0xca: {  	v15 =	vor.u32 v34, v9;
	v34 =	vor.u32 v34, v10;
	v37 =	vld.idx.msk [tilespmem:v14+s14+$0x0], $0xffff;
	v14 =	vadd.f32 v20, v17  }
0xcb: {  	v40 =	vor.u32 v26, v9;
	v17 =	vand.u32 $0x3F, v39;
	v20 =	vor.u32 v25, v9;
	[tilespmem:v30+s21+$0x0] =	vst.idx.msk $0xffff, v12  }
0xcc: {  	v24 =	vadd.f32 v28, v24;
	v12 =	vand.u32 $0x3F, v33;
	v33 =	vor.u32 v25, v10;
	[tilespmem:v23+s21+$0x0] =	vst.idx.msk $0xffff, v14  }
0xcd: {  	v23 =	vor.u32 v12, v9;
	v39 =	vor.u32 v12, v10;
	v41 =	vshll.u32 v12, $0x7  }
0xce: {  	v42 =	vand.u32 $0x3F, v18;
	v43 =	vshll.u32 v17, $0x7;
	v12 =	vld.idx.msk [tilespmem:v22+s16+$0x0], $0xffff;
	[tilespmem:v19+s21+$0x0] =	vst.idx.msk $0xffff, v24;
	v19 =	vadd.f32 v29, v21  }
0xcf: {  	v18 =	vor.u32 v17, v9;
	v21 =	vadd.f32 v31, v38;
	v44 =	vld.idx.msk [tilespmem:v15+s14+$0x0], $0xffff;
	v15 =	vor.u32 v17, v10  }
0xd0: {  	v14 =	vor.u32 v42, v9;
	v16 =	vadd.f32 v16, v37;
	v31 =	vld.idx.msk [tilespmem:v34+s16+$0x0], $0xffff;
	v34 =	vor.u32 v42, v10  }
0xd1: {  	v28 =	vor.u32 v35, v10;
	v24 =	vor.u32 v35, v9;
	v17 =	vld.idx.msk [tilespmem:v20+s14+$0x0], $0xffff;
	[tilespmem:v32+s21+$0x0] =	vst.idx.msk $0xffff, v19  }
.Ltmp2:
0xd2: {  	v30 =	vshll.u32 v26, $0x7;
	v19 =	vand.u32 $0x3F, v36;
	v22 =	vld.idx.msk [tilespmem:v23+s14+$0x0], $0xffff;
	v23 =	vshll.u32 v25, $0x7;
	[tilespmem:v13+s21+$0x0] =	vst.idx.msk $0xffff, v21;
	(pc) =	sbr.rel @p1 .LBB2_7-.Ltmp2, $4  }
0xd3: {  	v26 =	vor.u32 v3, v27;
	v21 =	vor.u32 v19, v9;
	v29 =	vor.u32 v19, v10;
	v27 =	vld.idx.msk [tilespmem:v39+s16+$0x0], $0xffff  }
0xd4: {  	v32 =	vshll.u32 v19, $0x7;
	v13 =	vshll.u32 v42, $0x7;
	v25 =	vor.u32 v3, v41;
	v20 =	vld.idx.msk [tilespmem:v33+s16+$0x0], $0xffff;
	[tilespmem:v11+s21+$0x0] =	vst.idx.msk $0xffff, v16  }
0xd5: {  	v19 =	vshll.u32 v35, $0x7;
	v11 =	vor.u32 v3, v13;
	v13 =	vor.u32 v3, v43;
	v16 =	vld.idx.msk [tilespmem:v34+s16+$0x0], $0xffff  }
0xd6: {  	v19 =	vor.u32 v3, v19;
	v23 =	vor.u32 v3, v23;
	v33 =	vadd.f32 v31, v44;
	v31 =	vld.idx.msk [tilespmem:v40+s14+$0x0], $0xffff  }
0xd7: {  	_ =	sdelay $0x3  }
0xd8: {  	v9 =	vld.idx.msk [tilespmem:v28+s16+$0x0], $0xffff  }
0xd9: {  	v10 =	vld.idx.msk [tilespmem:v24+s14+$0x0], $0xffff  }
0xda: {  	v24 =	vld.idx.msk [tilespmem:v29+s16+$0x0], $0xffff  }
0xdb: {  	v18 =	vld.idx.msk [tilespmem:v18+s14+$0x0], $0xffff  }
0xdc: {  	v28 =	vor.u32 v3, v30;
	v21 =	vld.idx.msk [tilespmem:v21+s14+$0x0], $0xffff  }
0xdd: {  	v14 =	vld.idx.msk [tilespmem:v14+s14+$0x0], $0xffff;
	v22 =	vadd.f32 v27, v22  }
0xde: {  	v15 =	vld.idx.msk [tilespmem:v15+s16+$0x0], $0xffff;
	v27 =	vor.u32 v3, v32;
	[tilespmem:v26+s21+$0x0] =	vst.idx.msk $0xffff, v33;
	v17 =	vadd.f32 v20, v17  }
0xdf: {  	[tilespmem:v25+s21+$0x0] =	vst.idx.msk $0xffff, v22;
	v12 =	vadd.f32 v12, v31  }
0xe0: {  	[tilespmem:v23+s21+$0x0] =	vst.idx.msk $0xffff, v17;
	v9 =	vadd.f32 v9, v10  }
0xe1: {  	v10 =	vadd.f32 v24, v21;
	[tilespmem:v28+s21+$0x0] =	vst.idx.msk $0xffff, v12  }
0xe2: {  	v12 =	vadd.f32 v16, v14;
	[tilespmem:v19+s21+$0x0] =	vst.idx.msk $0xffff, v9  }
0xe3: {  	v9 =	vadd.f32 v15, v18;
	[tilespmem:v27+s21+$0x0] =	vst.idx.msk $0xffff, v10  }
0xe4: {  	[tilespmem:v11+s21+$0x0] =	vst.idx.msk $0xffff, v12  }
0xe5: {  	[tilespmem:v13+s21+$0x0] =	vst.idx.msk $0xffff, v9  }
0xe6: {  	s2 =	sor.u32 $0x20, s11;
	v10 =	vld [tilespmem:s11+$0x1920]  }
0xe7: {  	v9 =	vld [tilespmem:s2+$0x0];
	_ =	sdelay $0x1  }
0xe8: {  	s15 =	simm.s32 $0x0;
	s13 =	simm.s32 $0x2  }
0xe9: {  	s7 =	simm.s32 $0x4;
	v19 =	vadd.s32 s13, v0;
	v11 =	vadd.s32 s15, v0  }
0xea: {  	v12 =	vadd.s32 s7, v0;
	v19 =	vand.u32 $0x3F, v19;
	v10 =	vshll.u32 v10, $0x6  }
0xeb: {  	v11 =	vand.u32 $0x3F, v11;
	v9 =	vshll.u32 v9, $0x6;
	v10 =	vand.u32 $0x40, v10  }
0xec: {  	s8 =	simm.s32 $0x1;
	v16 =	vand.u32 $0x3F, v12;
	v9 =	vand.u32 $0x40, v9;
	v10 =	vor.u32 v4, v10  }
0xed: {  	s15 =	simm.s32 $0x5;
	v13 =	vadd.s32 s8, v0;
	s8 =	simm.s32 $0x7;
	v9 =	vor.u32 v4, v9;
	v14 =	vor.u32 v16, v10  }
0xee: {  	v12 =	vadd.s32 s15, v0;
	v15 =	vadd.s32 s8, v0;
	v17 =	vor.u32 v11, v9  }
0xef: {  	v20 =	vshll.u32 v11, $0x7;
	v21 =	vand.u32 $0x3F, v15;
	v11 =	vor.u32 v11, v10  }
0xf0: {  	s15 =	simm.s32 $0x6;
	v32 =	vshll.u32 v19, $0x7;
	v18 =	vand.u32 $0x3F, v12;
	v22 =	vor.u32 v21, v9  }
0xf1: {  	s13 =	simm.s32 $0x3;
	v13 =	vand.u32 $0x3F, v13;
	v12 =	vadd.s32 s15, v0;
	v25 =	vor.u32 v18, v9  }
0xf2: {  	v15 =	vadd.s32 s13, v0;
	v24 =	vand.u32 $0x3F, v12;
	v27 =	vor.u32 v18, v10;
	v12 =	vld.idx.msk [tilespmem:v14+s16+$0x0], $0xffff  }
0xf3: {  	v30 =	vshll.u32 v16, $0x7;
	v34 =	vand.u32 $0x3F, v15;
	v31 =	vor.u32 v21, v10;
	v36 =	vld.idx.msk [tilespmem:v17+s14+$0x0], $0xffff  }
0xf4: {  	v63 =	vshll.u32 v18, $0x7;
	v26 =	vor.u32 v5, v20;
	v37 =	vld.idx.msk [tilespmem:v11+s16+$0x0], $0xffff;
	v11 =	vor.u32 v34, v10  }
0xf5: {  	v35 =	vshll.u32 v24, $0x7;
	v38 =	vshll.u32 v21, $0x7;
	v23 =	vor.u32 v16, v9;
	v17 =	vld.idx.msk [tilespmem:v22+s14+$0x0], $0xffff  }
0xf6: {  	v18 =	vor.u32 v24, v9;
	v15 =	vor.u32 v24, v10;
	v28 =	vor.u32 v13, v10;
	v22 =	vld.idx.msk [tilespmem:v25+s14+$0x0], $0xffff  }
0xf7: {  	v24 =	vor.u32 v13, v9;
	v21 =	vor.u32 v19, v9;
	v29 =	vor.u32 v19, v10;
	v27 =	vld.idx.msk [tilespmem:v27+s16+$0x0], $0xffff  }
0xf8: {  	v19 =	vshll.u32 v34, $0x7;
	v14 =	vor.u32 v34, v9;
	v25 =	vor.u32 v5, v63;
	v20 =	vld.idx.msk [tilespmem:v31+s16+$0x0], $0xffff  }
0xf9: {  	v31 =	vshll.u32 v13, $0x7;
	v13 =	vor.u32 v5, v35;
	v16 =	vld.idx.msk [tilespmem:v11+s16+$0x0], $0xffff;
	v11 =	vor.u32 v5, v19  }
0xfa: {  	s13 =	simm.s32 $0x8;
	v33 =	vadd.f32 v37, v36;
	v19 =	vor.u32 v5, v31;
	v31 =	vld.idx.msk [tilespmem:v23+s14+$0x0], $0xffff;
	v23 =	vor.u32 v5, v38  }
.LBB2_9:
0xfb: {  	v34 =	vadd.s32 s13, v0;
	s2 =	sadd.s32 $0x1, s13;
	s7 =	sadd.s32 $0x2, s13;
	s8 =	sadd.s32 $0x3, s13;
	v28 =	vld.idx.msk [tilespmem:v28+s16+$0x0], $0xffff;
	v32 =	vor.u32 v5, v32;
	v30 =	vor.u32 v5, v30  }
0xfc: {  	s15 =	sadd.s32 $0x6, s13;
	v34 =	vand.u32 $0x3F, v34;
	v35 =	vadd.s32 s2, v0;
	v36 =	vadd.s32 s7, v0;
	s2 =	sadd.s32 $0x4, s13;
	s7 =	sadd.s32 $0x5, s13;
	[tilespmem:v26+s21+$0x0] =	vst.idx.msk $0xffff, v33;
	v24 =	vld.idx.msk [tilespmem:v24+s14+$0x0], $0xffff  }
0xfd: {  	p1 =	slt.u32 s13, $0x38;
	v22 =	vadd.f32 v27, v22;
	v26 =	vadd.s32 s2, v0;
	v33 =	vadd.s32 s7, v0;
	s2 =	sadd.s32 $0x7, s13;
	s13 =	sadd.s32 $0x8, s13;
	v29 =	vld.idx.msk [tilespmem:v29+s16+$0x0], $0xffff  }
0xfe: {  	v27 =	vshll.u32 v34, $0x7;
	v35 =	vand.u32 $0x3F, v35;
	v37 =	vadd.s32 s2, v0;
	v38 =	vld.idx.msk [tilespmem:v18+s14+$0x0], $0xffff  }
0xff: {  	v39 =	vadd.s32 s15, v0;
	v18 =	vadd.s32 s8, v0;
	v26 =	vand.u32 $0x3F, v26;
	v21 =	vld.idx.msk [tilespmem:v21+s14+$0x0], $0xffff;
	[tilespmem:v25+s21+$0x0] =	vst.idx.msk $0xffff, v22  }
0x100: {  	v22 =	vor.u32 v26, v10;
	v25 =	vand.u32 $0x3F, v37;
	v12 =	vadd.f32 v12, v31;
	v31 =	vld.idx.msk [tilespmem:v15+s16+$0x0], $0xffff  }
0x101: {  	v15 =	vor.u32 v34, v9;
	v34 =	vor.u32 v34, v10;
	v37 =	vld.idx.msk [tilespmem:v14+s14+$0x0], $0xffff;
	v14 =	vadd.f32 v20, v17  }
0x102: {  	v40 =	vor.u32 v26, v9;
	v17 =	vand.u32 $0x3F, v39;
	v20 =	vor.u32 v25, v9;
	[tilespmem:v30+s21+$0x0] =	vst.idx.msk $0xffff, v12  }
0x103: {  	v24 =	vadd.f32 v28, v24;
	v12 =	vand.u32 $0x3F, v33;
	v33 =	vor.u32 v25, v10;
	[tilespmem:v23+s21+$0x0] =	vst.idx.msk $0xffff, v14  }
0x104: {  	v23 =	vor.u32 v12, v9;
	v39 =	vor.u32 v12, v10;
	v41 =	vshll.u32 v12, $0x7  }
0x105: {  	v42 =	vand.u32 $0x3F, v18;
	v43 =	vshll.u32 v17, $0x7;
	v12 =	vld.idx.msk [tilespmem:v22+s16+$0x0], $0xffff;
	[tilespmem:v19+s21+$0x0] =	vst.idx.msk $0xffff, v24;
	v19 =	vadd.f32 v29, v21  }
0x106: {  	v18 =	vor.u32 v17, v9;
	v21 =	vadd.f32 v31, v38;
	v44 =	vld.idx.msk [tilespmem:v15+s14+$0x0], $0xffff;
	v15 =	vor.u32 v17, v10  }
0x107: {  	v14 =	vor.u32 v42, v9;
	v16 =	vadd.f32 v16, v37;
	v31 =	vld.idx.msk [tilespmem:v34+s16+$0x0], $0xffff;
	v34 =	vor.u32 v42, v10  }
0x108: {  	v28 =	vor.u32 v35, v10;
	v24 =	vor.u32 v35, v9;
	v17 =	vld.idx.msk [tilespmem:v20+s14+$0x0], $0xffff;
	[tilespmem:v32+s21+$0x0] =	vst.idx.msk $0xffff, v19  }
.Ltmp3:
0x109: {  	v30 =	vshll.u32 v26, $0x7;
	v19 =	vand.u32 $0x3F, v36;
	v22 =	vld.idx.msk [tilespmem:v23+s14+$0x0], $0xffff;
	v23 =	vshll.u32 v25, $0x7;
	[tilespmem:v13+s21+$0x0] =	vst.idx.msk $0xffff, v21;
	(pc) =	sbr.rel @p1 .LBB2_9-.Ltmp3, $4  }
0x10a: {  	v26 =	vor.u32 v5, v27;
	v21 =	vor.u32 v19, v9;
	v29 =	vor.u32 v19, v10;
	v27 =	vld.idx.msk [tilespmem:v39+s16+$0x0], $0xffff  }
0x10b: {  	v32 =	vshll.u32 v19, $0x7;
	v13 =	vshll.u32 v42, $0x7;
	v25 =	vor.u32 v5, v41;
	v20 =	vld.idx.msk [tilespmem:v33+s16+$0x0], $0xffff;
	[tilespmem:v11+s21+$0x0] =	vst.idx.msk $0xffff, v16  }
0x10c: {  	v19 =	vshll.u32 v35, $0x7;
	v11 =	vor.u32 v5, v13;
	v13 =	vor.u32 v5, v43;
	v16 =	vld.idx.msk [tilespmem:v34+s16+$0x0], $0xffff  }
0x10d: {  	v19 =	vor.u32 v5, v19;
	v23 =	vor.u32 v5, v23;
	v33 =	vadd.f32 v31, v44;
	v31 =	vld.idx.msk [tilespmem:v40+s14+$0x0], $0xffff  }
0x10e: {  	_ =	sdelay $0x3  }
0x10f: {  	v9 =	vld.idx.msk [tilespmem:v28+s16+$0x0], $0xffff  }
0x110: {  	v10 =	vld.idx.msk [tilespmem:v24+s14+$0x0], $0xffff  }
0x111: {  	v24 =	vld.idx.msk [tilespmem:v29+s16+$0x0], $0xffff  }
0x112: {  	v18 =	vld.idx.msk [tilespmem:v18+s14+$0x0], $0xffff  }
0x113: {  	v28 =	vor.u32 v5, v30;
	v21 =	vld.idx.msk [tilespmem:v21+s14+$0x0], $0xffff  }
0x114: {  	v14 =	vld.idx.msk [tilespmem:v14+s14+$0x0], $0xffff;
	v22 =	vadd.f32 v27, v22  }
0x115: {  	v15 =	vld.idx.msk [tilespmem:v15+s16+$0x0], $0xffff;
	v27 =	vor.u32 v5, v32;
	[tilespmem:v26+s21+$0x0] =	vst.idx.msk $0xffff, v33;
	v17 =	vadd.f32 v20, v17  }
0x116: {  	[tilespmem:v25+s21+$0x0] =	vst.idx.msk $0xffff, v22;
	v12 =	vadd.f32 v12, v31  }
0x117: {  	[tilespmem:v23+s21+$0x0] =	vst.idx.msk $0xffff, v17;
	v9 =	vadd.f32 v9, v10  }
0x118: {  	v10 =	vadd.f32 v24, v21;
	[tilespmem:v28+s21+$0x0] =	vst.idx.msk $0xffff, v12  }
0x119: {  	v12 =	vadd.f32 v16, v14;
	[tilespmem:v19+s21+$0x0] =	vst.idx.msk $0xffff, v9  }
0x11a: {  	v9 =	vadd.f32 v15, v18;
	[tilespmem:v27+s21+$0x0] =	vst.idx.msk $0xffff, v10  }
0x11b: {  	[tilespmem:v11+s21+$0x0] =	vst.idx.msk $0xffff, v12  }
0x11c: {  	[tilespmem:v13+s21+$0x0] =	vst.idx.msk $0xffff, v9  }
0x11d: {  	s2 =	sor.u32 $0x30, s11;
	v10 =	vld [tilespmem:s11+$0x1930]  }
0x11e: {  	v9 =	vld [tilespmem:s2+$0x0];
	_ =	sdelay $0x1  }
0x11f: {  	s15 =	simm.s32 $0x0;
	s13 =	simm.s32 $0x2  }
0x120: {  	s7 =	simm.s32 $0x4;
	v19 =	vadd.s32 s13, v0;
	v11 =	vadd.s32 s15, v0  }
0x121: {  	v12 =	vadd.s32 s7, v0;
	v19 =	vand.u32 $0x3F, v19;
	v10 =	vshll.u32 v10, $0x6  }
0x122: {  	v11 =	vand.u32 $0x3F, v11;
	v9 =	vshll.u32 v9, $0x6;
	v10 =	vand.u32 $0x40, v10  }
0x123: {  	s8 =	simm.s32 $0x1;
	v16 =	vand.u32 $0x3F, v12;
	v9 =	vand.u32 $0x40, v9;
	v10 =	vor.u32 v6, v10  }
0x124: {  	s15 =	simm.s32 $0x5;
	v13 =	vadd.s32 s8, v0;
	s8 =	simm.s32 $0x7;
	v9 =	vor.u32 v6, v9;
	v14 =	vor.u32 v16, v10  }
0x125: {  	v12 =	vadd.s32 s15, v0;
	v15 =	vadd.s32 s8, v0;
	v17 =	vor.u32 v11, v9  }
0x126: {  	v20 =	vshll.u32 v11, $0x7;
	v21 =	vand.u32 $0x3F, v15;
	v11 =	vor.u32 v11, v10  }
0x127: {  	s15 =	simm.s32 $0x6;
	v32 =	vshll.u32 v19, $0x7;
	v18 =	vand.u32 $0x3F, v12;
	v22 =	vor.u32 v21, v9  }
0x128: {  	s13 =	simm.s32 $0x3;
	v13 =	vand.u32 $0x3F, v13;
	v12 =	vadd.s32 s15, v0;
	v25 =	vor.u32 v18, v9  }
0x129: {  	v15 =	vadd.s32 s13, v0;
	v24 =	vand.u32 $0x3F, v12;
	v27 =	vor.u32 v18, v10;
	v12 =	vld.idx.msk [tilespmem:v14+s16+$0x0], $0xffff  }
0x12a: {  	v30 =	vshll.u32 v16, $0x7;
	v34 =	vand.u32 $0x3F, v15;
	v31 =	vor.u32 v21, v10;
	v36 =	vld.idx.msk [tilespmem:v17+s14+$0x0], $0xffff  }
0x12b: {  	v63 =	vshll.u32 v18, $0x7;
	v26 =	vor.u32 v7, v20;
	v37 =	vld.idx.msk [tilespmem:v11+s16+$0x0], $0xffff;
	v11 =	vor.u32 v34, v10  }
0x12c: {  	v35 =	vshll.u32 v24, $0x7;
	v38 =	vshll.u32 v21, $0x7;
	v23 =	vor.u32 v16, v9;
	v17 =	vld.idx.msk [tilespmem:v22+s14+$0x0], $0xffff  }
0x12d: {  	v18 =	vor.u32 v24, v9;
	v15 =	vor.u32 v24, v10;
	v28 =	vor.u32 v13, v10;
	v22 =	vld.idx.msk [tilespmem:v25+s14+$0x0], $0xffff  }
0x12e: {  	v24 =	vor.u32 v13, v9;
	v21 =	vor.u32 v19, v9;
	v29 =	vor.u32 v19, v10;
	v27 =	vld.idx.msk [tilespmem:v27+s16+$0x0], $0xffff  }
0x12f: {  	v19 =	vshll.u32 v34, $0x7;
	v14 =	vor.u32 v34, v9;
	v25 =	vor.u32 v7, v63;
	v20 =	vld.idx.msk [tilespmem:v31+s16+$0x0], $0xffff  }
0x130: {  	v31 =	vshll.u32 v13, $0x7;
	v13 =	vor.u32 v7, v35;
	v16 =	vld.idx.msk [tilespmem:v11+s16+$0x0], $0xffff;
	v11 =	vor.u32 v7, v19  }
0x131: {  	s13 =	simm.s32 $0x8;
	v33 =	vadd.f32 v37, v36;
	v19 =	vor.u32 v7, v31;
	v31 =	vld.idx.msk [tilespmem:v23+s14+$0x0], $0xffff;
	v23 =	vor.u32 v7, v38  }
.LBB2_11:
0x132: {  	v34 =	vadd.s32 s13, v0;
	s2 =	sadd.s32 $0x1, s13;
	s7 =	sadd.s32 $0x2, s13;
	s8 =	sadd.s32 $0x3, s13;
	v28 =	vld.idx.msk [tilespmem:v28+s16+$0x0], $0xffff;
	v32 =	vor.u32 v7, v32;
	v30 =	vor.u32 v7, v30  }
0x133: {  	s15 =	sadd.s32 $0x6, s13;
	v34 =	vand.u32 $0x3F, v34;
	v35 =	vadd.s32 s2, v0;
	v36 =	vadd.s32 s7, v0;
	s2 =	sadd.s32 $0x4, s13;
	s7 =	sadd.s32 $0x5, s13;
	[tilespmem:v26+s21+$0x0] =	vst.idx.msk $0xffff, v33;
	v24 =	vld.idx.msk [tilespmem:v24+s14+$0x0], $0xffff  }
0x134: {  	p1 =	slt.u32 s13, $0x38;
	v22 =	vadd.f32 v27, v22;
	v26 =	vadd.s32 s2, v0;
	v33 =	vadd.s32 s7, v0;
	s2 =	sadd.s32 $0x7, s13;
	s13 =	sadd.s32 $0x8, s13;
	v29 =	vld.idx.msk [tilespmem:v29+s16+$0x0], $0xffff  }
0x135: {  	v27 =	vshll.u32 v34, $0x7;
	v35 =	vand.u32 $0x3F, v35;
	v37 =	vadd.s32 s2, v0;
	v38 =	vld.idx.msk [tilespmem:v18+s14+$0x0], $0xffff  }
0x136: {  	v39 =	vadd.s32 s15, v0;
	v18 =	vadd.s32 s8, v0;
	v26 =	vand.u32 $0x3F, v26;
	v21 =	vld.idx.msk [tilespmem:v21+s14+$0x0], $0xffff;
	[tilespmem:v25+s21+$0x0] =	vst.idx.msk $0xffff, v22  }
0x137: {  	v22 =	vor.u32 v26, v10;
	v25 =	vand.u32 $0x3F, v37;
	v12 =	vadd.f32 v12, v31;
	v31 =	vld.idx.msk [tilespmem:v15+s16+$0x0], $0xffff  }
0x138: {  	v15 =	vor.u32 v34, v9;
	v34 =	vor.u32 v34, v10;
	v37 =	vld.idx.msk [tilespmem:v14+s14+$0x0], $0xffff;
	v14 =	vadd.f32 v20, v17  }
0x139: {  	v40 =	vor.u32 v26, v9;
	v17 =	vand.u32 $0x3F, v39;
	v20 =	vor.u32 v25, v9;
	[tilespmem:v30+s21+$0x0] =	vst.idx.msk $0xffff, v12  }
0x13a: {  	v24 =	vadd.f32 v28, v24;
	v12 =	vand.u32 $0x3F, v33;
	v33 =	vor.u32 v25, v10;
	[tilespmem:v23+s21+$0x0] =	vst.idx.msk $0xffff, v14  }
0x13b: {  	v23 =	vor.u32 v12, v9;
	v39 =	vor.u32 v12, v10;
	v41 =	vshll.u32 v12, $0x7  }
0x13c: {  	v42 =	vand.u32 $0x3F, v18;
	v43 =	vshll.u32 v17, $0x7;
	v12 =	vld.idx.msk [tilespmem:v22+s16+$0x0], $0xffff;
	[tilespmem:v19+s21+$0x0] =	vst.idx.msk $0xffff, v24;
	v19 =	vadd.f32 v29, v21  }
0x13d: {  	v18 =	vor.u32 v17, v9;
	v21 =	vadd.f32 v31, v38;
	v44 =	vld.idx.msk [tilespmem:v15+s14+$0x0], $0xffff;
	v15 =	vor.u32 v17, v10  }
0x13e: {  	v14 =	vor.u32 v42, v9;
	v16 =	vadd.f32 v16, v37;
	v31 =	vld.idx.msk [tilespmem:v34+s16+$0x0], $0xffff;
	v34 =	vor.u32 v42, v10  }
0x13f: {  	v28 =	vor.u32 v35, v10;
	v24 =	vor.u32 v35, v9;
	v17 =	vld.idx.msk [tilespmem:v20+s14+$0x0], $0xffff;
	[tilespmem:v32+s21+$0x0] =	vst.idx.msk $0xffff, v19  }
.Ltmp4:
0x140: {  	v30 =	vshll.u32 v26, $0x7;
	v19 =	vand.u32 $0x3F, v36;
	v22 =	vld.idx.msk [tilespmem:v23+s14+$0x0], $0xffff;
	v23 =	vshll.u32 v25, $0x7;
	[tilespmem:v13+s21+$0x0] =	vst.idx.msk $0xffff, v21;
	(pc) =	sbr.rel @p1 .LBB2_11-.Ltmp4, $4  }
0x141: {  	v26 =	vor.u32 v7, v27;
	v21 =	vor.u32 v19, v9;
	v29 =	vor.u32 v19, v10;
	v27 =	vld.idx.msk [tilespmem:v39+s16+$0x0], $0xffff  }
0x142: {  	v32 =	vshll.u32 v19, $0x7;
	v13 =	vshll.u32 v42, $0x7;
	v25 =	vor.u32 v7, v41;
	v20 =	vld.idx.msk [tilespmem:v33+s16+$0x0], $0xffff;
	[tilespmem:v11+s21+$0x0] =	vst.idx.msk $0xffff, v16  }
0x143: {  	v19 =	vshll.u32 v35, $0x7;
	v11 =	vor.u32 v7, v13;
	v13 =	vor.u32 v7, v43;
	v16 =	vld.idx.msk [tilespmem:v34+s16+$0x0], $0xffff  }
0x144: {  	v19 =	vor.u32 v7, v19;
	v23 =	vor.u32 v7, v23;
	v33 =	vadd.f32 v31, v44;
	v31 =	vld.idx.msk [tilespmem:v40+s14+$0x0], $0xffff  }
0x145: {  	_ =	sdelay $0x3  }
0x146: {  	v9 =	vld.idx.msk [tilespmem:v28+s16+$0x0], $0xffff  }
0x147: {  	v10 =	vld.idx.msk [tilespmem:v24+s14+$0x0], $0xffff  }
0x148: {  	v24 =	vld.idx.msk [tilespmem:v29+s16+$0x0], $0xffff  }
0x149: {  	v18 =	vld.idx.msk [tilespmem:v18+s14+$0x0], $0xffff  }
0x14a: {  	v28 =	vor.u32 v7, v30;
	v21 =	vld.idx.msk [tilespmem:v21+s14+$0x0], $0xffff  }
0x14b: {  	v14 =	vld.idx.msk [tilespmem:v14+s14+$0x0], $0xffff;
	v22 =	vadd.f32 v27, v22  }
0x14c: {  	v15 =	vld.idx.msk [tilespmem:v15+s16+$0x0], $0xffff;
	v27 =	vor.u32 v7, v32;
	[tilespmem:v26+s21+$0x0] =	vst.idx.msk $0xffff, v33;
	v17 =	vadd.f32 v20, v17  }
0x14d: {  	[tilespmem:v25+s21+$0x0] =	vst.idx.msk $0xffff, v22;
	v12 =	vadd.f32 v12, v31  }
0x14e: {  	[tilespmem:v23+s21+$0x0] =	vst.idx.msk $0xffff, v17;
	v9 =	vadd.f32 v9, v10  }
0x14f: {  	v10 =	vadd.f32 v24, v21;
	[tilespmem:v28+s21+$0x0] =	vst.idx.msk $0xffff, v12  }
0x150: {  	v12 =	vadd.f32 v16, v14;
	[tilespmem:v19+s21+$0x0] =	vst.idx.msk $0xffff, v9  }
0x151: {  	v9 =	vadd.f32 v15, v18;
	[tilespmem:v27+s21+$0x0] =	vst.idx.msk $0xffff, v10  }
0x152: {  	[tilespmem:v11+s21+$0x0] =	vst.idx.msk $0xffff, v12  }
0x153: {  	s2 =	sor.u32 $0x40, s11;
	[tilespmem:v13+s21+$0x0] =	vst.idx.msk $0xffff, v9  }
0x154: {  	v9 =	vld [tilespmem:s2+$0x0]  }
0x155: {  	v10 =	vld [tilespmem:s11+$0x1940]  }
0x156: {  	s8 =	simm.s32 $0x5  }
0x157: {  	s7 =	simm.s32 $0x1;
	v15 =	vadd.s32 s8, v0;
	s8 =	simm.s32 $0x7  }
0x158: {  	s15 =	simm.s32 $0x2;
	v12 =	vadd.s32 s7, v0;
	v17 =	vadd.s32 s8, v0;
	v15 =	vand.u32 $0x3F, v15  }
0x159: {  	v13 =	vadd.s32 s15, v0;
	s15 =	simm.s32 $0x6;
	v17 =	vand.u32 $0x3F, v17;
	v9 =	vshll.u32 v9, $0x6  }
0x15a: {  	v16 =	vadd.s32 s15, v0;
	v10 =	vshll.u32 v10, $0x6;
	v9 =	vand.u32 $0x40, v9  }
0x15b: {  	v13 =	vand.u32 $0x3F, v13;
	v11 =	vand.u32 $0x40, v10;
	v10 =	vor.u32 v8, v9  }
0x15c: {  	v16 =	vand.u32 $0x3F, v16;
	v11 =	vor.u32 v8, v11;
	v23 =	vor.u32 v17, v10  }
0x15d: {  	s13 =	simm.s32 $0x0;
	v12 =	vand.u32 $0x3F, v12;
	v28 =	vshll.u32 v16, $0x7;
	v24 =	vor.u32 v13, v11  }
0x15e: {  	v9 =	vadd.s32 s13, v0;
	s13 =	simm.s32 $0x4;
	v26 =	vor.u32 v16, v10;
	v16 =	vor.u32 v16, v11  }
0x15f: {  	v22 =	vshll.u32 v15, $0x7;
	v20 =	vshll.u32 v17, $0x7;
	v14 =	vadd.s32 s13, v0  }
0x160: {  	v25 =	vor.u32 v17, v11;
	v17 =	vshll.u32 v13, $0x7;
	v58 =	vor.u32 v13, v10  }
0x161: {  	v9 =	vand.u32 $0x3F, v9;
	v27 =	vor.u32 v15, v10;
	v34 =	vor.u32 v12, v11;
	v38 =	vld.idx.msk [tilespmem:v23+s14+$0x0], $0xffff  }
0x162: {  	s13 =	simm.s32 $0x3;
	v15 =	vor.u32 v15, v11;
	v59 =	vor.u32 v12, v10;
	v12 =	vshll.u32 v12, $0x7;
	v23 =	vld.idx.msk [tilespmem:v24+s16+$0x0], $0xffff  }
0x163: {  	v18 =	vadd.s32 s13, v0;
	v14 =	vand.u32 $0x3F, v14;
	v29 =	vor.u32 v9, v10;
	v16 =	vld.idx.msk [tilespmem:v16+s16+$0x0], $0xffff  }
0x164: {  	v30 =	vor.u32 v9, v11;
	v31 =	vshll.u32 v9, $0x7;
	v21 =	vor.u32 v14, v11;
	v26 =	vld.idx.msk [tilespmem:v26+s14+$0x0], $0xffff  }
0x165: {  	s7 =	simm.s32 $0x9;
	v9 =	vor.u32 $0x40, v0;
	v19 =	vor.u32 v14, v10;
	v18 =	vand.u32 $0x3F, v18;
	v32 =	vld.idx.msk [tilespmem:v58+s14+$0x0], $0xffff  }
0x166: {  	v13 =	vshll.u32 v14, $0x7;
	v41 =	vor.u32 v9, v20;
	v20 =	vadd.s32 s7, v0;
	v34 =	vld.idx.msk [tilespmem:v34+s16+$0x0], $0xffff  }
0x167: {  	v35 =	vor.u32 v18, v11;
	v14 =	vshll.u32 v18, $0x7;
	v18 =	vor.u32 v18, v10;
	v48 =	vld.idx.msk [tilespmem:v59+s14+$0x0], $0xffff  }
0x168: {  	v37 =	vor.u32 v9, v17;
	v17 =	vor.u32 v9, v31;
	v46 =	vor.u32 v9, v28;
	v61 =	vld.idx.msk [tilespmem:v25+s16+$0x0], $0xffff  }
0x169: {  	s8 =	simm.s32 $0xA;
	v43 =	vand.u32 $0x3F, v20;
	v14 =	vor.u32 v9, v14;
	v24 =	vor.u32 v9, v13;
	v21 =	vld.idx.msk [tilespmem:v21+s16+$0x0], $0xffff  }
0x16a: {  	v13 =	vor.u32 v9, v12;
	v12 =	vor.u32 v9, v22;
	v22 =	vadd.s32 s8, v0;
	s8 =	simm.s32 $0xE;
	v19 =	vld.idx.msk [tilespmem:v19+s14+$0x0], $0xffff  }
0x16b: {  	s15 =	simm.s32 $0x8;
	v33 =	vor.u32 v43, v11;
	v39 =	vld.idx.msk [tilespmem:v29+s14+$0x0], $0xffff;
	v40 =	vadd.s32 s8, v0;
	v22 =	vand.u32 $0x3F, v22  }
0x16c: {  	v29 =	vadd.s32 s15, v0;
	v40 =	vand.u32 $0x3F, v40;
	v50 =	vld.idx.msk [tilespmem:v18+s14+$0x0], $0xffff;
	v18 =	vor.u32 v22, v11  }
0x16d: {  	v31 =	vld.idx.msk [tilespmem:v30+s16+$0x0], $0xffff;
	v30 =	vor.u32 v40, v10;
	v63 =	vor.u32 v40, v11;
	v23 =	vadd.f32 v23, v32  }
0x16e: {  	s13 =	simm.s32 $0xC;
	v25 =	vadd.f32 v16, v26;
	v26 =	vor.u32 v43, v10;
	v32 =	vadd.f32 v61, v38  }
0x16f: {  	s15 =	simm.s32 $0xD;
	v43 =	vshll.u32 v43, $0x7;
	v36 =	vadd.f32 v21, v19;
	v19 =	vadd.s32 s13, v0  }
0x170: {  	v53 =	vld.idx.msk [tilespmem:v35+s16+$0x0], $0xffff;
	v21 =	vadd.s32 s15, v0;
	[tilespmem:v37+s21+$0x0] =	vst.idx.msk $0xffff, v23;
	v37 =	vor.u32 v22, v10;
	v45 =	vand.u32 $0x3F, v19  }
0x171: {  	s13 =	simm.s32 $0xF;
	v23 =	vshll.u32 v40, $0x7;
	[tilespmem:v41+s21+$0x0] =	vst.idx.msk $0xffff, v32;
	v41 =	vadd.f32 v34, v48;
	v60 =	vor.u32 v45, v11  }
0x172: {  	v44 =	vld.idx.msk [tilespmem:v15+s16+$0x0], $0xffff;
	s15 =	simm.s32 $0xB;
	v34 =	vor.u32 v9, v43;
	v20 =	vadd.s32 s13, v0;
	v47 =	vor.u32 v45, v10  }
0x173: {  	v51 =	vld.idx.msk [tilespmem:v27+s14+$0x0], $0xffff;
	v42 =	vadd.s32 s15, v0;
	v28 =	vand.u32 $0x3F, v21;
	v15 =	vand.u32 $0x3F, v20  }
0x174: {  	v21 =	vshll.u32 v22, $0x7;
	[tilespmem:v24+s21+$0x0] =	vst.idx.msk $0xffff, v36;
	v24 =	vand.u32 $0x3F, v29;
	v49 =	vor.u32 v15, v10  }
0x175: {  	v27 =	vld.idx.msk [tilespmem:v18+s16+$0x0], $0xffff;
	v43 =	vadd.f32 v53, v50;
	v19 =	vshll.u32 v28, $0x7;
	v62 =	vor.u32 v24, v10  }
0x176: {  	v52 =	vand.u32 $0x3F, v42;
	v16 =	vor.u32 v28, v10;
	v28 =	vor.u32 v28, v11;
	v36 =	vld.idx.msk [tilespmem:v60+s16+$0x0], $0xffff  }
0x177: {  	[tilespmem:v46+s21+$0x0] =	vst.idx.msk $0xffff, v25;
	v45 =	vshll.u32 v45, $0x7;
	v42 =	vadd.f32 v31, v39;
	v31 =	vshll.u32 v52, $0x7;
	v40 =	vld.idx.msk [tilespmem:v47+s14+$0x0], $0xffff  }
0x178: {  	v39 =	vadd.f32 v44, v51;
	v20 =	vshll.u32 v15, $0x7;
	v32 =	vor.u32 v9, v31;
	v31 =	vld.idx.msk [tilespmem:v63+s16+$0x0], $0xffff  }
0x179: {  	v15 =	vor.u32 v15, v11;
	v29 =	vor.u32 v24, v11;
	v25 =	vshll.u32 v24, $0x7;
	v24 =	vld.idx.msk [tilespmem:v49+s14+$0x0], $0xffff  }
0x17a: {  	s13 =	simm.s32 $0x10;
	v22 =	vor.u32 v52, v11;
	v35 =	vor.u32 v52, v10;
	v38 =	vor.u32 v9, v45;
	v18 =	vld.idx.msk [tilespmem:v62+s14+$0x0], $0xffff  }
.LBB2_13:
0x17b: {  	v44 =	vadd.s32 s13, v0;
	s2 =	sadd.s32 $0x1, s13;
	s7 =	sadd.s32 $0x2, s13;
	s8 =	sadd.s32 $0x3, s13;
	v19 =	vor.u32 v9, v19;
	v45 =	vor.u32 v9, v20;
	[tilespmem:v17+s21+$0x0] =	vst.idx.msk $0xffff, v42  }
0x17c: {  	s15 =	sadd.s32 $0x6, s13;
	v36 =	vadd.f32 v36, v40;
	v17 =	vadd.s32 s2, v0;
	v20 =	vadd.s32 s7, v0;
	s2 =	sadd.s32 $0x4, s13;
	s7 =	sadd.s32 $0x5, s13;
	v30 =	vld.idx.msk [tilespmem:v30+s14+$0x0], $0xffff;
	[tilespmem:v14+s21+$0x0] =	vst.idx.msk $0xffff, v43  }
0x17d: {  	p1 =	slt.u32 s13, $0x38;
	v42 =	vor.u32 v9, v21;
	v14 =	vadd.s32 s2, v0;
	v40 =	vadd.s32 s7, v0;
	s2 =	sadd.s32 $0x7, s13;
	s13 =	sadd.s32 $0x8, s13;
	v37 =	vld.idx.msk [tilespmem:v37+s14+$0x0], $0xffff;
	[tilespmem:v13+s21+$0x0] =	vst.idx.msk $0xffff, v41  }
0x17e: {  	v43 =	vadd.s32 s15, v0;
	v41 =	vand.u32 $0x3F, v17;
	v50 =	vadd.s32 s2, v0;
	v46 =	vld.idx.msk [tilespmem:v28+s16+$0x0], $0xffff;
	[tilespmem:v12+s21+$0x0] =	vst.idx.msk $0xffff, v39;
	v12 =	vmovc v19  }
0x17f: {  	v17 =	vor.u32 v9, v25;
	v28 =	vadd.s32 s8, v0;
	v39 =	vand.u32 $0x3F, v14;
	v47 =	vld.idx.msk [tilespmem:v29+s16+$0x0], $0xffff;
	[tilespmem:v38+s21+$0x0] =	vst.idx.msk $0xffff, v36  }
0x180: {  	v49 =	vmovc v24;
	v25 =	vor.u32 v9, v23;
	v13 =	vmovc v34;
	v38 =	vand.u32 $0x3F, v20;
	v21 =	vand.u32 $0x3F, v50;
	v48 =	vld.idx.msk [tilespmem:v33+s16+$0x0], $0xffff  }
0x181: {  	v23 =	vand.u32 $0x3F, v40;
	v34 =	vor.u32 v39, v10;
	v20 =	vshll.u32 v21, $0x7;
	v14 =	vmovc v32;
	v50 =	vld.idx.msk [tilespmem:v26+s14+$0x0], $0xffff  }
0x182: {  	v24 =	vor.u32 v39, v11;
	v19 =	vshll.u32 v23, $0x7;
	v26 =	vor.u32 v21, v10;
	v51 =	vld.idx.msk [tilespmem:v35+s14+$0x0], $0xffff  }
0x183: {  	v32 =	vor.u32 v38, v11;
	v27 =	vadd.f32 v27, v37;
	v35 =	vld.idx.msk [tilespmem:v15+s16+$0x0], $0xffff;
	v15 =	vor.u32 v21, v11  }
0x184: {  	v33 =	vand.u32 $0x3F, v43;
	v29 =	vadd.f32 v31, v30;
	v21 =	vshll.u32 v38, $0x7;
	v43 =	vld.idx.msk [tilespmem:v16+s14+$0x0], $0xffff  }
0x185: {  	v31 =	vand.u32 $0x3F, v44;
	v44 =	vand.u32 $0x3F, v28;
	v30 =	vor.u32 v33, v10;
	[tilespmem:v42+s21+$0x0] =	vst.idx.msk $0xffff, v27;
	v52 =	vld.idx.msk [tilespmem:v22+s16+$0x0], $0xffff  }
0x186: {  	v28 =	vor.u32 v23, v11;
	v16 =	vor.u32 v23, v10;
	v23 =	vshll.u32 v33, $0x7;
	[tilespmem:v25+s21+$0x0] =	vst.idx.msk $0xffff, v29  }
0x187: {  	v53 =	vor.u32 v31, v10;
	v29 =	vor.u32 v31, v11;
	v25 =	vshll.u32 v31, $0x7;
	v36 =	vld.idx.msk [tilespmem:v24+s16+$0x0], $0xffff  }
0x188: {  	v54 =	vor.u32 v33, v11;
	v37 =	vor.u32 v38, v10;
	v31 =	vshll.u32 v39, $0x7;
	v24 =	vld.idx.msk [tilespmem:v26+s14+$0x0], $0xffff  }
.Ltmp5:
0x189: {  	v33 =	vor.u32 v41, v11;
	v26 =	vor.u32 v41, v10;
	v40 =	vld.idx.msk [tilespmem:v34+s14+$0x0], $0xffff;
	v34 =	vadd.f32 v35, v49;
	(pc) =	sbr.rel @p1 .LBB2_13-.Ltmp5, $4  }
0x18a: {  	v22 =	vor.u32 v44, v11;
	v42 =	vadd.f32 v47, v18;
	v49 =	vshll.u32 v44, $0x7  }
0x18b: {  	v47 =	vshll.u32 v41, $0x7;
	v39 =	vadd.f32 v46, v43;
	v27 =	vld.idx.msk [tilespmem:v32+s16+$0x0], $0xffff;
	[tilespmem:v45+s21+$0x0] =	vst.idx.msk $0xffff, v34  }
0x18c: {  	v38 =	vor.u32 v9, v31;
	v41 =	vadd.f32 v48, v50;
	v35 =	vor.u32 v44, v10;
	v18 =	vld.idx.msk [tilespmem:v53+s14+$0x0], $0xffff  }
0x18d: {  	v43 =	vadd.f32 v52, v51;
	v34 =	vor.u32 v9, v47;
	v32 =	vor.u32 v9, v49;
	v31 =	vld.idx.msk [tilespmem:v54+s16+$0x0], $0xffff  }
0x18e: {  	_ =	sdelay $0x3  }
0x18f: {  	v10 =	vld.idx.msk [tilespmem:v30+s14+$0x0], $0xffff  }
0x190: {  	v11 =	vld.idx.msk [tilespmem:v37+s14+$0x0], $0xffff  }
0x191: {  	v28 =	vld.idx.msk [tilespmem:v28+s16+$0x0], $0xffff  }
0x192: {  	v29 =	vld.idx.msk [tilespmem:v29+s16+$0x0], $0xffff  }
0x193: {  	v30 =	vld.idx.msk [tilespmem:v33+s16+$0x0], $0xffff  }
0x194: {  	[tilespmem:v17+s21+$0x0] =	vst.idx.msk $0xffff, v42;
	v17 =	vor.u32 v9, v21;
	v15 =	vld.idx.msk [tilespmem:v15+s16+$0x0], $0xffff  }
0x195: {  	v21 =	vld.idx.msk [tilespmem:v35+s14+$0x0], $0xffff;
	[tilespmem:v14+s21+$0x0] =	vst.idx.msk $0xffff, v43;
	v14 =	vor.u32 v9, v23  }
0x196: {  	v20 =	vor.u32 v9, v20;
	[tilespmem:v13+s21+$0x0] =	vst.idx.msk $0xffff, v41;
	v13 =	vld.idx.msk [tilespmem:v22+s16+$0x0], $0xffff;
	v23 =	vadd.f32 v36, v40  }
0x197: {  	[tilespmem:v12+s21+$0x0] =	vst.idx.msk $0xffff, v39;
	v12 =	vor.u32 v9, v25;
	v22 =	vld.idx.msk [tilespmem:v26+s14+$0x0], $0xffff;
	v11 =	vadd.f32 v27, v11  }
0x198: {  	v16 =	vld.idx.msk [tilespmem:v16+s14+$0x0], $0xffff;
	[tilespmem:v38+s21+$0x0] =	vst.idx.msk $0xffff, v23;
	v10 =	vadd.f32 v31, v10  }
0x199: {  	[tilespmem:v17+s21+$0x0] =	vst.idx.msk $0xffff, v11;
	v11 =	vadd.f32 v15, v24  }
0x19a: {  	v15 =	vor.u32 v9, v19;
	[tilespmem:v14+s21+$0x0] =	vst.idx.msk $0xffff, v10;
	v10 =	vadd.f32 v29, v18  }
0x19b: {  	[tilespmem:v20+s21+$0x0] =	vst.idx.msk $0xffff, v11;
	v11 =	vadd.f32 v13, v21  }
0x19c: {  	v13 =	vadd.f32 v30, v22;
	[tilespmem:v12+s21+$0x0] =	vst.idx.msk $0xffff, v10  }
0x19d: {  	v10 =	vadd.f32 v28, v16;
	[tilespmem:v32+s21+$0x0] =	vst.idx.msk $0xffff, v11  }
0x19e: {  	[tilespmem:v34+s21+$0x0] =	vst.idx.msk $0xffff, v13  }
0x19f: {  	s2 =	sor.u32 $0x50, s11;
	[tilespmem:v15+s21+$0x0] =	vst.idx.msk $0xffff, v10  }
0x1a0: {  	v10 =	vld [tilespmem:s2+$0x0]  }
0x1a1: {  	s7 =	simm.s32 $0x1;
	s8 =	simm.s32 $0x5;
	v11 =	vld [tilespmem:s11+$0x1950]  }
0x1a2: {  	v14 =	vadd.s32 s7, v0;
	v17 =	vadd.s32 s8, v0;
	s8 =	simm.s32 $0x7  }
0x1a3: {  	v14 =	vand.u32 $0x3F, v14;
	v19 =	vadd.s32 s8, v0;
	v17 =	vand.u32 $0x3F, v17  }
0x1a4: {  	s15 =	simm.s32 $0x2;
	v12 =	vor.u32 $0x2800, v1;
	v19 =	vand.u32 $0x3F, v19;
	v24 =	vshll.u32 v17, $0x7  }
0x1a5: {  	v22 =	vshll.u32 v19, $0x7;
	v15 =	vadd.s32 s15, v0;
	s15 =	simm.s32 $0x6;
	v10 =	vshll.u32 v10, $0x6  }
0x1a6: {  	v18 =	vadd.s32 s15, v0;
	v11 =	vshll.u32 v11, $0x6;
	v10 =	vand.u32 $0x40, v10  }
0x1a7: {  	v15 =	vand.u32 $0x3F, v15;
	v13 =	vand.u32 $0x40, v11;
	v11 =	vor.u32 v12, v10  }
0x1a8: {  	s13 =	simm.s32 $0x0;
	v18 =	vand.u32 $0x3F, v18;
	v13 =	vor.u32 v12, v13;
	v25 =	vor.u32 v19, v11  }
0x1a9: {  	v30 =	vshll.u32 v18, $0x7;
	v10 =	vadd.s32 s13, v0;
	s13 =	simm.s32 $0x4;
	v26 =	vor.u32 v15, v13  }
0x1aa: {  	v16 =	vadd.s32 s13, v0;
	v28 =	vor.u32 v18, v11;
	v18 =	vor.u32 v18, v13  }
0x1ab: {  	v27 =	vor.u32 v19, v13;
	v19 =	vshll.u32 v15, $0x7;
	v10 =	vand.u32 $0x3F, v10  }
0x1ac: {  	v29 =	vor.u32 v17, v11;
	v17 =	vor.u32 v17, v13;
	v58 =	vor.u32 v15, v11  }
0x1ad: {  	s13 =	simm.s32 $0x3;
	v59 =	vor.u32 v14, v11;
	v60 =	vor.u32 v14, v13;
	v14 =	vshll.u32 v14, $0x7;
	v40 =	vld.idx.msk [tilespmem:v25+s14+$0x0], $0xffff  }
0x1ae: {  	v20 =	vadd.s32 s13, v0;
	v16 =	vand.u32 $0x3F, v16;
	v31 =	vor.u32 v10, v11;
	v25 =	vld.idx.msk [tilespmem:v26+s16+$0x0], $0xffff  }
0x1af: {  	v55 =	vor.u32 v10, v13;
	v56 =	vshll.u32 v10, $0x7;
	v23 =	vor.u32 v16, v13;
	v18 =	vld.idx.msk [tilespmem:v18+s16+$0x0], $0xffff  }
0x1b0: {  	s7 =	simm.s32 $0x9;
	v10 =	vor.u32 $0x50, v0;
	v21 =	vor.u32 v16, v11;
	v20 =	vand.u32 $0x3F, v20;
	v28 =	vld.idx.msk [tilespmem:v28+s14+$0x0], $0xffff  }
0x1b1: {  	v15 =	vshll.u32 v16, $0x7;
	v43 =	vor.u32 v10, v22;
	v22 =	vadd.s32 s7, v0;
	v34 =	vld.idx.msk [tilespmem:v58+s14+$0x0], $0xffff  }
0x1b2: {  	v63 =	vor.u32 v10, v19;
	v19 =	vor.u32 v10, v56;
	v48 =	vor.u32 v10, v30;
	v36 =	vld.idx.msk [tilespmem:v60+s16+$0x0], $0xffff  }
0x1b3: {  	v61 =	vor.u32 v20, v13;
	v16 =	vshll.u32 v20, $0x7;
	v20 =	vor.u32 v20, v11;
	v60 =	vld.idx.msk [tilespmem:v27+s16+$0x0], $0xffff  }
0x1b4: {  	s8 =	simm.s32 $0xA;
	v45 =	vand.u32 $0x3F, v22;
	v16 =	vor.u32 v10, v16;
	v26 =	vor.u32 v10, v15;
	v23 =	vld.idx.msk [tilespmem:v23+s16+$0x0], $0xffff  }
0x1b5: {  	v15 =	vor.u32 v10, v14;
	v14 =	vor.u32 v10, v24;
	v24 =	vadd.s32 s8, v0;
	s8 =	simm.s32 $0xE;
	v21 =	vld.idx.msk [tilespmem:v21+s14+$0x0], $0xffff  }
0x1b6: {  	s15 =	simm.s32 $0x8;
	v35 =	vor.u32 v45, v13;
	v50 =	vld.idx.msk [tilespmem:v59+s14+$0x0], $0xffff;
	v57 =	vadd.s32 s8, v0;
	v24 =	vand.u32 $0x3F, v24  }
0x1b7: {  	v41 =	vld.idx.msk [tilespmem:v31+s14+$0x0], $0xffff;
	v31 =	vadd.s32 s15, v0;
	v42 =	vand.u32 $0x3F, v57;
	v39 =	vor.u32 v24, v11  }
0x1b8: {  	v52 =	vld.idx.msk [tilespmem:v20+s14+$0x0], $0xffff;
	v20 =	vor.u32 v24, v13;
	v32 =	vor.u32 v42, v11;
	v25 =	vadd.f32 v25, v34  }
0x1b9: {  	s13 =	simm.s32 $0xC;
	v27 =	vadd.f32 v18, v28;
	v28 =	vor.u32 v45, v11;
	v34 =	vadd.f32 v60, v40  }
0x1ba: {  	s15 =	simm.s32 $0xD;
	v58 =	vld.idx.msk [tilespmem:v55+s16+$0x0], $0xffff;
	v45 =	vshll.u32 v45, $0x7;
	v62 =	vadd.f32 v23, v21;
	v21 =	vadd.s32 s13, v0;
	[tilespmem:v63+s21+$0x0] =	vst.idx.msk $0xffff, v25  }
0x1bb: {  	v55 =	vld.idx.msk [tilespmem:v61+s16+$0x0], $0xffff;
	v23 =	vadd.s32 s15, v0;
	v25 =	vshll.u32 v42, $0x7;
	[tilespmem:v43+s21+$0x0] =	vst.idx.msk $0xffff, v34;
	v47 =	vand.u32 $0x3F, v21  }
0x1bc: {  	v46 =	vld.idx.msk [tilespmem:v17+s16+$0x0], $0xffff;
	s13 =	simm.s32 $0xF;
	s15 =	simm.s32 $0xB;
	v43 =	vadd.f32 v36, v50;
	v36 =	vor.u32 v10, v45;
	v59 =	vor.u32 v47, v13  }
0x1bd: {  	v53 =	vld.idx.msk [tilespmem:v29+s14+$0x0], $0xffff;
	v22 =	vadd.s32 s13, v0;
	v44 =	vadd.s32 s15, v0;
	v49 =	vor.u32 v47, v11  }
0x1be: {  	v30 =	vand.u32 $0x3F, v23;
	v17 =	vand.u32 $0x3F, v22;
	[tilespmem:v26+s21+$0x0] =	vst.idx.msk $0xffff, v62;
	v62 =	vor.u32 v42, v13  }
0x1bf: {  	v23 =	vshll.u32 v24, $0x7;
	v26 =	vand.u32 $0x3F, v31;
	v51 =	vor.u32 v17, v11  }
0x1c0: {  	v29 =	vld.idx.msk [tilespmem:v20+s16+$0x0], $0xffff;
	v45 =	vadd.f32 v55, v52;
	v21 =	vshll.u32 v30, $0x7;
	v61 =	vor.u32 v26, v11  }
0x1c1: {  	v54 =	vand.u32 $0x3F, v44;
	v18 =	vor.u32 v30, v11;
	v30 =	vor.u32 v30, v13;
	v38 =	vld.idx.msk [tilespmem:v59+s16+$0x0], $0xffff  }
0x1c2: {  	v47 =	vshll.u32 v47, $0x7;
	v44 =	vadd.f32 v58, v41;
	v41 =	vadd.f32 v46, v53;
	v42 =	vld.idx.msk [tilespmem:v49+s14+$0x0], $0xffff  }
0x1c3: {  	v22 =	vshll.u32 v17, $0x7;
	v17 =	vor.u32 v17, v13;
	v31 =	vor.u32 v26, v13;
	v33 =	vld.idx.msk [tilespmem:v62+s16+$0x0], $0xffff  }
0x1c4: {  	[tilespmem:v48+s21+$0x0] =	vst.idx.msk $0xffff, v27;
	v27 =	vshll.u32 v26, $0x7;
	v24 =	vor.u32 v54, v13;
	v63 =	vshll.u32 v54, $0x7;
	v26 =	vld.idx.msk [tilespmem:v51+s14+$0x0], $0xffff  }
0x1c5: {  	s13 =	simm.s32 $0x10;
	v37 =	vor.u32 v54, v11;
	v40 =	vor.u32 v10, v47;
	v34 =	vor.u32 v10, v63;
	v20 =	vld.idx.msk [tilespmem:v61+s14+$0x0], $0xffff  }
.LBB2_15:
0x1c6: {  	v46 =	vadd.s32 s13, v0;
	s2 =	sadd.s32 $0x1, s13;
	s7 =	sadd.s32 $0x2, s13;
	s8 =	sadd.s32 $0x3, s13;
	v21 =	vor.u32 v10, v21;
	v47 =	vor.u32 v10, v22;
	[tilespmem:v19+s21+$0x0] =	vst.idx.msk $0xffff, v44  }
0x1c7: {  	s15 =	sadd.s32 $0x6, s13;
	v38 =	vadd.f32 v38, v42;
	v19 =	vadd.s32 s2, v0;
	v22 =	vadd.s32 s7, v0;
	s2 =	sadd.s32 $0x4, s13;
	s7 =	sadd.s32 $0x5, s13;
	v32 =	vld.idx.msk [tilespmem:v32+s14+$0x0], $0xffff;
	[tilespmem:v16+s21+$0x0] =	vst.idx.msk $0xffff, v45  }
0x1c8: {  	p1 =	slt.u32 s13, $0x38;
	v44 =	vor.u32 v10, v23;
	v16 =	vadd.s32 s2, v0;
	v42 =	vadd.s32 s7, v0;
	s2 =	sadd.s32 $0x7, s13;
	s13 =	sadd.s32 $0x8, s13;
	v39 =	vld.idx.msk [tilespmem:v39+s14+$0x0], $0xffff;
	[tilespmem:v15+s21+$0x0] =	vst.idx.msk $0xffff, v43  }
0x1c9: {  	v45 =	vadd.s32 s15, v0;
	v43 =	vand.u32 $0x3F, v19;
	v52 =	vadd.s32 s2, v0;
	v48 =	vld.idx.msk [tilespmem:v30+s16+$0x0], $0xffff;
	[tilespmem:v14+s21+$0x0] =	vst.idx.msk $0xffff, v41;
	v14 =	vmovc v21  }
0x1ca: {  	v19 =	vor.u32 v10, v27;
	v30 =	vadd.s32 s8, v0;
	v41 =	vand.u32 $0x3F, v16;
	v49 =	vld.idx.msk [tilespmem:v31+s16+$0x0], $0xffff;
	[tilespmem:v40+s21+$0x0] =	vst.idx.msk $0xffff, v38  }
0x1cb: {  	v51 =	vmovc v26;
	v27 =	vor.u32 v10, v25;
	v15 =	vmovc v36;
	v40 =	vand.u32 $0x3F, v22;
	v23 =	vand.u32 $0x3F, v52;
	v50 =	vld.idx.msk [tilespmem:v35+s16+$0x0], $0xffff  }
0x1cc: {  	v25 =	vand.u32 $0x3F, v42;
	v36 =	vor.u32 v41, v11;
	v22 =	vshll.u32 v23, $0x7;
	v16 =	vmovc v34;
	v52 =	vld.idx.msk [tilespmem:v28+s14+$0x0], $0xffff  }
0x1cd: {  	v26 =	vor.u32 v41, v13;
	v21 =	vshll.u32 v25, $0x7;
	v28 =	vor.u32 v23, v11;
	v53 =	vld.idx.msk [tilespmem:v37+s14+$0x0], $0xffff  }
0x1ce: {  	v34 =	vor.u32 v40, v13;
	v29 =	vadd.f32 v29, v39;
	v37 =	vld.idx.msk [tilespmem:v17+s16+$0x0], $0xffff;
	v17 =	vor.u32 v23, v13  }
0x1cf: {  	v35 =	vand.u32 $0x3F, v45;
	v31 =	vadd.f32 v33, v32;
	v23 =	vshll.u32 v40, $0x7;
	v45 =	vld.idx.msk [tilespmem:v18+s14+$0x0], $0xffff  }
0x1d0: {  	v33 =	vand.u32 $0x3F, v46;
	v46 =	vand.u32 $0x3F, v30;
	v32 =	vor.u32 v35, v11;
	[tilespmem:v44+s21+$0x0] =	vst.idx.msk $0xffff, v29;
	v54 =	vld.idx.msk [tilespmem:v24+s16+$0x0], $0xffff  }
0x1d1: {  	v30 =	vor.u32 v25, v13;
	v18 =	vor.u32 v25, v11;
	v25 =	vshll.u32 v35, $0x7;
	[tilespmem:v27+s21+$0x0] =	vst.idx.msk $0xffff, v31  }
0x1d2: {  	v55 =	vor.u32 v33, v11;
	v31 =	vor.u32 v33, v13;
	v27 =	vshll.u32 v33, $0x7;
	v38 =	vld.idx.msk [tilespmem:v26+s16+$0x0], $0xffff  }
0x1d3: {  	v56 =	vor.u32 v35, v13;
	v39 =	vor.u32 v40, v11;
	v33 =	vshll.u32 v41, $0x7;
	v26 =	vld.idx.msk [tilespmem:v28+s14+$0x0], $0xffff  }
.Ltmp6:
0x1d4: {  	v35 =	vor.u32 v43, v13;
	v28 =	vor.u32 v43, v11;
	v42 =	vld.idx.msk [tilespmem:v36+s14+$0x0], $0xffff;
	v36 =	vadd.f32 v37, v51;
	(pc) =	sbr.rel @p1 .LBB2_15-.Ltmp6, $4  }
0x1d5: {  	v24 =	vor.u32 v46, v13;
	v44 =	vadd.f32 v49, v20;
	v51 =	vshll.u32 v46, $0x7  }
0x1d6: {  	v49 =	vshll.u32 v43, $0x7;
	v41 =	vadd.f32 v48, v45;
	v29 =	vld.idx.msk [tilespmem:v34+s16+$0x0], $0xffff;
	[tilespmem:v47+s21+$0x0] =	vst.idx.msk $0xffff, v36  }
0x1d7: {  	v40 =	vor.u32 v10, v33;
	v43 =	vadd.f32 v50, v52;
	v37 =	vor.u32 v46, v11;
	v20 =	vld.idx.msk [tilespmem:v55+s14+$0x0], $0xffff  }
0x1d8: {  	v45 =	vadd.f32 v54, v53;
	v36 =	vor.u32 v10, v49;
	v34 =	vor.u32 v10, v51;
	v33 =	vld.idx.msk [tilespmem:v56+s16+$0x0], $0xffff  }
0x1d9: {  	_ =	sdelay $0x3  }
0x1da: {  	v11 =	vld.idx.msk [tilespmem:v32+s14+$0x0], $0xffff  }
0x1db: {  	v13 =	vld.idx.msk [tilespmem:v39+s14+$0x0], $0xffff  }
0x1dc: {  	v30 =	vld.idx.msk [tilespmem:v30+s16+$0x0], $0xffff  }
0x1dd: {  	v31 =	vld.idx.msk [tilespmem:v31+s16+$0x0], $0xffff  }
0x1de: {  	v62 =	vld.idx.msk [tilespmem:v35+s16+$0x0], $0xffff  }
0x1df: {  	[tilespmem:v19+s21+$0x0] =	vst.idx.msk $0xffff, v44;
	v19 =	vor.u32 v10, v23;
	v17 =	vld.idx.msk [tilespmem:v17+s16+$0x0], $0xffff  }
0x1e0: {  	v23 =	vld.idx.msk [tilespmem:v37+s14+$0x0], $0xffff;
	[tilespmem:v16+s21+$0x0] =	vst.idx.msk $0xffff, v45;
	v16 =	vor.u32 v10, v25  }
0x1e1: {  	v22 =	vor.u32 v10, v22;
	[tilespmem:v15+s21+$0x0] =	vst.idx.msk $0xffff, v43;
	v15 =	vld.idx.msk [tilespmem:v24+s16+$0x0], $0xffff;
	v25 =	vadd.f32 v38, v42  }
0x1e2: {  	[tilespmem:v14+s21+$0x0] =	vst.idx.msk $0xffff, v41;
	v14 =	vor.u32 v10, v27;
	v24 =	vld.idx.msk [tilespmem:v28+s14+$0x0], $0xffff;
	v13 =	vadd.f32 v29, v13  }
0x1e3: {  	v18 =	vld.idx.msk [tilespmem:v18+s14+$0x0], $0xffff;
	[tilespmem:v40+s21+$0x0] =	vst.idx.msk $0xffff, v25;
	v11 =	vadd.f32 v33, v11  }
0x1e4: {  	[tilespmem:v19+s21+$0x0] =	vst.idx.msk $0xffff, v13;
	v13 =	vadd.f32 v17, v26  }
0x1e5: {  	v17 =	vor.u32 v10, v21;
	[tilespmem:v16+s21+$0x0] =	vst.idx.msk $0xffff, v11;
	v11 =	vadd.f32 v31, v20  }
0x1e6: {  	[tilespmem:v22+s21+$0x0] =	vst.idx.msk $0xffff, v13;
	v13 =	vadd.f32 v15, v23  }
0x1e7: {  	v15 =	vadd.f32 v62, v24;
	[tilespmem:v14+s21+$0x0] =	vst.idx.msk $0xffff, v11  }
0x1e8: {  	v11 =	vadd.f32 v30, v18;
	[tilespmem:v34+s21+$0x0] =	vst.idx.msk $0xffff, v13  }
0x1e9: {  	[tilespmem:v36+s21+$0x0] =	vst.idx.msk $0xffff, v15  }
0x1ea: {  	s2 =	sor.u32 $0x60, s11;
	[tilespmem:v17+s21+$0x0] =	vst.idx.msk $0xffff, v11  }
0x1eb: {  	s7 =	simm.s32 $0x1;
	s8 =	simm.s32 $0x5;
	v11 =	vld [tilespmem:s2+$0x0]  }
0x1ec: {  	v16 =	vadd.s32 s7, v0;
	v19 =	vadd.s32 s8, v0;
	s8 =	simm.s32 $0x7;
	v13 =	vld [tilespmem:s11+$0x1960]  }
0x1ed: {  	s15 =	simm.s32 $0x2;
	v16 =	vand.u32 $0x3F, v16;
	v21 =	vadd.s32 s8, v0;
	v19 =	vand.u32 $0x3F, v19  }
0x1ee: {  	v14 =	vor.u32 $0x3000, v1;
	v21 =	vand.u32 $0x3F, v21;
	v17 =	vadd.s32 s15, v0;
	s15 =	simm.s32 $0x6  }
0x1ef: {  	v26 =	vshll.u32 v19, $0x7;
	v24 =	vshll.u32 v21, $0x7;
	v20 =	vadd.s32 s15, v0  }
0x1f0: {  	v17 =	vand.u32 $0x3F, v17;
	s15 =	simm.s32 $0x8;
	v20 =	vand.u32 $0x3F, v20;
	v11 =	vshll.u32 v11, $0x6  }
0x1f1: {  	v58 =	vadd.s32 s15, v0;
	v13 =	vshll.u32 v13, $0x6;
	v11 =	vand.u32 $0x40, v11  }
0x1f2: {  	s13 =	simm.s32 $0x0;
	v63 =	vshll.u32 v20, $0x7;
	v15 =	vand.u32 $0x40, v13;
	v13 =	vor.u32 v14, v11  }
0x1f3: {  	v15 =	vor.u32 v14, v15;
	v11 =	vadd.s32 s13, v0;
	s13 =	simm.s32 $0x4;
	v27 =	vor.u32 v21, v13  }
0x1f4: {  	v18 =	vadd.s32 s13, v0;
	v28 =	vor.u32 v17, v15;
	v29 =	vor.u32 v21, v15  }
0x1f5: {  	v21 =	vshll.u32 v17, $0x7;
	v30 =	vor.u32 v20, v13;
	v20 =	vor.u32 v20, v15  }
0x1f6: {  	v11 =	vand.u32 $0x3F, v11;
	v31 =	vor.u32 v19, v13;
	v19 =	vor.u32 v19, v15  }
0x1f7: {  	s13 =	simm.s32 $0x3;
	v55 =	vor.u32 v17, v13;
	v56 =	vor.u32 v16, v13;
	v57 =	vor.u32 v16, v15  }
0x1f8: {  	v16 =	vshll.u32 v16, $0x7;
	v22 =	vadd.s32 s13, v0;
	v18 =	vand.u32 $0x3F, v18;
	v42 =	vld.idx.msk [tilespmem:v27+s14+$0x0], $0xffff  }
0x1f9: {  	v52 =	vor.u32 v11, v13;
	v53 =	vor.u32 v11, v15;
	v25 =	vor.u32 v18, v15;
	v27 =	vld.idx.msk [tilespmem:v28+s16+$0x0], $0xffff  }
0x1fa: {  	v54 =	vshll.u32 v11, $0x7;
	v11 =	vor.u32 $0x60, v0;
	v23 =	vor.u32 v18, v13;
	v20 =	vld.idx.msk [tilespmem:v20+s16+$0x0], $0xffff  }
0x1fb: {  	v22 =	vand.u32 $0x3F, v22;
	v17 =	vshll.u32 v18, $0x7;
	v45 =	vor.u32 v11, v24;
	v30 =	vld.idx.msk [tilespmem:v30+s14+$0x0], $0xffff  }
0x1fc: {  	s7 =	simm.s32 $0x9;
	v39 =	vor.u32 v22, v15;
	v18 =	vshll.u32 v22, $0x7;
	v22 =	vor.u32 v22, v13;
	v36 =	vld.idx.msk [tilespmem:v55+s14+$0x0], $0xffff  }
0x1fd: {  	v24 =	vadd.s32 s7, v0;
	v41 =	vor.u32 v11, v21;
	v21 =	vor.u32 v11, v54;
	v60 =	vld.idx.msk [tilespmem:v29+s16+$0x0], $0xffff  }
0x1fe: {  	s8 =	simm.s32 $0xA;
	v50 =	vor.u32 v11, v63;
	v47 =	vand.u32 $0x3F, v24;
	v28 =	vor.u32 v11, v17;
	v25 =	vld.idx.msk [tilespmem:v25+s16+$0x0], $0xffff  }
0x1ff: {  	v17 =	vor.u32 v11, v16;
	v16 =	vor.u32 v11, v26;
	v26 =	vadd.s32 s8, v0;
	s8 =	simm.s32 $0xE;
	v23 =	vld.idx.msk [tilespmem:v23+s14+$0x0], $0xffff  }
0x200: {  	v18 =	vor.u32 v11, v18;
	v48 =	vld.idx.msk [tilespmem:v19+s16+$0x0], $0xffff;
	v61 =	vadd.s32 s8, v0;
	v26 =	vand.u32 $0x3F, v26  }
0x201: {  	v37 =	vor.u32 v47, v15;
	v44 =	vand.u32 $0x3F, v61;
	v54 =	vld.idx.msk [tilespmem:v22+s14+$0x0], $0xffff;
	v22 =	vor.u32 v26, v15  }
0x202: {  	v38 =	vld.idx.msk [tilespmem:v57+s16+$0x0], $0xffff;
	v34 =	vor.u32 v44, v13;
	v27 =	vadd.f32 v27, v36;
	v29 =	vadd.f32 v20, v30  }
0x203: {  	s15 =	simm.s32 $0xD;
	s13 =	simm.s32 $0xC;
	v43 =	vld.idx.msk [tilespmem:v52+s14+$0x0], $0xffff;
	v30 =	vor.u32 v47, v13;
	v36 =	vadd.f32 v60, v42;
	v47 =	vshll.u32 v47, $0x7  }
0x204: {  	v52 =	vld.idx.msk [tilespmem:v56+s14+$0x0], $0xffff;
	v59 =	vadd.f32 v25, v23;
	v23 =	vadd.s32 s13, v0;
	v25 =	vadd.s32 s15, v0  }
0x205: {  	v55 =	vld.idx.msk [tilespmem:v31+s14+$0x0], $0xffff;
	s13 =	simm.s32 $0xF;
	[tilespmem:v41+s21+$0x0] =	vst.idx.msk $0xffff, v27;
	v27 =	vshll.u32 v44, $0x7;
	v41 =	vor.u32 v26, v13;
	v49 =	vand.u32 $0x3F, v23  }
0x206: {  	v57 =	vld.idx.msk [tilespmem:v39+s16+$0x0], $0xffff;
	v24 =	vadd.s32 s13, v0;
	v62 =	vand.u32 $0x3F, v25;
	v63 =	vor.u32 v49, v15  }
0x207: {  	v35 =	vld.idx.msk [tilespmem:v53+s16+$0x0], $0xffff;
	[tilespmem:v45+s21+$0x0] =	vst.idx.msk $0xffff, v36;
	v19 =	vand.u32 $0x3F, v24;
	v51 =	vor.u32 v49, v13;
	v23 =	vshll.u32 v62, $0x7  }
0x208: {  	v20 =	vor.u32 v62, v13;
	v32 =	vor.u32 v62, v15;
	v62 =	vor.u32 v44, v15  }
0x209: {  	s15 =	simm.s32 $0xB;
	v45 =	vadd.f32 v38, v52;
	[tilespmem:v28+s21+$0x0] =	vst.idx.msk $0xffff, v59;
	v28 =	vand.u32 $0x3F, v58;
	v53 =	vor.u32 v19, v13  }
0x20a: {  	v38 =	vor.u32 v11, v47;
	v46 =	vadd.s32 s15, v0;
	v31 =	vld.idx.msk [tilespmem:v22+s16+$0x0], $0xffff;
	v61 =	vor.u32 v28, v13  }
0x20b: {  	v25 =	vshll.u32 v26, $0x7;
	v47 =	vadd.f32 v57, v54;
	v56 =	vand.u32 $0x3F, v46;
	v40 =	vld.idx.msk [tilespmem:v63+s16+$0x0], $0xffff  }
0x20c: {  	v49 =	vshll.u32 v49, $0x7;
	v46 =	vadd.f32 v35, v43;
	v43 =	vadd.f32 v48, v55;
	v44 =	vld.idx.msk [tilespmem:v51+s14+$0x0], $0xffff  }
0x20d: {  	v24 =	vshll.u32 v19, $0x7;
	v19 =	vor.u32 v19, v15;
	v33 =	vor.u32 v28, v15;
	v35 =	vld.idx.msk [tilespmem:v62+s16+$0x0], $0xffff  }
0x20e: {  	[tilespmem:v50+s21+$0x0] =	vst.idx.msk $0xffff, v29;
	v29 =	vshll.u32 v28, $0x7;
	v26 =	vor.u32 v56, v15;
	v63 =	vshll.u32 v56, $0x7;
	v28 =	vld.idx.msk [tilespmem:v53+s14+$0x0], $0xffff  }
0x20f: {  	s13 =	simm.s32 $0x10;
	v39 =	vor.u32 v56, v13;
	v42 =	vor.u32 v11, v49;
	v22 =	vld.idx.msk [tilespmem:v61+s14+$0x0], $0xffff;
	v36 =	vor.u32 v11, v63  }
.LBB2_17:
0x210: {  	v48 =	vadd.s32 s13, v0;
	s2 =	sadd.s32 $0x1, s13;
	s7 =	sadd.s32 $0x2, s13;
	s8 =	sadd.s32 $0x3, s13;
	v23 =	vor.u32 v11, v23;
	v49 =	vor.u32 v11, v24;
	[tilespmem:v21+s21+$0x0] =	vst.idx.msk $0xffff, v46  }
0x211: {  	s15 =	sadd.s32 $0x6, s13;
	v40 =	vadd.f32 v40, v44;
	v21 =	vadd.s32 s2, v0;
	v24 =	vadd.s32 s7, v0;
	s2 =	sadd.s32 $0x4, s13;
	s7 =	sadd.s32 $0x5, s13;
	v34 =	vld.idx.msk [tilespmem:v34+s14+$0x0], $0xffff;
	[tilespmem:v18+s21+$0x0] =	vst.idx.msk $0xffff, v47  }
0x212: {  	p1 =	slt.u32 s13, $0x38;
	v46 =	vor.u32 v11, v25;
	v18 =	vadd.s32 s2, v0;
	v44 =	vadd.s32 s7, v0;
	s2 =	sadd.s32 $0x7, s13;
	s13 =	sadd.s32 $0x8, s13;
	v41 =	vld.idx.msk [tilespmem:v41+s14+$0x0], $0xffff;
	[tilespmem:v17+s21+$0x0] =	vst.idx.msk $0xffff, v45  }
0x213: {  	v47 =	vadd.s32 s15, v0;
	v45 =	vand.u32 $0x3F, v21;
	v54 =	vadd.s32 s2, v0;
	v50 =	vld.idx.msk [tilespmem:v32+s16+$0x0], $0xffff;
	[tilespmem:v16+s21+$0x0] =	vst.idx.msk $0xffff, v43;
	v16 =	vmovc v23  }
0x214: {  	v21 =	vor.u32 v11, v29;
	v32 =	vadd.s32 s8, v0;
	v43 =	vand.u32 $0x3F, v18;
	v51 =	vld.idx.msk [tilespmem:v33+s16+$0x0], $0xffff;
	[tilespmem:v42+s21+$0x0] =	vst.idx.msk $0xffff, v40  }
0x215: {  	v53 =	vmovc v28;
	v29 =	vor.u32 v11, v27;
	v17 =	vmovc v38;
	v42 =	vand.u32 $0x3F, v24;
	v25 =	vand.u32 $0x3F, v54;
	v52 =	vld.idx.msk [tilespmem:v37+s16+$0x0], $0xffff  }
0x216: {  	v27 =	vand.u32 $0x3F, v44;
	v38 =	vor.u32 v43, v13;
	v24 =	vshll.u32 v25, $0x7;
	v18 =	vmovc v36;
	v54 =	vld.idx.msk [tilespmem:v30+s14+$0x0], $0xffff  }
0x217: {  	v28 =	vor.u32 v43, v15;
	v23 =	vshll.u32 v27, $0x7;
	v30 =	vor.u32 v25, v13;
	v55 =	vld.idx.msk [tilespmem:v39+s14+$0x0], $0xffff  }
0x218: {  	v36 =	vor.u32 v42, v15;
	v31 =	vadd.f32 v31, v41;
	v39 =	vld.idx.msk [tilespmem:v19+s16+$0x0], $0xffff;
	v19 =	vor.u32 v25, v15  }
0x219: {  	v37 =	vand.u32 $0x3F, v47;
	v33 =	vadd.f32 v35, v34;
	v25 =	vshll.u32 v42, $0x7;
	v47 =	vld.idx.msk [tilespmem:v20+s14+$0x0], $0xffff  }
0x21a: {  	v35 =	vand.u32 $0x3F, v48;
	v48 =	vand.u32 $0x3F, v32;
	v34 =	vor.u32 v37, v13;
	[tilespmem:v46+s21+$0x0] =	vst.idx.msk $0xffff, v31;
	v56 =	vld.idx.msk [tilespmem:v26+s16+$0x0], $0xffff  }
0x21b: {  	v32 =	vor.u32 v27, v15;
	v20 =	vor.u32 v27, v13;
	v27 =	vshll.u32 v37, $0x7;
	[tilespmem:v29+s21+$0x0] =	vst.idx.msk $0xffff, v33  }
0x21c: {  	v57 =	vor.u32 v35, v13;
	v33 =	vor.u32 v35, v15;
	v29 =	vshll.u32 v35, $0x7;
	v40 =	vld.idx.msk [tilespmem:v28+s16+$0x0], $0xffff  }
0x21d: {  	v58 =	vor.u32 v37, v15;
	v41 =	vor.u32 v42, v13;
	v35 =	vshll.u32 v43, $0x7;
	v28 =	vld.idx.msk [tilespmem:v30+s14+$0x0], $0xffff  }
.Ltmp7:
0x21e: {  	v37 =	vor.u32 v45, v15;
	v30 =	vor.u32 v45, v13;
	v44 =	vld.idx.msk [tilespmem:v38+s14+$0x0], $0xffff;
	v38 =	vadd.f32 v39, v53;
	(pc) =	sbr.rel @p1 .LBB2_17-.Ltmp7, $4  }
0x21f: {  	v26 =	vor.u32 v48, v15;
	v46 =	vadd.f32 v51, v22;
	v53 =	vshll.u32 v48, $0x7  }
0x220: {  	v51 =	vshll.u32 v45, $0x7;
	v43 =	vadd.f32 v50, v47;
	v31 =	vld.idx.msk [tilespmem:v36+s16+$0x0], $0xffff;
	[tilespmem:v49+s21+$0x0] =	vst.idx.msk $0xffff, v38  }
0x221: {  	v42 =	vor.u32 v11, v35;
	v45 =	vadd.f32 v52, v54;
	v39 =	vor.u32 v48, v13;
	v22 =	vld.idx.msk [tilespmem:v57+s14+$0x0], $0xffff  }
0x222: {  	v47 =	vadd.f32 v56, v55;
	v38 =	vor.u32 v11, v51;
	v36 =	vor.u32 v11, v53;
	v35 =	vld.idx.msk [tilespmem:v58+s16+$0x0], $0xffff  }
0x223: {  	_ =	sdelay $0x3  }
0x224: {  	v13 =	vld.idx.msk [tilespmem:v34+s14+$0x0], $0xffff  }
0x225: {  	v15 =	vld.idx.msk [tilespmem:v41+s14+$0x0], $0xffff  }
0x226: {  	v32 =	vld.idx.msk [tilespmem:v32+s16+$0x0], $0xffff  }
0x227: {  	v33 =	vld.idx.msk [tilespmem:v33+s16+$0x0], $0xffff  }
0x228: {  	v52 =	vld.idx.msk [tilespmem:v37+s16+$0x0], $0xffff  }
0x229: {  	[tilespmem:v21+s21+$0x0] =	vst.idx.msk $0xffff, v46;
	v21 =	vor.u32 v11, v25;
	v19 =	vld.idx.msk [tilespmem:v19+s16+$0x0], $0xffff  }
0x22a: {  	v25 =	vld.idx.msk [tilespmem:v39+s14+$0x0], $0xffff;
	[tilespmem:v18+s21+$0x0] =	vst.idx.msk $0xffff, v47;
	v18 =	vor.u32 v11, v27  }
0x22b: {  	v24 =	vor.u32 v11, v24;
	[tilespmem:v17+s21+$0x0] =	vst.idx.msk $0xffff, v45;
	v17 =	vld.idx.msk [tilespmem:v26+s16+$0x0], $0xffff;
	v27 =	vadd.f32 v40, v44  }
0x22c: {  	[tilespmem:v16+s21+$0x0] =	vst.idx.msk $0xffff, v43;
	v16 =	vor.u32 v11, v29;
	v26 =	vld.idx.msk [tilespmem:v30+s14+$0x0], $0xffff;
	v15 =	vadd.f32 v31, v15  }
0x22d: {  	v20 =	vld.idx.msk [tilespmem:v20+s14+$0x0], $0xffff;
	[tilespmem:v42+s21+$0x0] =	vst.idx.msk $0xffff, v27;
	v13 =	vadd.f32 v35, v13  }
0x22e: {  	[tilespmem:v21+s21+$0x0] =	vst.idx.msk $0xffff, v15;
	v15 =	vadd.f32 v19, v28  }
0x22f: {  	v19 =	vor.u32 v11, v23;
	[tilespmem:v18+s21+$0x0] =	vst.idx.msk $0xffff, v13;
	v13 =	vadd.f32 v33, v22  }
0x230: {  	[tilespmem:v24+s21+$0x0] =	vst.idx.msk $0xffff, v15;
	v15 =	vadd.f32 v17, v25  }
0x231: {  	v17 =	vadd.f32 v52, v26;
	[tilespmem:v16+s21+$0x0] =	vst.idx.msk $0xffff, v13  }
0x232: {  	v13 =	vadd.f32 v32, v20;
	[tilespmem:v36+s21+$0x0] =	vst.idx.msk $0xffff, v15  }
0x233: {  	[tilespmem:v38+s21+$0x0] =	vst.idx.msk $0xffff, v17  }
0x234: {  	s2 =	sor.u32 $0x70, s11;
	[tilespmem:v19+s21+$0x0] =	vst.idx.msk $0xffff, v13  }
0x235: {  	v13 =	vld [tilespmem:s2+$0x0]  }
0x236: {  	s7 =	simm.s32 $0x1;
	s8 =	simm.s32 $0x5;
	v15 =	vld [tilespmem:s11+$0x1970]  }
0x237: {  	v18 =	vadd.s32 s7, v0;
	v21 =	vadd.s32 s8, v0;
	s8 =	simm.s32 $0x7  }
0x238: {  	s15 =	simm.s32 $0x2;
	v18 =	vand.u32 $0x3F, v18;
	v23 =	vadd.s32 s8, v0;
	v21 =	vand.u32 $0x3F, v21  }
0x239: {  	v23 =	vand.u32 $0x3F, v23;
	v28 =	vshll.u32 v21, $0x7;
	v19 =	vadd.s32 s15, v0;
	s15 =	simm.s32 $0x6  }
0x23a: {  	v26 =	vshll.u32 v23, $0x7;
	v22 =	vadd.s32 s15, v0;
	v13 =	vshll.u32 v13, $0x6  }
0x23b: {  	v16 =	vshll.u32 v15, $0x6;
	v15 =	vor.u32 $0x3800, v1;
	v13 =	vand.u32 $0x40, v13  }
0x23c: {  	v19 =	vand.u32 $0x3F, v19;
	v17 =	vand.u32 $0x40, v16;
	v16 =	vor.u32 v15, v13  }
0x23d: {  	s15 =	simm.s32 $0x8;
	v22 =	vand.u32 $0x3F, v22;
	v17 =	vor.u32 v15, v17;
	v29 =	vor.u32 v23, v16  }
0x23e: {  	s13 =	simm.s32 $0x0;
	v35 =	vadd.s32 s15, v0;
	v54 =	vshll.u32 v22, $0x7;
	v30 =	vor.u32 v19, v17  }
0x23f: {  	v13 =	vadd.s32 s13, v0;
	s13 =	simm.s32 $0x4;
	v53 =	vor.u32 v22, v16;
	v22 =	vor.u32 v22, v17  }
0x240: {  	v20 =	vadd.s32 s13, v0;
	v31 =	vor.u32 v23, v17;
	v23 =	vshll.u32 v19, $0x7  }
0x241: {  	v13 =	vand.u32 $0x3F, v13;
	v33 =	vor.u32 v21, v16;
	v58 =	vor.u32 v19, v16  }
0x242: {  	s13 =	simm.s32 $0x3;
	v21 =	vor.u32 v21, v17;
	v59 =	vor.u32 v18, v16;
	v60 =	vor.u32 v18, v17;
	v44 =	vld.idx.msk [tilespmem:v29+s14+$0x0], $0xffff  }
0x243: {  	v18 =	vshll.u32 v18, $0x7;
	v24 =	vadd.s32 s13, v0;
	v20 =	vand.u32 $0x3F, v20;
	v29 =	vld.idx.msk [tilespmem:v30+s16+$0x0], $0xffff  }
0x244: {  	v55 =	vor.u32 v13, v16;
	v56 =	vor.u32 v13, v17;
	v27 =	vor.u32 v20, v17;
	v22 =	vld.idx.msk [tilespmem:v22+s16+$0x0], $0xffff  }
0x245: {  	v57 =	vshll.u32 v13, $0x7;
	v13 =	vor.u32 $0x70, v0;
	v25 =	vor.u32 v20, v16;
	v32 =	vld.idx.msk [tilespmem:v53+s14+$0x0], $0xffff  }
0x246: {  	v24 =	vand.u32 $0x3F, v24;
	v19 =	vshll.u32 v20, $0x7;
	v47 =	vor.u32 v13, v26;
	v38 =	vld.idx.msk [tilespmem:v58+s14+$0x0], $0xffff  }
0x247: {  	s7 =	simm.s32 $0x9;
	v41 =	vor.u32 v24, v17;
	v20 =	vshll.u32 v24, $0x7;
	v24 =	vor.u32 v24, v16;
	v53 =	vld.idx.msk [tilespmem:v60+s16+$0x0], $0xffff  }
0x248: {  	v26 =	vadd.s32 s7, v0;
	v43 =	vor.u32 v13, v23;
	v23 =	vor.u32 v13, v57;
	v60 =	vld.idx.msk [tilespmem:v31+s16+$0x0], $0xffff  }
0x249: {  	s8 =	simm.s32 $0xA;
	v52 =	vor.u32 v13, v54;
	v49 =	vand.u32 $0x3F, v26;
	v30 =	vor.u32 v13, v19;
	v27 =	vld.idx.msk [tilespmem:v27+s16+$0x0], $0xffff  }
0x24a: {  	v19 =	vor.u32 v13, v18;
	v18 =	vor.u32 v13, v28;
	v28 =	vadd.s32 s8, v0;
	s8 =	simm.s32 $0xE;
	v25 =	vld.idx.msk [tilespmem:v25+s14+$0x0], $0xffff  }
0x24b: {  	v20 =	vor.u32 v13, v20;
	v61 =	vadd.s32 s8, v0;
	v37 =	vld.idx.msk [tilespmem:v56+s16+$0x0], $0xffff;
	v28 =	vand.u32 $0x3F, v28  }
0x24c: {  	v40 =	vor.u32 v49, v17;
	v46 =	vand.u32 $0x3F, v61;
	v56 =	vld.idx.msk [tilespmem:v24+s14+$0x0], $0xffff;
	v24 =	vor.u32 v28, v17  }
0x24d: {  	v36 =	vor.u32 v46, v16;
	v29 =	vadd.f32 v29, v38;
	v31 =	vadd.f32 v22, v32  }
0x24e: {  	s15 =	simm.s32 $0xD;
	s13 =	simm.s32 $0xC;
	v50 =	vld.idx.msk [tilespmem:v21+s16+$0x0], $0xffff;
	v32 =	vor.u32 v49, v16;
	v38 =	vadd.f32 v60, v44;
	v49 =	vshll.u32 v49, $0x7  }
0x24f: {  	v39 =	vld.idx.msk [tilespmem:v59+s14+$0x0], $0xffff;
	v42 =	vadd.f32 v27, v25;
	v25 =	vadd.s32 s13, v0;
	v27 =	vadd.s32 s15, v0  }
0x250: {  	v57 =	vld.idx.msk [tilespmem:v33+s14+$0x0], $0xffff;
	s13 =	simm.s32 $0xF;
	[tilespmem:v43+s21+$0x0] =	vst.idx.msk $0xffff, v29;
	v29 =	vshll.u32 v46, $0x7;
	v43 =	vor.u32 v28, v16;
	v51 =	vand.u32 $0x3F, v25  }
0x251: {  	v59 =	vld.idx.msk [tilespmem:v41+s16+$0x0], $0xffff;
	v26 =	vadd.s32 s13, v0;
	v62 =	vand.u32 $0x3F, v27;
	v63 =	vor.u32 v51, v17  }
0x252: {  	v45 =	vld.idx.msk [tilespmem:v55+s14+$0x0], $0xffff;
	[tilespmem:v47+s21+$0x0] =	vst.idx.msk $0xffff, v38;
	v21 =	vand.u32 $0x3F, v26;
	v54 =	vor.u32 v51, v16;
	v25 =	vshll.u32 v62, $0x7  }
0x253: {  	v22 =	vor.u32 v62, v16;
	v34 =	vor.u32 v62, v17;
	v62 =	vor.u32 v46, v17  }
0x254: {  	s15 =	simm.s32 $0xB;
	v47 =	vadd.f32 v53, v39;
	[tilespmem:v30+s21+$0x0] =	vst.idx.msk $0xffff, v42;
	v30 =	vand.u32 $0x3F, v35;
	v55 =	vor.u32 v21, v16  }
0x255: {  	v39 =	vor.u32 v13, v49;
	v48 =	vadd.s32 s15, v0;
	v33 =	vld.idx.msk [tilespmem:v24+s16+$0x0], $0xffff;
	v61 =	vor.u32 v30, v16  }
0x256: {  	v27 =	vshll.u32 v28, $0x7;
	v49 =	vadd.f32 v59, v56;
	v58 =	vand.u32 $0x3F, v48;
	v42 =	vld.idx.msk [tilespmem:v63+s16+$0x0], $0xffff  }
0x257: {  	v51 =	vshll.u32 v51, $0x7;
	v48 =	vadd.f32 v37, v45;
	v45 =	vadd.f32 v50, v57;
	v46 =	vld.idx.msk [tilespmem:v54+s14+$0x0], $0xffff  }
0x258: {  	v26 =	vshll.u32 v21, $0x7;
	v21 =	vor.u32 v21, v17;
	v35 =	vor.u32 v30, v17;
	v37 =	vld.idx.msk [tilespmem:v62+s16+$0x0], $0xffff  }
0x259: {  	[tilespmem:v52+s21+$0x0] =	vst.idx.msk $0xffff, v31;
	v31 =	vshll.u32 v30, $0x7;
	v28 =	vor.u32 v58, v17;
	v63 =	vshll.u32 v58, $0x7;
	v30 =	vld.idx.msk [tilespmem:v55+s14+$0x0], $0xffff  }
0x25a: {  	s13 =	simm.s32 $0x10;
	v41 =	vor.u32 v58, v16;
	v44 =	vor.u32 v13, v51;
	v24 =	vld.idx.msk [tilespmem:v61+s14+$0x0], $0xffff;
	v38 =	vor.u32 v13, v63  }
.LBB2_19:
0x25b: {  	v50 =	vadd.s32 s13, v0;
	s2 =	sadd.s32 $0x1, s13;
	s7 =	sadd.s32 $0x2, s13;
	s8 =	sadd.s32 $0x3, s13;
	v25 =	vor.u32 v13, v25;
	v51 =	vor.u32 v13, v26;
	[tilespmem:v23+s21+$0x0] =	vst.idx.msk $0xffff, v48  }
0x25c: {  	s15 =	sadd.s32 $0x6, s13;
	v42 =	vadd.f32 v42, v46;
	v23 =	vadd.s32 s2, v0;
	v26 =	vadd.s32 s7, v0;
	s2 =	sadd.s32 $0x4, s13;
	s7 =	sadd.s32 $0x5, s13;
	v36 =	vld.idx.msk [tilespmem:v36+s14+$0x0], $0xffff;
	[tilespmem:v20+s21+$0x0] =	vst.idx.msk $0xffff, v49  }
0x25d: {  	p1 =	slt.u32 s13, $0x38;
	v48 =	vor.u32 v13, v27;
	v20 =	vadd.s32 s2, v0;
	v46 =	vadd.s32 s7, v0;
	s2 =	sadd.s32 $0x7, s13;
	s13 =	sadd.s32 $0x8, s13;
	v43 =	vld.idx.msk [tilespmem:v43+s14+$0x0], $0xffff;
	[tilespmem:v19+s21+$0x0] =	vst.idx.msk $0xffff, v47  }
0x25e: {  	v49 =	vadd.s32 s15, v0;
	v47 =	vand.u32 $0x3F, v23;
	v56 =	vadd.s32 s2, v0;
	v52 =	vld.idx.msk [tilespmem:v34+s16+$0x0], $0xffff;
	[tilespmem:v18+s21+$0x0] =	vst.idx.msk $0xffff, v45;
	v18 =	vmovc v25  }
0x25f: {  	v23 =	vor.u32 v13, v31;
	v34 =	vadd.s32 s8, v0;
	v45 =	vand.u32 $0x3F, v20;
	v53 =	vld.idx.msk [tilespmem:v35+s16+$0x0], $0xffff;
	[tilespmem:v44+s21+$0x0] =	vst.idx.msk $0xffff, v42  }
0x260: {  	v55 =	vmovc v30;
	v31 =	vor.u32 v13, v29;
	v19 =	vmovc v39;
	v44 =	vand.u32 $0x3F, v26;
	v27 =	vand.u32 $0x3F, v56;
	v54 =	vld.idx.msk [tilespmem:v40+s16+$0x0], $0xffff  }
0x261: {  	v29 =	vand.u32 $0x3F, v46;
	v39 =	vor.u32 v45, v16;
	v26 =	vshll.u32 v27, $0x7;
	v20 =	vmovc v38;
	v56 =	vld.idx.msk [tilespmem:v32+s14+$0x0], $0xffff  }
0x262: {  	v30 =	vor.u32 v45, v17;
	v25 =	vshll.u32 v29, $0x7;
	v32 =	vor.u32 v27, v16;
	v57 =	vld.idx.msk [tilespmem:v41+s14+$0x0], $0xffff  }
0x263: {  	v38 =	vor.u32 v44, v17;
	v33 =	vadd.f32 v33, v43;
	v41 =	vld.idx.msk [tilespmem:v21+s16+$0x0], $0xffff;
	v21 =	vor.u32 v27, v17  }
0x264: {  	v40 =	vand.u32 $0x3F, v49;
	v35 =	vadd.f32 v37, v36;
	v27 =	vshll.u32 v44, $0x7;
	v49 =	vld.idx.msk [tilespmem:v22+s14+$0x0], $0xffff  }
0x265: {  	v37 =	vand.u32 $0x3F, v50;
	v50 =	vand.u32 $0x3F, v34;
	v36 =	vor.u32 v40, v16;
	[tilespmem:v48+s21+$0x0] =	vst.idx.msk $0xffff, v33;
	v58 =	vld.idx.msk [tilespmem:v28+s16+$0x0], $0xffff  }
0x266: {  	v34 =	vor.u32 v29, v17;
	v22 =	vor.u32 v29, v16;
	v29 =	vshll.u32 v40, $0x7;
	[tilespmem:v31+s21+$0x0] =	vst.idx.msk $0xffff, v35  }
0x267: {  	v59 =	vor.u32 v37, v16;
	v35 =	vor.u32 v37, v17;
	v31 =	vshll.u32 v37, $0x7;
	v42 =	vld.idx.msk [tilespmem:v30+s16+$0x0], $0xffff  }
0x268: {  	v60 =	vor.u32 v40, v17;
	v43 =	vor.u32 v44, v16;
	v37 =	vshll.u32 v45, $0x7;
	v30 =	vld.idx.msk [tilespmem:v32+s14+$0x0], $0xffff  }
.Ltmp8:
0x269: {  	v40 =	vor.u32 v47, v17;
	v32 =	vor.u32 v47, v16;
	v46 =	vld.idx.msk [tilespmem:v39+s14+$0x0], $0xffff;
	v39 =	vadd.f32 v41, v55;
	(pc) =	sbr.rel @p1 .LBB2_19-.Ltmp8, $4  }
0x26a: {  	v28 =	vor.u32 v50, v17;
	v48 =	vadd.f32 v53, v24;
	v55 =	vshll.u32 v50, $0x7  }
0x26b: {  	v53 =	vshll.u32 v47, $0x7;
	v45 =	vadd.f32 v52, v49;
	v33 =	vld.idx.msk [tilespmem:v38+s16+$0x0], $0xffff;
	[tilespmem:v51+s21+$0x0] =	vst.idx.msk $0xffff, v39  }
0x26c: {  	v44 =	vor.u32 v13, v37;
	v47 =	vadd.f32 v54, v56;
	v41 =	vor.u32 v50, v16;
	v24 =	vld.idx.msk [tilespmem:v59+s14+$0x0], $0xffff  }
0x26d: {  	v49 =	vadd.f32 v58, v57;
	v39 =	vor.u32 v13, v53;
	v38 =	vor.u32 v13, v55;
	v37 =	vld.idx.msk [tilespmem:v60+s16+$0x0], $0xffff  }
0x26e: {  	_ =	sdelay $0x3  }
0x26f: {  	v16 =	vld.idx.msk [tilespmem:v36+s14+$0x0], $0xffff  }
0x270: {  	v17 =	vld.idx.msk [tilespmem:v43+s14+$0x0], $0xffff  }
0x271: {  	v34 =	vld.idx.msk [tilespmem:v34+s16+$0x0], $0xffff  }
0x272: {  	v35 =	vld.idx.msk [tilespmem:v35+s16+$0x0], $0xffff  }
0x273: {  	v53 =	vld.idx.msk [tilespmem:v40+s16+$0x0], $0xffff  }
0x274: {  	[tilespmem:v23+s21+$0x0] =	vst.idx.msk $0xffff, v48;
	v23 =	vor.u32 v13, v27;
	v21 =	vld.idx.msk [tilespmem:v21+s16+$0x0], $0xffff  }
0x275: {  	v27 =	vld.idx.msk [tilespmem:v41+s14+$0x0], $0xffff;
	[tilespmem:v20+s21+$0x0] =	vst.idx.msk $0xffff, v49;
	v20 =	vor.u32 v13, v29  }
0x276: {  	v26 =	vor.u32 v13, v26;
	[tilespmem:v19+s21+$0x0] =	vst.idx.msk $0xffff, v47;
	v19 =	vld.idx.msk [tilespmem:v28+s16+$0x0], $0xffff;
	v29 =	vadd.f32 v42, v46  }
0x277: {  	[tilespmem:v18+s21+$0x0] =	vst.idx.msk $0xffff, v45;
	v18 =	vor.u32 v13, v31;
	v28 =	vld.idx.msk [tilespmem:v32+s14+$0x0], $0xffff;
	v17 =	vadd.f32 v33, v17  }
0x278: {  	v22 =	vld.idx.msk [tilespmem:v22+s14+$0x0], $0xffff;
	[tilespmem:v44+s21+$0x0] =	vst.idx.msk $0xffff, v29;
	v16 =	vadd.f32 v37, v16  }
0x279: {  	[tilespmem:v23+s21+$0x0] =	vst.idx.msk $0xffff, v17;
	v17 =	vadd.f32 v21, v30  }
0x27a: {  	v21 =	vor.u32 v13, v25;
	[tilespmem:v20+s21+$0x0] =	vst.idx.msk $0xffff, v16;
	v16 =	vadd.f32 v35, v24  }
0x27b: {  	[tilespmem:v26+s21+$0x0] =	vst.idx.msk $0xffff, v17;
	v17 =	vadd.f32 v19, v27  }
0x27c: {  	s2 =	sadd.s32 s3, s11;
	v19 =	vadd.f32 v53, v28;
	[tilespmem:v18+s21+$0x0] =	vst.idx.msk $0xffff, v16  }
0x27d: {  	s7 =	sshll.u32 s2, $0x3;
	s2 =	sand.u32 $0xF00, s2;
	v16 =	vadd.f32 v34, v22;
	[tilespmem:v38+s21+$0x0] =	vst.idx.msk $0xffff, v17  }
0x27e: {  	s7 =	sand.u32 $0xFFF8000, s7;
	s2 =	sadd.s32 s6, s2;
	[tilespmem:v39+s21+$0x0] =	vst.idx.msk $0xffff, v19  }
0x27f: {  	p1 =	seq.s32 s1, $0x18;
	s2 =	sadd.s32 s7, s2;
	[tilespmem:v21+s21+$0x0] =	vst.idx.msk $0xffff, v16  }
0x280: {  	[hbm4b:s2+s22] =	stream.strided.scatter [tilespmem:s21], [sflag:$0x5], $0x2000, s23, s22, $0x38;
	[tilespmem:$0x1AA00] =	vst v63  }
0x281: {  	s8 =	simm.s32 @!p1 $0x6A00;
	s7 =	simm.s32 @!p1 $0x80;
	s2 =	sadd.s32 @!p1 $0x3300, s11  }
0x282: {  	[tilespmem:s8], [sflag:$0x1] =	stream.indirect.gather @!p1 [hbm4b:s4+s7], $0x80, s2, s7, $0xb8;
	[tilespmem:$0x1AA00] =	vst v63  }
0x283: {  	s2 =	sadd.s32 @!p1 $0x4F00, s11;
	s8 =	simm.s32 @!p1 $0xEA00  }
0x284: {  	[tilespmem:s8], [sflag:$0x3] =	stream.indirect.gather @!p1 [hbm4b:s5+s7], $0x80, s2, s7, $0xb8;
	[tilespmem:$0x1AA00] =	vst v63  }
0x285: {  	_ =	swait.ge [sflag:s24], $0x4000  }
0x286: {  	[sflag:s24] =	ssyncset.done $0x0  }
0x287: {  	[sflag:s24] =	ssyncadd.s32 $0xFFFFC000  }
0x288: {  	_ =	swait.ge [sflag:s25], $0x4000  }
0x289: {  	[sflag:s25] =	ssyncset.done $0x0  }
0x28a: {  	s2 =	simm.s32 @!p0 $0x6;
	[sflag:s25] =	ssyncadd.s32 $0xFFFFC000  }
0x28b: {  	_ =	swait.ge @!p0 [sflag:s2], $0x2000  }
0x28c: {  	[sflag:s2] =	ssyncset.done @!p0 $0x0  }
0x28d: {  	[sflag:s2] =	ssyncadd.s32 @!p0 $0xFFFFE000  }
0x28e: {  	v17 =	vld [tilespmem:s0+$0x1900]  }
0x28f: {  	v16 =	vld [tilespmem:s0+$0x0]  }
0x290: {  	s13 =	simm.s32 $0x0  }
0x291: {  	v18 =	vadd.s32 s13, v0  }
0x292: {  	s15 =	simm.s32 $0x4;
	s13 =	simm.s32 $0x2;
	v18 =	vand.u32 $0x3F, v18  }
0x293: {  	v26 =	vadd.s32 s13, v0;
	v19 =	vadd.s32 s15, v0;
	v17 =	vshll.u32 v17, $0x6  }
0x294: {  	v27 =	vshll.u32 v18, $0x7;
	v16 =	vshll.u32 v16, $0x6;
	v17 =	vand.u32 $0x40, v17  }
0x295: {  	v23 =	vand.u32 $0x3F, v19;
	s8 =	simm.s32 $0x1;
	v16 =	vand.u32 $0x40, v16;
	v17 =	vor.u32 v1, v17  }
0x296: {  	v20 =	vadd.s32 s8, v0;
	s8 =	simm.s32 $0x7;
	v16 =	vor.u32 v1, v16;
	v21 =	vor.u32 v23, v17  }
0x297: {  	s15 =	simm.s32 $0x5;
	v26 =	vand.u32 $0x3F, v26;
	v22 =	vadd.s32 s8, v0;
	v24 =	vor.u32 v18, v16  }
0x298: {  	v19 =	vadd.s32 s15, v0;
	v28 =	vand.u32 $0x3F, v22;
	v18 =	vor.u32 v18, v17  }
0x299: {  	s15 =	simm.s32 $0x6;
	v33 =	vor.u32 v0, v27;
	v25 =	vand.u32 $0x3F, v19;
	v29 =	vor.u32 v28, v16  }
0x29a: {  	v39 =	vshll.u32 v26, $0x7;
	v19 =	vadd.s32 s15, v0;
	v54 =	vor.u32 v25, v16  }
0x29b: {  	s13 =	simm.s32 $0x3;
	v37 =	vshll.u32 v23, $0x7;
	v31 =	vand.u32 $0x3F, v19;
	v56 =	vor.u32 v25, v17;
	v19 =	vld.idx.msk [tilespmem:v21+s18+$0x0], $0xffff  }
0x29c: {  	v57 =	vshll.u32 v25, $0x7;
	v22 =	vadd.s32 s13, v0;
	v55 =	vor.u32 v28, v17;
	v60 =	vld.idx.msk [tilespmem:v24+s17+$0x0], $0xffff  }
0x29d: {  	v59 =	vshll.u32 v31, $0x7;
	v58 =	vand.u32 $0x3F, v22;
	v30 =	vor.u32 v23, v16;
	v61 =	vld.idx.msk [tilespmem:v18+s18+$0x0], $0xffff  }
0x29e: {  	v32 =	vor.u32 v0, v57;
	v20 =	vand.u32 $0x3F, v20;
	v18 =	vor.u32 v58, v17;
	v24 =	vld.idx.msk [tilespmem:v29+s17+$0x0], $0xffff  }
0x29f: {  	v63 =	vshll.u32 v20, $0x7;
	v62 =	vshll.u32 v28, $0x7;
	v35 =	vor.u32 v20, v17;
	v29 =	vld.idx.msk [tilespmem:v54+s17+$0x0], $0xffff  }
0x2a0: {  	v25 =	vor.u32 v31, v16;
	v22 =	vor.u32 v31, v17;
	v31 =	vor.u32 v20, v16;
	v34 =	vld.idx.msk [tilespmem:v56+s18+$0x0], $0xffff  }
0x2a1: {  	v28 =	vor.u32 v26, v16;
	v36 =	vor.u32 v26, v17;
	v26 =	vshll.u32 v58, $0x7;
	v27 =	vld.idx.msk [tilespmem:v55+s18+$0x0], $0xffff  }
0x2a2: {  	v20 =	vor.u32 v0, v59;
	v21 =	vor.u32 v58, v16;
	v38 =	vld.idx.msk [tilespmem:v30+s17+$0x0], $0xffff;
	v30 =	vor.u32 v0, v62  }
0x2a3: {  	s13 =	simm.s32 $0x8;
	v23 =	vld.idx.msk [tilespmem:v18+s18+$0x0], $0xffff;
	v18 =	vor.u32 v0, v26;
	v40 =	vadd.f32 v61, v60;
	v26 =	vor.u32 v0, v63  }
.LBB2_21:
0x2a4: {  	v41 =	vadd.s32 s13, v0;
	s2 =	sadd.s32 $0x1, s13;
	s7 =	sadd.s32 $0x2, s13;
	s8 =	sadd.s32 $0x3, s13;
	v35 =	vld.idx.msk [tilespmem:v35+s18+$0x0], $0xffff;
	v39 =	vor.u32 v0, v39;
	v37 =	vor.u32 v0, v37  }
0x2a5: {  	s15 =	sadd.s32 $0x6, s13;
	v41 =	vand.u32 $0x3F, v41;
	v42 =	vadd.s32 s2, v0;
	v43 =	vadd.s32 s7, v0;
	s2 =	sadd.s32 $0x4, s13;
	s7 =	sadd.s32 $0x5, s13;
	[tilespmem:v33+s26+$0x0] =	vst.idx.msk $0xffff, v40;
	v31 =	vld.idx.msk [tilespmem:v31+s17+$0x0], $0xffff  }
0x2a6: {  	p0 =	slt.u32 s13, $0x38;
	v29 =	vadd.f32 v34, v29;
	v33 =	vadd.s32 s2, v0;
	v40 =	vadd.s32 s7, v0;
	s2 =	sadd.s32 $0x7, s13;
	s13 =	sadd.s32 $0x8, s13;
	v36 =	vld.idx.msk [tilespmem:v36+s18+$0x0], $0xffff  }
0x2a7: {  	v34 =	vshll.u32 v41, $0x7;
	v42 =	vand.u32 $0x3F, v42;
	v44 =	vadd.s32 s2, v0;
	v45 =	vld.idx.msk [tilespmem:v25+s17+$0x0], $0xffff  }
0x2a8: {  	v46 =	vadd.s32 s15, v0;
	v25 =	vadd.s32 s8, v0;
	v33 =	vand.u32 $0x3F, v33;
	v28 =	vld.idx.msk [tilespmem:v28+s17+$0x0], $0xffff;
	[tilespmem:v32+s26+$0x0] =	vst.idx.msk $0xffff, v29  }
0x2a9: {  	v29 =	vor.u32 v33, v17;
	v32 =	vand.u32 $0x3F, v44;
	v19 =	vadd.f32 v19, v38;
	v38 =	vld.idx.msk [tilespmem:v22+s18+$0x0], $0xffff  }
0x2aa: {  	v22 =	vor.u32 v41, v16;
	v41 =	vor.u32 v41, v17;
	v44 =	vld.idx.msk [tilespmem:v21+s17+$0x0], $0xffff;
	v21 =	vadd.f32 v27, v24  }
0x2ab: {  	v47 =	vor.u32 v33, v16;
	v24 =	vand.u32 $0x3F, v46;
	v27 =	vor.u32 v32, v16;
	[tilespmem:v37+s26+$0x0] =	vst.idx.msk $0xffff, v19  }
0x2ac: {  	v31 =	vadd.f32 v35, v31;
	v19 =	vand.u32 $0x3F, v40;
	v40 =	vor.u32 v32, v17;
	[tilespmem:v30+s26+$0x0] =	vst.idx.msk $0xffff, v21  }
0x2ad: {  	v30 =	vor.u32 v19, v16;
	v46 =	vor.u32 v19, v17;
	v48 =	vshll.u32 v19, $0x7  }
0x2ae: {  	v49 =	vand.u32 $0x3F, v25;
	v50 =	vshll.u32 v24, $0x7;
	v19 =	vld.idx.msk [tilespmem:v29+s18+$0x0], $0xffff;
	[tilespmem:v26+s26+$0x0] =	vst.idx.msk $0xffff, v31;
	v26 =	vadd.f32 v36, v28  }
0x2af: {  	v25 =	vor.u32 v24, v16;
	v28 =	vadd.f32 v38, v45;
	v51 =	vld.idx.msk [tilespmem:v22+s17+$0x0], $0xffff;
	v22 =	vor.u32 v24, v17  }
0x2b0: {  	v21 =	vor.u32 v49, v16;
	v23 =	vadd.f32 v23, v44;
	v38 =	vld.idx.msk [tilespmem:v41+s18+$0x0], $0xffff;
	v41 =	vor.u32 v49, v17  }
0x2b1: {  	v35 =	vor.u32 v42, v17;
	v31 =	vor.u32 v42, v16;
	v24 =	vld.idx.msk [tilespmem:v27+s17+$0x0], $0xffff;
	[tilespmem:v39+s26+$0x0] =	vst.idx.msk $0xffff, v26  }
.Ltmp9:
0x2b2: {  	v37 =	vshll.u32 v33, $0x7;
	v26 =	vand.u32 $0x3F, v43;
	v29 =	vld.idx.msk [tilespmem:v30+s17+$0x0], $0xffff;
	v30 =	vshll.u32 v32, $0x7;
	[tilespmem:v20+s26+$0x0] =	vst.idx.msk $0xffff, v28;
	(pc) =	sbr.rel @p0 .LBB2_21-.Ltmp9, $4  }
0x2b3: {  	v33 =	vor.u32 v0, v34;
	v28 =	vor.u32 v26, v16;
	v36 =	vor.u32 v26, v17;
	v34 =	vld.idx.msk [tilespmem:v46+s18+$0x0], $0xffff  }
0x2b4: {  	v39 =	vshll.u32 v26, $0x7;
	v20 =	vshll.u32 v49, $0x7;
	v32 =	vor.u32 v0, v48;
	v27 =	vld.idx.msk [tilespmem:v40+s18+$0x0], $0xffff;
	[tilespmem:v18+s26+$0x0] =	vst.idx.msk $0xffff, v23  }
0x2b5: {  	v26 =	vshll.u32 v42, $0x7;
	v18 =	vor.u32 v0, v20;
	v20 =	vor.u32 v0, v50;
	v23 =	vld.idx.msk [tilespmem:v41+s18+$0x0], $0xffff  }
0x2b6: {  	v26 =	vor.u32 v0, v26;
	v30 =	vor.u32 v0, v30;
	v40 =	vadd.f32 v38, v51;
	v38 =	vld.idx.msk [tilespmem:v47+s17+$0x0], $0xffff  }
0x2b7: {  	_ =	sdelay $0x3  }
0x2b8: {  	v16 =	vld.idx.msk [tilespmem:v35+s18+$0x0], $0xffff  }
0x2b9: {  	v17 =	vld.idx.msk [tilespmem:v31+s17+$0x0], $0xffff  }
0x2ba: {  	v31 =	vld.idx.msk [tilespmem:v36+s18+$0x0], $0xffff  }
0x2bb: {  	v25 =	vld.idx.msk [tilespmem:v25+s17+$0x0], $0xffff  }
0x2bc: {  	v57 =	vor.u32 v0, v37;
	v28 =	vld.idx.msk [tilespmem:v28+s17+$0x0], $0xffff  }
0x2bd: {  	v21 =	vld.idx.msk [tilespmem:v21+s17+$0x0], $0xffff;
	v29 =	vadd.f32 v34, v29  }
0x2be: {  	v22 =	vld.idx.msk [tilespmem:v22+s18+$0x0], $0xffff;
	v58 =	vor.u32 v0, v39;
	[tilespmem:v33+s26+$0x0] =	vst.idx.msk $0xffff, v40;
	v24 =	vadd.f32 v27, v24  }
0x2bf: {  	[tilespmem:v32+s26+$0x0] =	vst.idx.msk $0xffff, v29;
	v19 =	vadd.f32 v19, v38  }
0x2c0: {  	[tilespmem:v30+s26+$0x0] =	vst.idx.msk $0xffff, v24;
	v16 =	vadd.f32 v16, v17  }
0x2c1: {  	v17 =	vadd.f32 v31, v28;
	[tilespmem:v57+s26+$0x0] =	vst.idx.msk $0xffff, v19  }
0x2c2: {  	v19 =	vadd.f32 v23, v21;
	[tilespmem:v26+s26+$0x0] =	vst.idx.msk $0xffff, v16  }
0x2c3: {  	v16 =	vadd.f32 v22, v25;
	[tilespmem:v58+s26+$0x0] =	vst.idx.msk $0xffff, v17  }
0x2c4: {  	[tilespmem:v18+s26+$0x0] =	vst.idx.msk $0xffff, v19  }
0x2c5: {  	[tilespmem:v20+s26+$0x0] =	vst.idx.msk $0xffff, v16  }
0x2c6: {  	s2 =	sor.u32 $0x90, s11;
	v17 =	vld [tilespmem:s11+$0x1990]  }
0x2c7: {  	v16 =	vld [tilespmem:s2+$0x0];
	_ =	sdelay $0x1  }
0x2c8: {  	s15 =	simm.s32 $0x0;
	s13 =	simm.s32 $0x2  }
0x2c9: {  	s7 =	simm.s32 $0x4;
	v26 =	vadd.s32 s13, v0;
	v18 =	vadd.s32 s15, v0  }
0x2ca: {  	v19 =	vadd.s32 s7, v0;
	v26 =	vand.u32 $0x3F, v26;
	v17 =	vshll.u32 v17, $0x6  }
0x2cb: {  	v18 =	vand.u32 $0x3F, v18;
	v16 =	vshll.u32 v16, $0x6;
	v17 =	vand.u32 $0x40, v17  }
0x2cc: {  	s8 =	simm.s32 $0x1;
	v23 =	vand.u32 $0x3F, v19;
	v16 =	vand.u32 $0x40, v16;
	v17 =	vor.u32 v2, v17  }
0x2cd: {  	s15 =	simm.s32 $0x5;
	v20 =	vadd.s32 s8, v0;
	s8 =	simm.s32 $0x7;
	v16 =	vor.u32 v2, v16;
	v21 =	vor.u32 v23, v17  }
0x2ce: {  	v19 =	vadd.s32 s15, v0;
	v22 =	vadd.s32 s8, v0;
	v24 =	vor.u32 v18, v16  }
0x2cf: {  	v27 =	vshll.u32 v18, $0x7;
	v28 =	vand.u32 $0x3F, v22;
	v18 =	vor.u32 v18, v17  }
0x2d0: {  	s15 =	simm.s32 $0x6;
	v39 =	vshll.u32 v26, $0x7;
	v25 =	vand.u32 $0x3F, v19;
	v29 =	vor.u32 v28, v16  }
0x2d1: {  	v20 =	vand.u32 $0x3F, v20;
	v19 =	vadd.s32 s15, v0;
	v59 =	vor.u32 v25, v16  }
0x2d2: {  	s13 =	simm.s32 $0x3;
	v37 =	vshll.u32 v23, $0x7;
	v31 =	vand.u32 $0x3F, v19;
	v61 =	vor.u32 v25, v17;
	v19 =	vld.idx.msk [tilespmem:v21+s18+$0x0], $0xffff  }
0x2d3: {  	v22 =	vadd.s32 s13, v0;
	v62 =	vshll.u32 v25, $0x7;
	v60 =	vor.u32 v28, v17;
	v43 =	vld.idx.msk [tilespmem:v24+s17+$0x0], $0xffff  }
0x2d4: {  	v33 =	vor.u32 v3, v27;
	v41 =	vand.u32 $0x3F, v22;
	v30 =	vor.u32 v23, v16;
	v44 =	vld.idx.msk [tilespmem:v18+s18+$0x0], $0xffff  }
0x2d5: {  	v63 =	vshll.u32 v20, $0x7;
	v42 =	vshll.u32 v31, $0x7;
	v18 =	vor.u32 v41, v17;
	v24 =	vld.idx.msk [tilespmem:v29+s17+$0x0], $0xffff  }
0x2d6: {  	v45 =	vshll.u32 v28, $0x7;
	v32 =	vor.u32 v3, v62;
	v35 =	vor.u32 v20, v17;
	v29 =	vld.idx.msk [tilespmem:v59+s17+$0x0], $0xffff  }
0x2d7: {  	v25 =	vor.u32 v31, v16;
	v22 =	vor.u32 v31, v17;
	v31 =	vor.u32 v20, v16;
	v34 =	vld.idx.msk [tilespmem:v61+s18+$0x0], $0xffff  }
0x2d8: {  	v28 =	vor.u32 v26, v16;
	v36 =	vor.u32 v26, v17;
	v26 =	vshll.u32 v41, $0x7;
	v27 =	vld.idx.msk [tilespmem:v60+s18+$0x0], $0xffff  }
0x2d9: {  	v20 =	vor.u32 v3, v42;
	v21 =	vor.u32 v41, v16;
	v38 =	vld.idx.msk [tilespmem:v30+s17+$0x0], $0xffff;
	v30 =	vor.u32 v3, v45  }
0x2da: {  	s13 =	simm.s32 $0x8;
	v23 =	vld.idx.msk [tilespmem:v18+s18+$0x0], $0xffff;
	v18 =	vor.u32 v3, v26;
	v40 =	vadd.f32 v44, v43;
	v26 =	vor.u32 v3, v63  }
.LBB2_23:
0x2db: {  	v41 =	vadd.s32 s13, v0;
	s2 =	sadd.s32 $0x1, s13;
	s7 =	sadd.s32 $0x2, s13;
	s8 =	sadd.s32 $0x3, s13;
	v35 =	vld.idx.msk [tilespmem:v35+s18+$0x0], $0xffff;
	v39 =	vor.u32 v3, v39;
	v37 =	vor.u32 v3, v37  }
0x2dc: {  	s15 =	sadd.s32 $0x6, s13;
	v41 =	vand.u32 $0x3F, v41;
	v42 =	vadd.s32 s2, v0;
	v43 =	vadd.s32 s7, v0;
	s2 =	sadd.s32 $0x4, s13;
	s7 =	sadd.s32 $0x5, s13;
	[tilespmem:v33+s26+$0x0] =	vst.idx.msk $0xffff, v40;
	v31 =	vld.idx.msk [tilespmem:v31+s17+$0x0], $0xffff  }
0x2dd: {  	p0 =	slt.u32 s13, $0x38;
	v29 =	vadd.f32 v34, v29;
	v33 =	vadd.s32 s2, v0;
	v40 =	vadd.s32 s7, v0;
	s2 =	sadd.s32 $0x7, s13;
	s13 =	sadd.s32 $0x8, s13;
	v36 =	vld.idx.msk [tilespmem:v36+s18+$0x0], $0xffff  }
0x2de: {  	v34 =	vshll.u32 v41, $0x7;
	v42 =	vand.u32 $0x3F, v42;
	v44 =	vadd.s32 s2, v0;
	v45 =	vld.idx.msk [tilespmem:v25+s17+$0x0], $0xffff  }
0x2df: {  	v46 =	vadd.s32 s15, v0;
	v25 =	vadd.s32 s8, v0;
	v33 =	vand.u32 $0x3F, v33;
	v28 =	vld.idx.msk [tilespmem:v28+s17+$0x0], $0xffff;
	[tilespmem:v32+s26+$0x0] =	vst.idx.msk $0xffff, v29  }
0x2e0: {  	v29 =	vor.u32 v33, v17;
	v32 =	vand.u32 $0x3F, v44;
	v19 =	vadd.f32 v19, v38;
	v38 =	vld.idx.msk [tilespmem:v22+s18+$0x0], $0xffff  }
0x2e1: {  	v22 =	vor.u32 v41, v16;
	v41 =	vor.u32 v41, v17;
	v44 =	vld.idx.msk [tilespmem:v21+s17+$0x0], $0xffff;
	v21 =	vadd.f32 v27, v24  }
0x2e2: {  	v47 =	vor.u32 v33, v16;
	v24 =	vand.u32 $0x3F, v46;
	v27 =	vor.u32 v32, v16;
	[tilespmem:v37+s26+$0x0] =	vst.idx.msk $0xffff, v19  }
0x2e3: {  	v31 =	vadd.f32 v35, v31;
	v19 =	vand.u32 $0x3F, v40;
	v40 =	vor.u32 v32, v17;
	[tilespmem:v30+s26+$0x0] =	vst.idx.msk $0xffff, v21  }
0x2e4: {  	v30 =	vor.u32 v19, v16;
	v46 =	vor.u32 v19, v17;
	v48 =	vshll.u32 v19, $0x7  }
0x2e5: {  	v49 =	vand.u32 $0x3F, v25;
	v50 =	vshll.u32 v24, $0x7;
	v19 =	vld.idx.msk [tilespmem:v29+s18+$0x0], $0xffff;
	[tilespmem:v26+s26+$0x0] =	vst.idx.msk $0xffff, v31;
	v26 =	vadd.f32 v36, v28  }
0x2e6: {  	v25 =	vor.u32 v24, v16;
	v28 =	vadd.f32 v38, v45;
	v51 =	vld.idx.msk [tilespmem:v22+s17+$0x0], $0xffff;
	v22 =	vor.u32 v24, v17  }
0x2e7: {  	v21 =	vor.u32 v49, v16;
	v23 =	vadd.f32 v23, v44;
	v38 =	vld.idx.msk [tilespmem:v41+s18+$0x0], $0xffff;
	v41 =	vor.u32 v49, v17  }
0x2e8: {  	v35 =	vor.u32 v42, v17;
	v31 =	vor.u32 v42, v16;
	v24 =	vld.idx.msk [tilespmem:v27+s17+$0x0], $0xffff;
	[tilespmem:v39+s26+$0x0] =	vst.idx.msk $0xffff, v26  }
.Ltmp10:
0x2e9: {  	v37 =	vshll.u32 v33, $0x7;
	v26 =	vand.u32 $0x3F, v43;
	v29 =	vld.idx.msk [tilespmem:v30+s17+$0x0], $0xffff;
	v30 =	vshll.u32 v32, $0x7;
	[tilespmem:v20+s26+$0x0] =	vst.idx.msk $0xffff, v28;
	(pc) =	sbr.rel @p0 .LBB2_23-.Ltmp10, $4  }
0x2ea: {  	v33 =	vor.u32 v3, v34;
	v28 =	vor.u32 v26, v16;
	v36 =	vor.u32 v26, v17;
	v34 =	vld.idx.msk [tilespmem:v46+s18+$0x0], $0xffff  }
0x2eb: {  	v39 =	vshll.u32 v26, $0x7;
	v20 =	vshll.u32 v49, $0x7;
	v32 =	vor.u32 v3, v48;
	v27 =	vld.idx.msk [tilespmem:v40+s18+$0x0], $0xffff;
	[tilespmem:v18+s26+$0x0] =	vst.idx.msk $0xffff, v23  }
0x2ec: {  	v26 =	vshll.u32 v42, $0x7;
	v18 =	vor.u32 v3, v20;
	v20 =	vor.u32 v3, v50;
	v23 =	vld.idx.msk [tilespmem:v41+s18+$0x0], $0xffff  }
0x2ed: {  	v26 =	vor.u32 v3, v26;
	v30 =	vor.u32 v3, v30;
	v40 =	vadd.f32 v38, v51;
	v38 =	vld.idx.msk [tilespmem:v47+s17+$0x0], $0xffff  }
0x2ee: {  	_ =	sdelay $0x3  }
0x2ef: {  	v16 =	vld.idx.msk [tilespmem:v35+s18+$0x0], $0xffff  }
0x2f0: {  	v17 =	vld.idx.msk [tilespmem:v31+s17+$0x0], $0xffff  }
0x2f1: {  	v31 =	vld.idx.msk [tilespmem:v36+s18+$0x0], $0xffff  }
0x2f2: {  	v25 =	vld.idx.msk [tilespmem:v25+s17+$0x0], $0xffff  }
0x2f3: {  	v57 =	vor.u32 v3, v37;
	v28 =	vld.idx.msk [tilespmem:v28+s17+$0x0], $0xffff  }
0x2f4: {  	v21 =	vld.idx.msk [tilespmem:v21+s17+$0x0], $0xffff;
	v29 =	vadd.f32 v34, v29  }
0x2f5: {  	v22 =	vld.idx.msk [tilespmem:v22+s18+$0x0], $0xffff;
	v58 =	vor.u32 v3, v39;
	[tilespmem:v33+s26+$0x0] =	vst.idx.msk $0xffff, v40;
	v24 =	vadd.f32 v27, v24  }
0x2f6: {  	[tilespmem:v32+s26+$0x0] =	vst.idx.msk $0xffff, v29;
	v19 =	vadd.f32 v19, v38  }
0x2f7: {  	[tilespmem:v30+s26+$0x0] =	vst.idx.msk $0xffff, v24;
	v16 =	vadd.f32 v16, v17  }
0x2f8: {  	v17 =	vadd.f32 v31, v28;
	[tilespmem:v57+s26+$0x0] =	vst.idx.msk $0xffff, v19  }
0x2f9: {  	v19 =	vadd.f32 v23, v21;
	[tilespmem:v26+s26+$0x0] =	vst.idx.msk $0xffff, v16  }
0x2fa: {  	v16 =	vadd.f32 v22, v25;
	[tilespmem:v58+s26+$0x0] =	vst.idx.msk $0xffff, v17  }
0x2fb: {  	[tilespmem:v18+s26+$0x0] =	vst.idx.msk $0xffff, v19  }
0x2fc: {  	[tilespmem:v20+s26+$0x0] =	vst.idx.msk $0xffff, v16  }
0x2fd: {  	s2 =	sor.u32 $0xA0, s11;
	v17 =	vld [tilespmem:s11+$0x19A0]  }
0x2fe: {  	v16 =	vld [tilespmem:s2+$0x0];
	_ =	sdelay $0x1  }
0x2ff: {  	s15 =	simm.s32 $0x0;
	s13 =	simm.s32 $0x2  }
0x300: {  	s7 =	simm.s32 $0x4;
	v26 =	vadd.s32 s13, v0;
	v18 =	vadd.s32 s15, v0  }
0x301: {  	v19 =	vadd.s32 s7, v0;
	v26 =	vand.u32 $0x3F, v26;
	v17 =	vshll.u32 v17, $0x6  }
0x302: {  	v18 =	vand.u32 $0x3F, v18;
	v16 =	vshll.u32 v16, $0x6;
	v17 =	vand.u32 $0x40, v17  }
0x303: {  	s8 =	simm.s32 $0x1;
	v23 =	vand.u32 $0x3F, v19;
	v16 =	vand.u32 $0x40, v16;
	v17 =	vor.u32 v4, v17  }
0x304: {  	s15 =	simm.s32 $0x5;
	v20 =	vadd.s32 s8, v0;
	s8 =	simm.s32 $0x7;
	v16 =	vor.u32 v4, v16;
	v21 =	vor.u32 v23, v17  }
0x305: {  	v19 =	vadd.s32 s15, v0;
	v22 =	vadd.s32 s8, v0;
	v24 =	vor.u32 v18, v16  }
0x306: {  	v27 =	vshll.u32 v18, $0x7;
	v28 =	vand.u32 $0x3F, v22;
	v18 =	vor.u32 v18, v17  }
0x307: {  	s15 =	simm.s32 $0x6;
	v39 =	vshll.u32 v26, $0x7;
	v25 =	vand.u32 $0x3F, v19;
	v29 =	vor.u32 v28, v16  }
0x308: {  	v20 =	vand.u32 $0x3F, v20;
	v19 =	vadd.s32 s15, v0;
	v59 =	vor.u32 v25, v16  }
0x309: {  	s13 =	simm.s32 $0x3;
	v37 =	vshll.u32 v23, $0x7;
	v31 =	vand.u32 $0x3F, v19;
	v61 =	vor.u32 v25, v17;
	v19 =	vld.idx.msk [tilespmem:v21+s18+$0x0], $0xffff  }
0x30a: {  	v22 =	vadd.s32 s13, v0;
	v62 =	vshll.u32 v25, $0x7;
	v60 =	vor.u32 v28, v17;
	v43 =	vld.idx.msk [tilespmem:v24+s17+$0x0], $0xffff  }
0x30b: {  	v33 =	vor.u32 v5, v27;
	v41 =	vand.u32 $0x3F, v22;
	v30 =	vor.u32 v23, v16;
	v44 =	vld.idx.msk [tilespmem:v18+s18+$0x0], $0xffff  }
0x30c: {  	v63 =	vshll.u32 v20, $0x7;
	v42 =	vshll.u32 v31, $0x7;
	v18 =	vor.u32 v41, v17;
	v24 =	vld.idx.msk [tilespmem:v29+s17+$0x0], $0xffff  }
0x30d: {  	v45 =	vshll.u32 v28, $0x7;
	v32 =	vor.u32 v5, v62;
	v35 =	vor.u32 v20, v17;
	v29 =	vld.idx.msk [tilespmem:v59+s17+$0x0], $0xffff  }
0x30e: {  	v25 =	vor.u32 v31, v16;
	v22 =	vor.u32 v31, v17;
	v31 =	vor.u32 v20, v16;
	v34 =	vld.idx.msk [tilespmem:v61+s18+$0x0], $0xffff  }
0x30f: {  	v28 =	vor.u32 v26, v16;
	v36 =	vor.u32 v26, v17;
	v26 =	vshll.u32 v41, $0x7;
	v27 =	vld.idx.msk [tilespmem:v60+s18+$0x0], $0xffff  }
0x310: {  	v20 =	vor.u32 v5, v42;
	v21 =	vor.u32 v41, v16;
	v38 =	vld.idx.msk [tilespmem:v30+s17+$0x0], $0xffff;
	v30 =	vor.u32 v5, v45  }
0x311: {  	s13 =	simm.s32 $0x8;
	v23 =	vld.idx.msk [tilespmem:v18+s18+$0x0], $0xffff;
	v18 =	vor.u32 v5, v26;
	v40 =	vadd.f32 v44, v43;
	v26 =	vor.u32 v5, v63  }
.LBB2_25:
0x312: {  	v41 =	vadd.s32 s13, v0;
	s2 =	sadd.s32 $0x1, s13;
	s7 =	sadd.s32 $0x2, s13;
	s8 =	sadd.s32 $0x3, s13;
	v35 =	vld.idx.msk [tilespmem:v35+s18+$0x0], $0xffff;
	v39 =	vor.u32 v5, v39;
	v37 =	vor.u32 v5, v37  }
0x313: {  	s15 =	sadd.s32 $0x6, s13;
	v41 =	vand.u32 $0x3F, v41;
	v42 =	vadd.s32 s2, v0;
	v43 =	vadd.s32 s7, v0;
	s2 =	sadd.s32 $0x4, s13;
	s7 =	sadd.s32 $0x5, s13;
	[tilespmem:v33+s26+$0x0] =	vst.idx.msk $0xffff, v40;
	v31 =	vld.idx.msk [tilespmem:v31+s17+$0x0], $0xffff  }
0x314: {  	p0 =	slt.u32 s13, $0x38;
	v29 =	vadd.f32 v34, v29;
	v33 =	vadd.s32 s2, v0;
	v40 =	vadd.s32 s7, v0;
	s2 =	sadd.s32 $0x7, s13;
	s13 =	sadd.s32 $0x8, s13;
	v36 =	vld.idx.msk [tilespmem:v36+s18+$0x0], $0xffff  }
0x315: {  	v34 =	vshll.u32 v41, $0x7;
	v42 =	vand.u32 $0x3F, v42;
	v44 =	vadd.s32 s2, v0;
	v45 =	vld.idx.msk [tilespmem:v25+s17+$0x0], $0xffff  }
0x316: {  	v46 =	vadd.s32 s15, v0;
	v25 =	vadd.s32 s8, v0;
	v33 =	vand.u32 $0x3F, v33;
	v28 =	vld.idx.msk [tilespmem:v28+s17+$0x0], $0xffff;
	[tilespmem:v32+s26+$0x0] =	vst.idx.msk $0xffff, v29  }
0x317: {  	v29 =	vor.u32 v33, v17;
	v32 =	vand.u32 $0x3F, v44;
	v19 =	vadd.f32 v19, v38;
	v38 =	vld.idx.msk [tilespmem:v22+s18+$0x0], $0xffff  }
0x318: {  	v22 =	vor.u32 v41, v16;
	v41 =	vor.u32 v41, v17;
	v44 =	vld.idx.msk [tilespmem:v21+s17+$0x0], $0xffff;
	v21 =	vadd.f32 v27, v24  }
0x319: {  	v47 =	vor.u32 v33, v16;
	v24 =	vand.u32 $0x3F, v46;
	v27 =	vor.u32 v32, v16;
	[tilespmem:v37+s26+$0x0] =	vst.idx.msk $0xffff, v19  }
0x31a: {  	v31 =	vadd.f32 v35, v31;
	v19 =	vand.u32 $0x3F, v40;
	v40 =	vor.u32 v32, v17;
	[tilespmem:v30+s26+$0x0] =	vst.idx.msk $0xffff, v21  }
0x31b: {  	v30 =	vor.u32 v19, v16;
	v46 =	vor.u32 v19, v17;
	v48 =	vshll.u32 v19, $0x7  }
0x31c: {  	v49 =	vand.u32 $0x3F, v25;
	v50 =	vshll.u32 v24, $0x7;
	v19 =	vld.idx.msk [tilespmem:v29+s18+$0x0], $0xffff;
	[tilespmem:v26+s26+$0x0] =	vst.idx.msk $0xffff, v31;
	v26 =	vadd.f32 v36, v28  }
0x31d: {  	v25 =	vor.u32 v24, v16;
	v28 =	vadd.f32 v38, v45;
	v51 =	vld.idx.msk [tilespmem:v22+s17+$0x0], $0xffff;
	v22 =	vor.u32 v24, v17  }
0x31e: {  	v21 =	vor.u32 v49, v16;
	v23 =	vadd.f32 v23, v44;
	v38 =	vld.idx.msk [tilespmem:v41+s18+$0x0], $0xffff;
	v41 =	vor.u32 v49, v17  }
0x31f: {  	v35 =	vor.u32 v42, v17;
	v31 =	vor.u32 v42, v16;
	v24 =	vld.idx.msk [tilespmem:v27+s17+$0x0], $0xffff;
	[tilespmem:v39+s26+$0x0] =	vst.idx.msk $0xffff, v26  }
.Ltmp11:
0x320: {  	v37 =	vshll.u32 v33, $0x7;
	v26 =	vand.u32 $0x3F, v43;
	v29 =	vld.idx.msk [tilespmem:v30+s17+$0x0], $0xffff;
	v30 =	vshll.u32 v32, $0x7;
	[tilespmem:v20+s26+$0x0] =	vst.idx.msk $0xffff, v28;
	(pc) =	sbr.rel @p0 .LBB2_25-.Ltmp11, $4  }
0x321: {  	v33 =	vor.u32 v5, v34;
	v28 =	vor.u32 v26, v16;
	v36 =	vor.u32 v26, v17;
	v34 =	vld.idx.msk [tilespmem:v46+s18+$0x0], $0xffff  }
0x322: {  	v39 =	vshll.u32 v26, $0x7;
	v20 =	vshll.u32 v49, $0x7;
	v32 =	vor.u32 v5, v48;
	v27 =	vld.idx.msk [tilespmem:v40+s18+$0x0], $0xffff;
	[tilespmem:v18+s26+$0x0] =	vst.idx.msk $0xffff, v23  }
0x323: {  	v26 =	vshll.u32 v42, $0x7;
	v18 =	vor.u32 v5, v20;
	v20 =	vor.u32 v5, v50;
	v23 =	vld.idx.msk [tilespmem:v41+s18+$0x0], $0xffff  }
0x324: {  	v26 =	vor.u32 v5, v26;
	v30 =	vor.u32 v5, v30;
	v40 =	vadd.f32 v38, v51;
	v38 =	vld.idx.msk [tilespmem:v47+s17+$0x0], $0xffff  }
0x325: {  	_ =	sdelay $0x3  }
0x326: {  	v16 =	vld.idx.msk [tilespmem:v35+s18+$0x0], $0xffff  }
0x327: {  	v17 =	vld.idx.msk [tilespmem:v31+s17+$0x0], $0xffff  }
0x328: {  	v31 =	vld.idx.msk [tilespmem:v36+s18+$0x0], $0xffff  }
0x329: {  	v25 =	vld.idx.msk [tilespmem:v25+s17+$0x0], $0xffff  }
0x32a: {  	v57 =	vor.u32 v5, v37;
	v28 =	vld.idx.msk [tilespmem:v28+s17+$0x0], $0xffff  }
0x32b: {  	v21 =	vld.idx.msk [tilespmem:v21+s17+$0x0], $0xffff;
	v29 =	vadd.f32 v34, v29  }
0x32c: {  	v22 =	vld.idx.msk [tilespmem:v22+s18+$0x0], $0xffff;
	v58 =	vor.u32 v5, v39;
	[tilespmem:v33+s26+$0x0] =	vst.idx.msk $0xffff, v40;
	v24 =	vadd.f32 v27, v24  }
0x32d: {  	[tilespmem:v32+s26+$0x0] =	vst.idx.msk $0xffff, v29;
	v19 =	vadd.f32 v19, v38  }
0x32e: {  	[tilespmem:v30+s26+$0x0] =	vst.idx.msk $0xffff, v24;
	v16 =	vadd.f32 v16, v17  }
0x32f: {  	v17 =	vadd.f32 v31, v28;
	[tilespmem:v57+s26+$0x0] =	vst.idx.msk $0xffff, v19  }
0x330: {  	v19 =	vadd.f32 v23, v21;
	[tilespmem:v26+s26+$0x0] =	vst.idx.msk $0xffff, v16  }
0x331: {  	v16 =	vadd.f32 v22, v25;
	[tilespmem:v58+s26+$0x0] =	vst.idx.msk $0xffff, v17  }
0x332: {  	[tilespmem:v18+s26+$0x0] =	vst.idx.msk $0xffff, v19  }
0x333: {  	[tilespmem:v20+s26+$0x0] =	vst.idx.msk $0xffff, v16  }
0x334: {  	s2 =	sor.u32 $0xB0, s11;
	v17 =	vld [tilespmem:s11+$0x19B0]  }
0x335: {  	v16 =	vld [tilespmem:s2+$0x0];
	_ =	sdelay $0x1  }
0x336: {  	s15 =	simm.s32 $0x0;
	s13 =	simm.s32 $0x2  }
0x337: {  	s7 =	simm.s32 $0x4;
	v26 =	vadd.s32 s13, v0;
	v18 =	vadd.s32 s15, v0  }
0x338: {  	v19 =	vadd.s32 s7, v0;
	v26 =	vand.u32 $0x3F, v26;
	v17 =	vshll.u32 v17, $0x6  }
0x339: {  	v18 =	vand.u32 $0x3F, v18;
	v16 =	vshll.u32 v16, $0x6;
	v17 =	vand.u32 $0x40, v17  }
0x33a: {  	s8 =	simm.s32 $0x1;
	v23 =	vand.u32 $0x3F, v19;
	v16 =	vand.u32 $0x40, v16;
	v17 =	vor.u32 v6, v17  }
0x33b: {  	s15 =	simm.s32 $0x5;
	v20 =	vadd.s32 s8, v0;
	s8 =	simm.s32 $0x7;
	v16 =	vor.u32 v6, v16;
	v21 =	vor.u32 v23, v17  }
0x33c: {  	v19 =	vadd.s32 s15, v0;
	v22 =	vadd.s32 s8, v0;
	v24 =	vor.u32 v18, v16  }
0x33d: {  	v27 =	vshll.u32 v18, $0x7;
	v28 =	vand.u32 $0x3F, v22;
	v18 =	vor.u32 v18, v17  }
0x33e: {  	s15 =	simm.s32 $0x6;
	v39 =	vshll.u32 v26, $0x7;
	v25 =	vand.u32 $0x3F, v19;
	v29 =	vor.u32 v28, v16  }
0x33f: {  	v20 =	vand.u32 $0x3F, v20;
	v19 =	vadd.s32 s15, v0;
	v59 =	vor.u32 v25, v16  }
0x340: {  	s13 =	simm.s32 $0x3;
	v37 =	vshll.u32 v23, $0x7;
	v31 =	vand.u32 $0x3F, v19;
	v61 =	vor.u32 v25, v17;
	v19 =	vld.idx.msk [tilespmem:v21+s18+$0x0], $0xffff  }
0x341: {  	v22 =	vadd.s32 s13, v0;
	v62 =	vshll.u32 v25, $0x7;
	v60 =	vor.u32 v28, v17;
	v43 =	vld.idx.msk [tilespmem:v24+s17+$0x0], $0xffff  }
0x342: {  	v33 =	vor.u32 v7, v27;
	v41 =	vand.u32 $0x3F, v22;
	v30 =	vor.u32 v23, v16;
	v44 =	vld.idx.msk [tilespmem:v18+s18+$0x0], $0xffff  }
0x343: {  	v63 =	vshll.u32 v20, $0x7;
	v42 =	vshll.u32 v31, $0x7;
	v18 =	vor.u32 v41, v17;
	v24 =	vld.idx.msk [tilespmem:v29+s17+$0x0], $0xffff  }
0x344: {  	v45 =	vshll.u32 v28, $0x7;
	v32 =	vor.u32 v7, v62;
	v35 =	vor.u32 v20, v17;
	v29 =	vld.idx.msk [tilespmem:v59+s17+$0x0], $0xffff  }
0x345: {  	v25 =	vor.u32 v31, v16;
	v22 =	vor.u32 v31, v17;
	v31 =	vor.u32 v20, v16;
	v34 =	vld.idx.msk [tilespmem:v61+s18+$0x0], $0xffff  }
0x346: {  	v28 =	vor.u32 v26, v16;
	v36 =	vor.u32 v26, v17;
	v26 =	vshll.u32 v41, $0x7;
	v27 =	vld.idx.msk [tilespmem:v60+s18+$0x0], $0xffff  }
0x347: {  	v20 =	vor.u32 v7, v42;
	v21 =	vor.u32 v41, v16;
	v38 =	vld.idx.msk [tilespmem:v30+s17+$0x0], $0xffff;
	v30 =	vor.u32 v7, v45  }
0x348: {  	s13 =	simm.s32 $0x8;
	v23 =	vld.idx.msk [tilespmem:v18+s18+$0x0], $0xffff;
	v18 =	vor.u32 v7, v26;
	v40 =	vadd.f32 v44, v43;
	v26 =	vor.u32 v7, v63  }
.LBB2_27:
0x349: {  	v41 =	vadd.s32 s13, v0;
	s2 =	sadd.s32 $0x1, s13;
	s7 =	sadd.s32 $0x2, s13;
	s8 =	sadd.s32 $0x3, s13;
	v35 =	vld.idx.msk [tilespmem:v35+s18+$0x0], $0xffff;
	v39 =	vor.u32 v7, v39;
	v37 =	vor.u32 v7, v37  }
0x34a: {  	s15 =	sadd.s32 $0x6, s13;
	v41 =	vand.u32 $0x3F, v41;
	v42 =	vadd.s32 s2, v0;
	v43 =	vadd.s32 s7, v0;
	s2 =	sadd.s32 $0x4, s13;
	s7 =	sadd.s32 $0x5, s13;
	[tilespmem:v33+s26+$0x0] =	vst.idx.msk $0xffff, v40;
	v31 =	vld.idx.msk [tilespmem:v31+s17+$0x0], $0xffff  }
0x34b: {  	p0 =	slt.u32 s13, $0x38;
	v29 =	vadd.f32 v34, v29;
	v33 =	vadd.s32 s2, v0;
	v40 =	vadd.s32 s7, v0;
	s2 =	sadd.s32 $0x7, s13;
	s13 =	sadd.s32 $0x8, s13;
	v36 =	vld.idx.msk [tilespmem:v36+s18+$0x0], $0xffff  }
0x34c: {  	v34 =	vshll.u32 v41, $0x7;
	v42 =	vand.u32 $0x3F, v42;
	v44 =	vadd.s32 s2, v0;
	v45 =	vld.idx.msk [tilespmem:v25+s17+$0x0], $0xffff  }
0x34d: {  	v46 =	vadd.s32 s15, v0;
	v25 =	vadd.s32 s8, v0;
	v33 =	vand.u32 $0x3F, v33;
	v28 =	vld.idx.msk [tilespmem:v28+s17+$0x0], $0xffff;
	[tilespmem:v32+s26+$0x0] =	vst.idx.msk $0xffff, v29  }
0x34e: {  	v29 =	vor.u32 v33, v17;
	v32 =	vand.u32 $0x3F, v44;
	v19 =	vadd.f32 v19, v38;
	v38 =	vld.idx.msk [tilespmem:v22+s18+$0x0], $0xffff  }
0x34f: {  	v22 =	vor.u32 v41, v16;
	v41 =	vor.u32 v41, v17;
	v44 =	vld.idx.msk [tilespmem:v21+s17+$0x0], $0xffff;
	v21 =	vadd.f32 v27, v24  }
0x350: {  	v47 =	vor.u32 v33, v16;
	v24 =	vand.u32 $0x3F, v46;
	v27 =	vor.u32 v32, v16;
	[tilespmem:v37+s26+$0x0] =	vst.idx.msk $0xffff, v19  }
0x351: {  	v31 =	vadd.f32 v35, v31;
	v19 =	vand.u32 $0x3F, v40;
	v40 =	vor.u32 v32, v17;
	[tilespmem:v30+s26+$0x0] =	vst.idx.msk $0xffff, v21  }
0x352: {  	v30 =	vor.u32 v19, v16;
	v46 =	vor.u32 v19, v17;
	v48 =	vshll.u32 v19, $0x7  }
0x353: {  	v49 =	vand.u32 $0x3F, v25;
	v50 =	vshll.u32 v24, $0x7;
	v19 =	vld.idx.msk [tilespmem:v29+s18+$0x0], $0xffff;
	[tilespmem:v26+s26+$0x0] =	vst.idx.msk $0xffff, v31;
	v26 =	vadd.f32 v36, v28  }
0x354: {  	v25 =	vor.u32 v24, v16;
	v28 =	vadd.f32 v38, v45;
	v51 =	vld.idx.msk [tilespmem:v22+s17+$0x0], $0xffff;
	v22 =	vor.u32 v24, v17  }
0x355: {  	v21 =	vor.u32 v49, v16;
	v23 =	vadd.f32 v23, v44;
	v38 =	vld.idx.msk [tilespmem:v41+s18+$0x0], $0xffff;
	v41 =	vor.u32 v49, v17  }
0x356: {  	v35 =	vor.u32 v42, v17;
	v31 =	vor.u32 v42, v16;
	v24 =	vld.idx.msk [tilespmem:v27+s17+$0x0], $0xffff;
	[tilespmem:v39+s26+$0x0] =	vst.idx.msk $0xffff, v26  }
.Ltmp12:
0x357: {  	v37 =	vshll.u32 v33, $0x7;
	v26 =	vand.u32 $0x3F, v43;
	v29 =	vld.idx.msk [tilespmem:v30+s17+$0x0], $0xffff;
	v30 =	vshll.u32 v32, $0x7;
	[tilespmem:v20+s26+$0x0] =	vst.idx.msk $0xffff, v28;
	(pc) =	sbr.rel @p0 .LBB2_27-.Ltmp12, $4  }
0x358: {  	v33 =	vor.u32 v7, v34;
	v28 =	vor.u32 v26, v16;
	v36 =	vor.u32 v26, v17;
	v34 =	vld.idx.msk [tilespmem:v46+s18+$0x0], $0xffff  }
0x359: {  	v39 =	vshll.u32 v26, $0x7;
	v20 =	vshll.u32 v49, $0x7;
	v32 =	vor.u32 v7, v48;
	v27 =	vld.idx.msk [tilespmem:v40+s18+$0x0], $0xffff;
	[tilespmem:v18+s26+$0x0] =	vst.idx.msk $0xffff, v23  }
0x35a: {  	v26 =	vshll.u32 v42, $0x7;
	v18 =	vor.u32 v7, v20;
	v20 =	vor.u32 v7, v50;
	v23 =	vld.idx.msk [tilespmem:v41+s18+$0x0], $0xffff  }
0x35b: {  	v26 =	vor.u32 v7, v26;
	v30 =	vor.u32 v7, v30;
	v40 =	vadd.f32 v38, v51;
	v38 =	vld.idx.msk [tilespmem:v47+s17+$0x0], $0xffff  }
0x35c: {  	_ =	sdelay $0x3  }
0x35d: {  	v16 =	vld.idx.msk [tilespmem:v35+s18+$0x0], $0xffff  }
0x35e: {  	v17 =	vld.idx.msk [tilespmem:v31+s17+$0x0], $0xffff  }
0x35f: {  	v31 =	vld.idx.msk [tilespmem:v36+s18+$0x0], $0xffff  }
0x360: {  	v25 =	vld.idx.msk [tilespmem:v25+s17+$0x0], $0xffff  }
0x361: {  	v57 =	vor.u32 v7, v37;
	v28 =	vld.idx.msk [tilespmem:v28+s17+$0x0], $0xffff  }
0x362: {  	v21 =	vld.idx.msk [tilespmem:v21+s17+$0x0], $0xffff;
	v29 =	vadd.f32 v34, v29  }
0x363: {  	v22 =	vld.idx.msk [tilespmem:v22+s18+$0x0], $0xffff;
	v58 =	vor.u32 v7, v39;
	[tilespmem:v33+s26+$0x0] =	vst.idx.msk $0xffff, v40;
	v24 =	vadd.f32 v27, v24  }
0x364: {  	[tilespmem:v32+s26+$0x0] =	vst.idx.msk $0xffff, v29;
	v19 =	vadd.f32 v19, v38  }
0x365: {  	[tilespmem:v30+s26+$0x0] =	vst.idx.msk $0xffff, v24;
	v16 =	vadd.f32 v16, v17  }
0x366: {  	v17 =	vadd.f32 v31, v28;
	[tilespmem:v57+s26+$0x0] =	vst.idx.msk $0xffff, v19  }
0x367: {  	v19 =	vadd.f32 v23, v21;
	[tilespmem:v26+s26+$0x0] =	vst.idx.msk $0xffff, v16  }
0x368: {  	v16 =	vadd.f32 v22, v25;
	[tilespmem:v58+s26+$0x0] =	vst.idx.msk $0xffff, v17  }
0x369: {  	[tilespmem:v18+s26+$0x0] =	vst.idx.msk $0xffff, v19  }
0x36a: {  	[tilespmem:v20+s26+$0x0] =	vst.idx.msk $0xffff, v16  }
0x36b: {  	s2 =	sor.u32 $0xC0, s11;
	v17 =	vld [tilespmem:s11+$0x19C0]  }
0x36c: {  	v16 =	vld [tilespmem:s2+$0x0];
	_ =	sdelay $0x1  }
0x36d: {  	s15 =	simm.s32 $0x0;
	s13 =	simm.s32 $0x2  }
0x36e: {  	s7 =	simm.s32 $0x4;
	v26 =	vadd.s32 s13, v0;
	v18 =	vadd.s32 s15, v0  }
0x36f: {  	v19 =	vadd.s32 s7, v0;
	v26 =	vand.u32 $0x3F, v26;
	v17 =	vshll.u32 v17, $0x6  }
0x370: {  	v18 =	vand.u32 $0x3F, v18;
	v16 =	vshll.u32 v16, $0x6;
	v17 =	vand.u32 $0x40, v17  }
0x371: {  	s8 =	simm.s32 $0x1;
	v23 =	vand.u32 $0x3F, v19;
	v16 =	vand.u32 $0x40, v16;
	v17 =	vor.u32 v8, v17  }
0x372: {  	s15 =	simm.s32 $0x5;
	v20 =	vadd.s32 s8, v0;
	s8 =	simm.s32 $0x7;
	v16 =	vor.u32 v8, v16;
	v21 =	vor.u32 v23, v17  }
0x373: {  	v19 =	vadd.s32 s15, v0;
	v22 =	vadd.s32 s8, v0;
	v24 =	vor.u32 v18, v16  }
0x374: {  	v27 =	vshll.u32 v18, $0x7;
	v28 =	vand.u32 $0x3F, v22;
	v18 =	vor.u32 v18, v17  }
0x375: {  	s15 =	simm.s32 $0x6;
	v39 =	vshll.u32 v26, $0x7;
	v25 =	vand.u32 $0x3F, v19;
	v29 =	vor.u32 v28, v16  }
0x376: {  	v20 =	vand.u32 $0x3F, v20;
	v19 =	vadd.s32 s15, v0;
	v59 =	vor.u32 v25, v16  }
0x377: {  	s13 =	simm.s32 $0x3;
	v37 =	vshll.u32 v23, $0x7;
	v31 =	vand.u32 $0x3F, v19;
	v61 =	vor.u32 v25, v17;
	v19 =	vld.idx.msk [tilespmem:v21+s18+$0x0], $0xffff  }
0x378: {  	v22 =	vadd.s32 s13, v0;
	v62 =	vshll.u32 v25, $0x7;
	v60 =	vor.u32 v28, v17;
	v43 =	vld.idx.msk [tilespmem:v24+s17+$0x0], $0xffff  }
0x379: {  	v33 =	vor.u32 v9, v27;
	v41 =	vand.u32 $0x3F, v22;
	v30 =	vor.u32 v23, v16;
	v44 =	vld.idx.msk [tilespmem:v18+s18+$0x0], $0xffff  }
0x37a: {  	v63 =	vshll.u32 v20, $0x7;
	v42 =	vshll.u32 v31, $0x7;
	v18 =	vor.u32 v41, v17;
	v24 =	vld.idx.msk [tilespmem:v29+s17+$0x0], $0xffff  }
0x37b: {  	v45 =	vshll.u32 v28, $0x7;
	v32 =	vor.u32 v9, v62;
	v35 =	vor.u32 v20, v17;
	v29 =	vld.idx.msk [tilespmem:v59+s17+$0x0], $0xffff  }
0x37c: {  	v25 =	vor.u32 v31, v16;
	v22 =	vor.u32 v31, v17;
	v31 =	vor.u32 v20, v16;
	v34 =	vld.idx.msk [tilespmem:v61+s18+$0x0], $0xffff  }
0x37d: {  	v28 =	vor.u32 v26, v16;
	v36 =	vor.u32 v26, v17;
	v26 =	vshll.u32 v41, $0x7;
	v27 =	vld.idx.msk [tilespmem:v60+s18+$0x0], $0xffff  }
0x37e: {  	v20 =	vor.u32 v9, v42;
	v21 =	vor.u32 v41, v16;
	v38 =	vld.idx.msk [tilespmem:v30+s17+$0x0], $0xffff;
	v30 =	vor.u32 v9, v45  }
0x37f: {  	s13 =	simm.s32 $0x8;
	v23 =	vld.idx.msk [tilespmem:v18+s18+$0x0], $0xffff;
	v18 =	vor.u32 v9, v26;
	v40 =	vadd.f32 v44, v43;
	v26 =	vor.u32 v9, v63  }
.LBB2_29:
0x380: {  	v41 =	vadd.s32 s13, v0;
	s2 =	sadd.s32 $0x1, s13;
	s7 =	sadd.s32 $0x2, s13;
	s8 =	sadd.s32 $0x3, s13;
	v35 =	vld.idx.msk [tilespmem:v35+s18+$0x0], $0xffff;
	v39 =	vor.u32 v9, v39;
	v37 =	vor.u32 v9, v37  }
0x381: {  	s15 =	sadd.s32 $0x6, s13;
	v41 =	vand.u32 $0x3F, v41;
	v42 =	vadd.s32 s2, v0;
	v43 =	vadd.s32 s7, v0;
	s2 =	sadd.s32 $0x4, s13;
	s7 =	sadd.s32 $0x5, s13;
	[tilespmem:v33+s26+$0x0] =	vst.idx.msk $0xffff, v40;
	v31 =	vld.idx.msk [tilespmem:v31+s17+$0x0], $0xffff  }
0x382: {  	p0 =	slt.u32 s13, $0x38;
	v29 =	vadd.f32 v34, v29;
	v33 =	vadd.s32 s2, v0;
	v40 =	vadd.s32 s7, v0;
	s2 =	sadd.s32 $0x7, s13;
	s13 =	sadd.s32 $0x8, s13;
	v36 =	vld.idx.msk [tilespmem:v36+s18+$0x0], $0xffff  }
0x383: {  	v34 =	vshll.u32 v41, $0x7;
	v42 =	vand.u32 $0x3F, v42;
	v44 =	vadd.s32 s2, v0;
	v45 =	vld.idx.msk [tilespmem:v25+s17+$0x0], $0xffff  }
0x384: {  	v46 =	vadd.s32 s15, v0;
	v25 =	vadd.s32 s8, v0;
	v33 =	vand.u32 $0x3F, v33;
	v28 =	vld.idx.msk [tilespmem:v28+s17+$0x0], $0xffff;
	[tilespmem:v32+s26+$0x0] =	vst.idx.msk $0xffff, v29  }
0x385: {  	v29 =	vor.u32 v33, v17;
	v32 =	vand.u32 $0x3F, v44;
	v19 =	vadd.f32 v19, v38;
	v38 =	vld.idx.msk [tilespmem:v22+s18+$0x0], $0xffff  }
0x386: {  	v22 =	vor.u32 v41, v16;
	v41 =	vor.u32 v41, v17;
	v44 =	vld.idx.msk [tilespmem:v21+s17+$0x0], $0xffff;
	v21 =	vadd.f32 v27, v24  }
0x387: {  	v47 =	vor.u32 v33, v16;
	v24 =	vand.u32 $0x3F, v46;
	v27 =	vor.u32 v32, v16;
	[tilespmem:v37+s26+$0x0] =	vst.idx.msk $0xffff, v19  }
0x388: {  	v31 =	vadd.f32 v35, v31;
	v19 =	vand.u32 $0x3F, v40;
	v40 =	vor.u32 v32, v17;
	[tilespmem:v30+s26+$0x0] =	vst.idx.msk $0xffff, v21  }
0x389: {  	v30 =	vor.u32 v19, v16;
	v46 =	vor.u32 v19, v17;
	v48 =	vshll.u32 v19, $0x7  }
0x38a: {  	v49 =	vand.u32 $0x3F, v25;
	v50 =	vshll.u32 v24, $0x7;
	v19 =	vld.idx.msk [tilespmem:v29+s18+$0x0], $0xffff;
	[tilespmem:v26+s26+$0x0] =	vst.idx.msk $0xffff, v31;
	v26 =	vadd.f32 v36, v28  }
0x38b: {  	v25 =	vor.u32 v24, v16;
	v28 =	vadd.f32 v38, v45;
	v51 =	vld.idx.msk [tilespmem:v22+s17+$0x0], $0xffff;
	v22 =	vor.u32 v24, v17  }
0x38c: {  	v21 =	vor.u32 v49, v16;
	v23 =	vadd.f32 v23, v44;
	v38 =	vld.idx.msk [tilespmem:v41+s18+$0x0], $0xffff;
	v41 =	vor.u32 v49, v17  }
0x38d: {  	v35 =	vor.u32 v42, v17;
	v31 =	vor.u32 v42, v16;
	v24 =	vld.idx.msk [tilespmem:v27+s17+$0x0], $0xffff;
	[tilespmem:v39+s26+$0x0] =	vst.idx.msk $0xffff, v26  }
.Ltmp13:
0x38e: {  	v37 =	vshll.u32 v33, $0x7;
	v26 =	vand.u32 $0x3F, v43;
	v29 =	vld.idx.msk [tilespmem:v30+s17+$0x0], $0xffff;
	v30 =	vshll.u32 v32, $0x7;
	[tilespmem:v20+s26+$0x0] =	vst.idx.msk $0xffff, v28;
	(pc) =	sbr.rel @p0 .LBB2_29-.Ltmp13, $4  }
0x38f: {  	v33 =	vor.u32 v9, v34;
	v28 =	vor.u32 v26, v16;
	v36 =	vor.u32 v26, v17;
	v34 =	vld.idx.msk [tilespmem:v46+s18+$0x0], $0xffff  }
0x390: {  	v39 =	vshll.u32 v26, $0x7;
	v20 =	vshll.u32 v49, $0x7;
	v32 =	vor.u32 v9, v48;
	v27 =	vld.idx.msk [tilespmem:v40+s18+$0x0], $0xffff;
	[tilespmem:v18+s26+$0x0] =	vst.idx.msk $0xffff, v23  }
0x391: {  	v26 =	vshll.u32 v42, $0x7;
	v18 =	vor.u32 v9, v20;
	v20 =	vor.u32 v9, v50;
	v23 =	vld.idx.msk [tilespmem:v41+s18+$0x0], $0xffff  }
0x392: {  	v26 =	vor.u32 v9, v26;
	v30 =	vor.u32 v9, v30;
	v40 =	vadd.f32 v38, v51;
	v38 =	vld.idx.msk [tilespmem:v47+s17+$0x0], $0xffff  }
0x393: {  	_ =	sdelay $0x3  }
0x394: {  	v16 =	vld.idx.msk [tilespmem:v35+s18+$0x0], $0xffff  }
0x395: {  	v17 =	vld.idx.msk [tilespmem:v31+s17+$0x0], $0xffff  }
0x396: {  	v31 =	vld.idx.msk [tilespmem:v36+s18+$0x0], $0xffff  }
0x397: {  	v25 =	vld.idx.msk [tilespmem:v25+s17+$0x0], $0xffff  }
0x398: {  	v57 =	vor.u32 v9, v37;
	v28 =	vld.idx.msk [tilespmem:v28+s17+$0x0], $0xffff  }
0x399: {  	v21 =	vld.idx.msk [tilespmem:v21+s17+$0x0], $0xffff;
	v29 =	vadd.f32 v34, v29  }
0x39a: {  	v22 =	vld.idx.msk [tilespmem:v22+s18+$0x0], $0xffff;
	v9 =	vor.u32 v9, v39;
	[tilespmem:v33+s26+$0x0] =	vst.idx.msk $0xffff, v40;
	v24 =	vadd.f32 v27, v24  }
0x39b: {  	[tilespmem:v32+s26+$0x0] =	vst.idx.msk $0xffff, v29;
	v19 =	vadd.f32 v19, v38  }
0x39c: {  	[tilespmem:v30+s26+$0x0] =	vst.idx.msk $0xffff, v24;
	v16 =	vadd.f32 v16, v17  }
0x39d: {  	v17 =	vadd.f32 v31, v28;
	[tilespmem:v57+s26+$0x0] =	vst.idx.msk $0xffff, v19  }
0x39e: {  	v19 =	vadd.f32 v23, v21;
	[tilespmem:v26+s26+$0x0] =	vst.idx.msk $0xffff, v16  }
0x39f: {  	v16 =	vadd.f32 v22, v25;
	[tilespmem:v9+s26+$0x0] =	vst.idx.msk $0xffff, v17  }
0x3a0: {  	[tilespmem:v18+s26+$0x0] =	vst.idx.msk $0xffff, v19  }
0x3a1: {  	s2 =	sor.u32 $0xD0, s11;
	[tilespmem:v20+s26+$0x0] =	vst.idx.msk $0xffff, v16  }
0x3a2: {  	v9 =	vld [tilespmem:s2+$0x0]  }
0x3a3: {  	v16 =	vld [tilespmem:s11+$0x19D0];
	_ =	sdelay $0x2  }
0x3a4: {  	s7 =	simm.s32 $0x4;
	s13 =	simm.s32 $0x2  }
0x3a5: {  	s8 =	simm.s32 $0x1;
	v24 =	vadd.s32 s13, v0;
	v17 =	vadd.s32 s7, v0  }
0x3a6: {  	v18 =	vadd.s32 s8, v0;
	v9 =	vshll.u32 v9, $0x6;
	v16 =	vshll.u32 v16, $0x6  }
0x3a7: {  	v21 =	vand.u32 $0x3F, v17;
	s8 =	simm.s32 $0x7;
	v9 =	vand.u32 $0x40, v9;
	v16 =	vand.u32 $0x40, v16  }
0x3a8: {  	s15 =	simm.s32 $0x0;
	v20 =	vadd.s32 s8, v0;
	v9 =	vor.u32 v12, v9;
	v12 =	vor.u32 v12, v16  }
0x3a9: {  	v26 =	vand.u32 $0x3F, v20;
	v16 =	vadd.s32 s15, v0;
	v19 =	vor.u32 v21, v12  }
0x3aa: {  	v24 =	vand.u32 $0x3F, v24;
	v16 =	vand.u32 $0x3F, v16;
	v58 =	vor.u32 v26, v12  }
0x3ab: {  	v37 =	vshll.u32 v24, $0x7;
	v18 =	vand.u32 $0x3F, v18;
	s15 =	simm.s32 $0x5;
	v22 =	vor.u32 v16, v9  }
0x3ac: {  	v17 =	vadd.s32 s15, v0;
	s15 =	simm.s32 $0x6;
	v25 =	vshll.u32 v16, $0x7;
	v16 =	vor.u32 v16, v12  }
0x3ad: {  	v27 =	vor.u32 v26, v9;
	v23 =	vand.u32 $0x3F, v17;
	v17 =	vadd.s32 s15, v0  }
0x3ae: {  	s13 =	simm.s32 $0x3;
	v35 =	vshll.u32 v21, $0x7;
	v30 =	vor.u32 v23, v9;
	v29 =	vand.u32 $0x3F, v17;
	v17 =	vld.idx.msk [tilespmem:v19+s18+$0x0], $0xffff  }
0x3af: {  	v20 =	vadd.s32 s13, v0;
	v59 =	vor.u32 v23, v12;
	v31 =	vor.u32 v10, v25;
	v25 =	vld.idx.msk [tilespmem:v58+s18+$0x0], $0xffff  }
0x3b0: {  	v63 =	vshll.u32 v18, $0x7;
	v61 =	vand.u32 $0x3F, v20;
	v28 =	vor.u32 v21, v9;
	v41 =	vld.idx.msk [tilespmem:v22+s17+$0x0], $0xffff  }
0x3b1: {  	v43 =	vshll.u32 v26, $0x7;
	v33 =	vor.u32 v18, v12;
	v42 =	vld.idx.msk [tilespmem:v16+s18+$0x0], $0xffff;
	v16 =	vor.u32 v61, v12  }
0x3b2: {  	v26 =	vor.u32 v24, v9;
	v60 =	vshll.u32 v23, $0x7;
	v62 =	vshll.u32 v29, $0x7;
	v22 =	vld.idx.msk [tilespmem:v27+s17+$0x0], $0xffff  }
0x3b3: {  	v23 =	vor.u32 v29, v9;
	v20 =	vor.u32 v29, v12;
	v29 =	vor.u32 v18, v9;
	v27 =	vld.idx.msk [tilespmem:v30+s17+$0x0], $0xffff  }
0x3b4: {  	v34 =	vor.u32 v24, v12;
	v24 =	vshll.u32 v61, $0x7;
	v18 =	vor.u32 v10, v62;
	v32 =	vld.idx.msk [tilespmem:v59+s18+$0x0], $0xffff  }
0x3b5: {  	v19 =	vor.u32 v61, v9;
	v36 =	vld.idx.msk [tilespmem:v28+s17+$0x0], $0xffff;
	v28 =	vor.u32 v10, v43;
	v30 =	vor.u32 v10, v60  }
0x3b6: {  	s13 =	simm.s32 $0x8;
	v21 =	vld.idx.msk [tilespmem:v16+s18+$0x0], $0xffff;
	v16 =	vor.u32 v10, v24;
	v38 =	vadd.f32 v42, v41;
	v24 =	vor.u32 v10, v63  }
.LBB2_31:
0x3b7: {  	v39 =	vadd.s32 s13, v0;
	s2 =	sadd.s32 $0x1, s13;
	s7 =	sadd.s32 $0x2, s13;
	s8 =	sadd.s32 $0x3, s13;
	v33 =	vld.idx.msk [tilespmem:v33+s18+$0x0], $0xffff;
	v37 =	vor.u32 v10, v37;
	v35 =	vor.u32 v10, v35  }
0x3b8: {  	s15 =	sadd.s32 $0x6, s13;
	v39 =	vand.u32 $0x3F, v39;
	v40 =	vadd.s32 s2, v0;
	v41 =	vadd.s32 s7, v0;
	s2 =	sadd.s32 $0x4, s13;
	s7 =	sadd.s32 $0x5, s13;
	[tilespmem:v31+s26+$0x0] =	vst.idx.msk $0xffff, v38;
	v29 =	vld.idx.msk [tilespmem:v29+s17+$0x0], $0xffff  }
0x3b9: {  	p0 =	slt.u32 s13, $0x38;
	v27 =	vadd.f32 v32, v27;
	v31 =	vadd.s32 s2, v0;
	v38 =	vadd.s32 s7, v0;
	s2 =	sadd.s32 $0x7, s13;
	s13 =	sadd.s32 $0x8, s13;
	v34 =	vld.idx.msk [tilespmem:v34+s18+$0x0], $0xffff  }
0x3ba: {  	v32 =	vshll.u32 v39, $0x7;
	v40 =	vand.u32 $0x3F, v40;
	v42 =	vadd.s32 s2, v0;
	v43 =	vld.idx.msk [tilespmem:v23+s17+$0x0], $0xffff  }
0x3bb: {  	v44 =	vadd.s32 s15, v0;
	v23 =	vadd.s32 s8, v0;
	v31 =	vand.u32 $0x3F, v31;
	v26 =	vld.idx.msk [tilespmem:v26+s17+$0x0], $0xffff;
	[tilespmem:v30+s26+$0x0] =	vst.idx.msk $0xffff, v27  }
0x3bc: {  	v27 =	vor.u32 v31, v12;
	v30 =	vand.u32 $0x3F, v42;
	v17 =	vadd.f32 v17, v36;
	v36 =	vld.idx.msk [tilespmem:v20+s18+$0x0], $0xffff  }
0x3bd: {  	v20 =	vor.u32 v39, v9;
	v39 =	vor.u32 v39, v12;
	v42 =	vld.idx.msk [tilespmem:v19+s17+$0x0], $0xffff;
	v19 =	vadd.f32 v25, v22  }
0x3be: {  	v45 =	vor.u32 v31, v9;
	v22 =	vand.u32 $0x3F, v44;
	v25 =	vor.u32 v30, v9;
	[tilespmem:v35+s26+$0x0] =	vst.idx.msk $0xffff, v17  }
0x3bf: {  	v29 =	vadd.f32 v33, v29;
	v17 =	vand.u32 $0x3F, v38;
	v38 =	vor.u32 v30, v12;
	[tilespmem:v28+s26+$0x0] =	vst.idx.msk $0xffff, v19  }
0x3c0: {  	v28 =	vor.u32 v17, v9;
	v44 =	vor.u32 v17, v12;
	v46 =	vshll.u32 v17, $0x7  }
0x3c1: {  	v47 =	vand.u32 $0x3F, v23;
	v48 =	vshll.u32 v22, $0x7;
	v17 =	vld.idx.msk [tilespmem:v27+s18+$0x0], $0xffff;
	[tilespmem:v24+s26+$0x0] =	vst.idx.msk $0xffff, v29;
	v24 =	vadd.f32 v34, v26  }
0x3c2: {  	v23 =	vor.u32 v22, v9;
	v26 =	vadd.f32 v36, v43;
	v49 =	vld.idx.msk [tilespmem:v20+s17+$0x0], $0xffff;
	v20 =	vor.u32 v22, v12  }
0x3c3: {  	v19 =	vor.u32 v47, v9;
	v21 =	vadd.f32 v21, v42;
	v36 =	vld.idx.msk [tilespmem:v39+s18+$0x0], $0xffff;
	v39 =	vor.u32 v47, v12  }
0x3c4: {  	v33 =	vor.u32 v40, v12;
	v29 =	vor.u32 v40, v9;
	v22 =	vld.idx.msk [tilespmem:v25+s17+$0x0], $0xffff;
	[tilespmem:v37+s26+$0x0] =	vst.idx.msk $0xffff, v24  }
.Ltmp14:
0x3c5: {  	v35 =	vshll.u32 v31, $0x7;
	v24 =	vand.u32 $0x3F, v41;
	v27 =	vld.idx.msk [tilespmem:v28+s17+$0x0], $0xffff;
	v28 =	vshll.u32 v30, $0x7;
	[tilespmem:v18+s26+$0x0] =	vst.idx.msk $0xffff, v26;
	(pc) =	sbr.rel @p0 .LBB2_31-.Ltmp14, $4  }
0x3c6: {  	v31 =	vor.u32 v10, v32;
	v26 =	vor.u32 v24, v9;
	v34 =	vor.u32 v24, v12;
	v32 =	vld.idx.msk [tilespmem:v44+s18+$0x0], $0xffff  }
0x3c7: {  	v37 =	vshll.u32 v24, $0x7;
	v18 =	vshll.u32 v47, $0x7;
	v30 =	vor.u32 v10, v46;
	v25 =	vld.idx.msk [tilespmem:v38+s18+$0x0], $0xffff;
	[tilespmem:v16+s26+$0x0] =	vst.idx.msk $0xffff, v21  }
0x3c8: {  	v24 =	vshll.u32 v40, $0x7;
	v16 =	vor.u32 v10, v18;
	v18 =	vor.u32 v10, v48;
	v21 =	vld.idx.msk [tilespmem:v39+s18+$0x0], $0xffff  }
0x3c9: {  	v24 =	vor.u32 v10, v24;
	v28 =	vor.u32 v10, v28;
	v38 =	vadd.f32 v36, v49;
	v36 =	vld.idx.msk [tilespmem:v45+s17+$0x0], $0xffff  }
0x3ca: {  	_ =	sdelay $0x3  }
0x3cb: {  	v9 =	vld.idx.msk [tilespmem:v33+s18+$0x0], $0xffff  }
0x3cc: {  	v12 =	vld.idx.msk [tilespmem:v29+s17+$0x0], $0xffff  }
0x3cd: {  	v29 =	vld.idx.msk [tilespmem:v34+s18+$0x0], $0xffff  }
0x3ce: {  	v23 =	vld.idx.msk [tilespmem:v23+s17+$0x0], $0xffff  }
0x3cf: {  	v58 =	vor.u32 v10, v35;
	v26 =	vld.idx.msk [tilespmem:v26+s17+$0x0], $0xffff  }
0x3d0: {  	v19 =	vld.idx.msk [tilespmem:v19+s17+$0x0], $0xffff;
	v27 =	vadd.f32 v32, v27  }
0x3d1: {  	v20 =	vld.idx.msk [tilespmem:v20+s18+$0x0], $0xffff;
	v10 =	vor.u32 v10, v37;
	[tilespmem:v31+s26+$0x0] =	vst.idx.msk $0xffff, v38;
	v22 =	vadd.f32 v25, v22  }
0x3d2: {  	[tilespmem:v30+s26+$0x0] =	vst.idx.msk $0xffff, v27;
	v17 =	vadd.f32 v17, v36  }
0x3d3: {  	[tilespmem:v28+s26+$0x0] =	vst.idx.msk $0xffff, v22;
	v9 =	vadd.f32 v9, v12  }
0x3d4: {  	v12 =	vadd.f32 v29, v26;
	[tilespmem:v58+s26+$0x0] =	vst.idx.msk $0xffff, v17  }
0x3d5: {  	v17 =	vadd.f32 v21, v19;
	[tilespmem:v24+s26+$0x0] =	vst.idx.msk $0xffff, v9  }
0x3d6: {  	v9 =	vadd.f32 v20, v23;
	[tilespmem:v10+s26+$0x0] =	vst.idx.msk $0xffff, v12  }
0x3d7: {  	[tilespmem:v16+s26+$0x0] =	vst.idx.msk $0xffff, v17  }
0x3d8: {  	s2 =	sor.u32 $0xE0, s11;
	[tilespmem:v18+s26+$0x0] =	vst.idx.msk $0xffff, v9  }
0x3d9: {  	v9 =	vld [tilespmem:s2+$0x0]  }
0x3da: {  	v10 =	vld [tilespmem:s11+$0x19E0]  }
0x3db: {  	s13 =	simm.s32 $0x2  }
0x3dc: {  	v22 =	vadd.s32 s13, v0  }
0x3dd: {  	s15 =	simm.s32 $0x0;
	v22 =	vand.u32 $0x3F, v22  }
0x3de: {  	v35 =	vshll.u32 v22, $0x7;
	v12 =	vadd.s32 s15, v0;
	v9 =	vshll.u32 v9, $0x6  }
0x3df: {  	s8 =	simm.s32 $0x1;
	v12 =	vand.u32 $0x3F, v12;
	v10 =	vshll.u32 v10, $0x6;
	v9 =	vand.u32 $0x40, v9  }
0x3e0: {  	v16 =	vadd.s32 s8, v0;
	s8 =	simm.s32 $0x7;
	v10 =	vand.u32 $0x40, v10;
	v9 =	vor.u32 v14, v9  }
0x3e1: {  	v18 =	vadd.s32 s8, v0;
	v10 =	vor.u32 v14, v10;
	v20 =	vor.u32 v12, v9  }
0x3e2: {  	s7 =	simm.s32 $0x4;
	v23 =	vshll.u32 v12, $0x7;
	v24 =	vand.u32 $0x3F, v18;
	v12 =	vor.u32 v12, v10  }
0x3e3: {  	s15 =	simm.s32 $0x5;
	v16 =	vand.u32 $0x3F, v16;
	v14 =	vadd.s32 s7, v0;
	v25 =	vor.u32 v24, v9  }
0x3e4: {  	s13 =	simm.s32 $0x3;
	v19 =	vand.u32 $0x3F, v14;
	v14 =	vadd.s32 s15, v0;
	v59 =	vor.u32 v24, v10  }
0x3e5: {  	v18 =	vadd.s32 s13, v0;
	v17 =	vor.u32 v19, v10;
	v21 =	vand.u32 $0x3F, v14  }
0x3e6: {  	v29 =	vor.u32 v11, v23;
	v63 =	vshll.u32 v16, $0x7;
	v28 =	vor.u32 v21, v9;
	v39 =	vld.idx.msk [tilespmem:v20+s17+$0x0], $0xffff  }
0x3e7: {  	v61 =	vand.u32 $0x3F, v18;
	v41 =	vshll.u32 v24, $0x7;
	s15 =	simm.s32 $0x6;
	v30 =	vor.u32 v21, v10;
	v40 =	vld.idx.msk [tilespmem:v12+s18+$0x0], $0xffff  }
0x3e8: {  	v31 =	vor.u32 v16, v10;
	v14 =	vadd.s32 s15, v0;
	v26 =	vor.u32 v19, v9;
	v20 =	vld.idx.msk [tilespmem:v25+s17+$0x0], $0xffff  }
0x3e9: {  	v24 =	vor.u32 v22, v9;
	v27 =	vand.u32 $0x3F, v14;
	v12 =	vor.u32 v61, v10;
	v23 =	vld.idx.msk [tilespmem:v59+s18+$0x0], $0xffff  }
0x3ea: {  	v32 =	vor.u32 v22, v10;
	v60 =	vshll.u32 v21, $0x7;
	v62 =	vshll.u32 v27, $0x7;
	v14 =	vld.idx.msk [tilespmem:v17+s18+$0x0], $0xffff  }
0x3eb: {  	v21 =	vor.u32 v27, v9;
	v18 =	vor.u32 v27, v10;
	v27 =	vor.u32 v16, v9;
	v25 =	vld.idx.msk [tilespmem:v28+s17+$0x0], $0xffff  }
0x3ec: {  	v22 =	vshll.u32 v61, $0x7;
	v33 =	vshll.u32 v19, $0x7;
	v16 =	vor.u32 v11, v62;
	v30 =	vld.idx.msk [tilespmem:v30+s18+$0x0], $0xffff  }
0x3ed: {  	v17 =	vor.u32 v61, v9;
	v34 =	vld.idx.msk [tilespmem:v26+s17+$0x0], $0xffff;
	v26 =	vor.u32 v11, v41;
	v28 =	vor.u32 v11, v60  }
0x3ee: {  	s13 =	simm.s32 $0x8;
	v19 =	vld.idx.msk [tilespmem:v12+s18+$0x0], $0xffff;
	v12 =	vor.u32 v11, v22;
	v36 =	vadd.f32 v40, v39;
	v22 =	vor.u32 v11, v63  }
.LBB2_33:
0x3ef: {  	v37 =	vadd.s32 s13, v0;
	s2 =	sadd.s32 $0x1, s13;
	s7 =	sadd.s32 $0x2, s13;
	s8 =	sadd.s32 $0x3, s13;
	v31 =	vld.idx.msk [tilespmem:v31+s18+$0x0], $0xffff;
	v35 =	vor.u32 v11, v35;
	v33 =	vor.u32 v11, v33  }
0x3f0: {  	s15 =	sadd.s32 $0x6, s13;
	v37 =	vand.u32 $0x3F, v37;
	v38 =	vadd.s32 s2, v0;
	v39 =	vadd.s32 s7, v0;
	s2 =	sadd.s32 $0x4, s13;
	s7 =	sadd.s32 $0x5, s13;
	[tilespmem:v29+s26+$0x0] =	vst.idx.msk $0xffff, v36;
	v27 =	vld.idx.msk [tilespmem:v27+s17+$0x0], $0xffff  }
0x3f1: {  	p0 =	slt.u32 s13, $0x38;
	v25 =	vadd.f32 v30, v25;
	v29 =	vadd.s32 s2, v0;
	v36 =	vadd.s32 s7, v0;
	s2 =	sadd.s32 $0x7, s13;
	s13 =	sadd.s32 $0x8, s13;
	v32 =	vld.idx.msk [tilespmem:v32+s18+$0x0], $0xffff  }
0x3f2: {  	v30 =	vshll.u32 v37, $0x7;
	v38 =	vand.u32 $0x3F, v38;
	v40 =	vadd.s32 s2, v0;
	v41 =	vld.idx.msk [tilespmem:v21+s17+$0x0], $0xffff  }
0x3f3: {  	v42 =	vadd.s32 s15, v0;
	v21 =	vadd.s32 s8, v0;
	v29 =	vand.u32 $0x3F, v29;
	v24 =	vld.idx.msk [tilespmem:v24+s17+$0x0], $0xffff;
	[tilespmem:v28+s26+$0x0] =	vst.idx.msk $0xffff, v25  }
0x3f4: {  	v25 =	vor.u32 v29, v10;
	v28 =	vand.u32 $0x3F, v40;
	v14 =	vadd.f32 v14, v34;
	v34 =	vld.idx.msk [tilespmem:v18+s18+$0x0], $0xffff  }
0x3f5: {  	v18 =	vor.u32 v37, v9;
	v37 =	vor.u32 v37, v10;
	v40 =	vld.idx.msk [tilespmem:v17+s17+$0x0], $0xffff;
	v17 =	vadd.f32 v23, v20  }
0x3f6: {  	v43 =	vor.u32 v29, v9;
	v20 =	vand.u32 $0x3F, v42;
	v23 =	vor.u32 v28, v9;
	[tilespmem:v33+s26+$0x0] =	vst.idx.msk $0xffff, v14  }
0x3f7: {  	v27 =	vadd.f32 v31, v27;
	v14 =	vand.u32 $0x3F, v36;
	v36 =	vor.u32 v28, v10;
	[tilespmem:v26+s26+$0x0] =	vst.idx.msk $0xffff, v17  }
0x3f8: {  	v26 =	vor.u32 v14, v9;
	v42 =	vor.u32 v14, v10;
	v44 =	vshll.u32 v14, $0x7  }
0x3f9: {  	v45 =	vand.u32 $0x3F, v21;
	v46 =	vshll.u32 v20, $0x7;
	v14 =	vld.idx.msk [tilespmem:v25+s18+$0x0], $0xffff;
	[tilespmem:v22+s26+$0x0] =	vst.idx.msk $0xffff, v27;
	v22 =	vadd.f32 v32, v24  }
0x3fa: {  	v21 =	vor.u32 v20, v9;
	v24 =	vadd.f32 v34, v41;
	v47 =	vld.idx.msk [tilespmem:v18+s17+$0x0], $0xffff;
	v18 =	vor.u32 v20, v10  }
0x3fb: {  	v17 =	vor.u32 v45, v9;
	v19 =	vadd.f32 v19, v40;
	v34 =	vld.idx.msk [tilespmem:v37+s18+$0x0], $0xffff;
	v37 =	vor.u32 v45, v10  }
0x3fc: {  	v31 =	vor.u32 v38, v10;
	v27 =	vor.u32 v38, v9;
	v20 =	vld.idx.msk [tilespmem:v23+s17+$0x0], $0xffff;
	[tilespmem:v35+s26+$0x0] =	vst.idx.msk $0xffff, v22  }
.Ltmp15:
0x3fd: {  	v33 =	vshll.u32 v29, $0x7;
	v22 =	vand.u32 $0x3F, v39;
	v25 =	vld.idx.msk [tilespmem:v26+s17+$0x0], $0xffff;
	v26 =	vshll.u32 v28, $0x7;
	[tilespmem:v16+s26+$0x0] =	vst.idx.msk $0xffff, v24;
	(pc) =	sbr.rel @p0 .LBB2_33-.Ltmp15, $4  }
0x3fe: {  	v29 =	vor.u32 v11, v30;
	v24 =	vor.u32 v22, v9;
	v32 =	vor.u32 v22, v10;
	v30 =	vld.idx.msk [tilespmem:v42+s18+$0x0], $0xffff  }
0x3ff: {  	v35 =	vshll.u32 v22, $0x7;
	v16 =	vshll.u32 v45, $0x7;
	v28 =	vor.u32 v11, v44;
	v23 =	vld.idx.msk [tilespmem:v36+s18+$0x0], $0xffff;
	[tilespmem:v12+s26+$0x0] =	vst.idx.msk $0xffff, v19  }
0x400: {  	v22 =	vshll.u32 v38, $0x7;
	v12 =	vor.u32 v11, v16;
	v16 =	vor.u32 v11, v46;
	v19 =	vld.idx.msk [tilespmem:v37+s18+$0x0], $0xffff  }
0x401: {  	v22 =	vor.u32 v11, v22;
	v26 =	vor.u32 v11, v26;
	v36 =	vadd.f32 v34, v47;
	v34 =	vld.idx.msk [tilespmem:v43+s17+$0x0], $0xffff  }
0x402: {  	_ =	sdelay $0x3  }
0x403: {  	v9 =	vld.idx.msk [tilespmem:v31+s18+$0x0], $0xffff  }
0x404: {  	v10 =	vld.idx.msk [tilespmem:v27+s17+$0x0], $0xffff  }
0x405: {  	v27 =	vld.idx.msk [tilespmem:v32+s18+$0x0], $0xffff  }
0x406: {  	v21 =	vld.idx.msk [tilespmem:v21+s17+$0x0], $0xffff  }
0x407: {  	v31 =	vor.u32 v11, v33;
	v24 =	vld.idx.msk [tilespmem:v24+s17+$0x0], $0xffff  }
0x408: {  	v17 =	vld.idx.msk [tilespmem:v17+s17+$0x0], $0xffff;
	v25 =	vadd.f32 v30, v25  }
0x409: {  	v18 =	vld.idx.msk [tilespmem:v18+s18+$0x0], $0xffff;
	v11 =	vor.u32 v11, v35;
	[tilespmem:v29+s26+$0x0] =	vst.idx.msk $0xffff, v36;
	v20 =	vadd.f32 v23, v20  }
0x40a: {  	[tilespmem:v28+s26+$0x0] =	vst.idx.msk $0xffff, v25;
	v14 =	vadd.f32 v14, v34  }
0x40b: {  	[tilespmem:v26+s26+$0x0] =	vst.idx.msk $0xffff, v20;
	v9 =	vadd.f32 v9, v10  }
0x40c: {  	v10 =	vadd.f32 v27, v24;
	[tilespmem:v31+s26+$0x0] =	vst.idx.msk $0xffff, v14  }
0x40d: {  	v14 =	vadd.f32 v19, v17;
	[tilespmem:v22+s26+$0x0] =	vst.idx.msk $0xffff, v9  }
0x40e: {  	v9 =	vadd.f32 v18, v21;
	[tilespmem:v11+s26+$0x0] =	vst.idx.msk $0xffff, v10  }
0x40f: {  	[tilespmem:v12+s26+$0x0] =	vst.idx.msk $0xffff, v14  }
0x410: {  	[tilespmem:v16+s26+$0x0] =	vst.idx.msk $0xffff, v9  }
0x411: {  	s2 =	sor.u32 $0xF0, s11;
	v10 =	vld [tilespmem:s11+$0x19F0]  }
0x412: {  	v9 =	vld [tilespmem:s2+$0x0]  }
0x413: {  	s15 =	simm.s32 $0x2  }
0x414: {  	v20 =	vadd.s32 s15, v0  }
0x415: {  	s7 =	simm.s32 $0x4;
	v20 =	vand.u32 $0x3F, v20  }
0x416: {  	v33 =	vshll.u32 v20, $0x7;
	v12 =	vadd.s32 s7, v0;
	v10 =	vshll.u32 v10, $0x6  }
0x417: {  	v17 =	vand.u32 $0x3F, v12;
	s11 =	simm.s32 $0x0;
	v9 =	vshll.u32 v9, $0x6;
	v10 =	vand.u32 $0x40, v10  }
0x418: {  	v11 =	vadd.s32 s11, v0;
	v9 =	vand.u32 $0x40, v9;
	v10 =	vor.u32 v15, v10  }
0x419: {  	s8 =	simm.s32 $0x5;
	s11 =	simm.s32 $0x7;
	v11 =	vand.u32 $0x3F, v11;
	v9 =	vor.u32 v15, v9;
	v15 =	vor.u32 v17, v10  }
0x41a: {  	v12 =	vadd.s32 s8, v0;
	v16 =	vadd.s32 s11, v0;
	v18 =	vor.u32 v11, v9  }
0x41b: {  	s13 =	simm.s32 $0x1;
	v21 =	vshll.u32 v11, $0x7;
	v22 =	vand.u32 $0x3F, v16;
	v11 =	vor.u32 v11, v10  }
0x41c: {  	s15 =	simm.s32 $0x6;
	v14 =	vadd.s32 s13, v0;
	v19 =	vand.u32 $0x3F, v12;
	v23 =	vor.u32 v22, v9  }
0x41d: {  	v14 =	vand.u32 $0x3F, v14;
	v12 =	vadd.s32 s15, v0;
	v26 =	vor.u32 v19, v9  }
0x41e: {  	s13 =	simm.s32 $0x3;
	v31 =	vshll.u32 v17, $0x7;
	v25 =	vand.u32 $0x3F, v12;
	v28 =	vor.u32 v19, v10;
	v12 =	vld.idx.msk [tilespmem:v15+s18+$0x0], $0xffff  }
0x41f: {  	v63 =	vshll.u32 v14, $0x7;
	v16 =	vadd.s32 s13, v0;
	v59 =	vor.u32 v22, v10;
	v37 =	vld.idx.msk [tilespmem:v18+s17+$0x0], $0xffff  }
0x420: {  	v60 =	vshll.u32 v19, $0x7;
	v61 =	vand.u32 $0x3F, v16;
	v24 =	vor.u32 v17, v9;
	v38 =	vld.idx.msk [tilespmem:v11+s18+$0x0], $0xffff  }
0x421: {  	v62 =	vshll.u32 v25, $0x7;
	v39 =	vshll.u32 v22, $0x7;
	v11 =	vor.u32 v61, v10;
	v18 =	vld.idx.msk [tilespmem:v23+s17+$0x0], $0xffff  }
0x422: {  	v27 =	vor.u32 v13, v21;
	v19 =	vor.u32 v25, v9;
	v29 =	vor.u32 v14, v10;
	v23 =	vld.idx.msk [tilespmem:v26+s17+$0x0], $0xffff  }
0x423: {  	v16 =	vor.u32 v25, v10;
	v25 =	vor.u32 v14, v9;
	v22 =	vor.u32 v20, v9;
	v28 =	vld.idx.msk [tilespmem:v28+s18+$0x0], $0xffff  }
0x424: {  	v30 =	vor.u32 v20, v10;
	v20 =	vshll.u32 v61, $0x7;
	v14 =	vor.u32 v13, v62;
	v21 =	vld.idx.msk [tilespmem:v59+s18+$0x0], $0xffff  }
0x425: {  	v15 =	vor.u32 v61, v9;
	v26 =	vor.u32 v13, v60;
	v32 =	vld.idx.msk [tilespmem:v24+s17+$0x0], $0xffff;
	v24 =	vor.u32 v13, v39  }
0x426: {  	s11 =	simm.s32 $0x8;
	v17 =	vld.idx.msk [tilespmem:v11+s18+$0x0], $0xffff;
	v11 =	vor.u32 v13, v20;
	v34 =	vadd.f32 v38, v37;
	v20 =	vor.u32 v13, v63  }
.LBB2_35:
0x427: {  	v35 =	vadd.s32 s11, v0;
	s2 =	sadd.s32 $0x1, s11;
	s7 =	sadd.s32 $0x2, s11;
	s8 =	sadd.s32 $0x3, s11;
	v29 =	vld.idx.msk [tilespmem:v29+s18+$0x0], $0xffff;
	v33 =	vor.u32 v13, v33;
	v31 =	vor.u32 v13, v31  }
0x428: {  	s13 =	sadd.s32 $0x6, s11;
	v35 =	vand.u32 $0x3F, v35;
	v36 =	vadd.s32 s2, v0;
	v37 =	vadd.s32 s7, v0;
	s2 =	sadd.s32 $0x4, s11;
	s7 =	sadd.s32 $0x5, s11;
	[tilespmem:v27+s26+$0x0] =	vst.idx.msk $0xffff, v34;
	v25 =	vld.idx.msk [tilespmem:v25+s17+$0x0], $0xffff  }
0x429: {  	p0 =	slt.u32 s11, $0x38;
	v23 =	vadd.f32 v28, v23;
	v27 =	vadd.s32 s2, v0;
	v34 =	vadd.s32 s7, v0;
	s2 =	sadd.s32 $0x7, s11;
	s11 =	sadd.s32 $0x8, s11;
	v30 =	vld.idx.msk [tilespmem:v30+s18+$0x0], $0xffff  }
0x42a: {  	v28 =	vshll.u32 v35, $0x7;
	v36 =	vand.u32 $0x3F, v36;
	v38 =	vadd.s32 s2, v0;
	v39 =	vld.idx.msk [tilespmem:v19+s17+$0x0], $0xffff  }
0x42b: {  	v40 =	vadd.s32 s13, v0;
	v19 =	vadd.s32 s8, v0;
	v27 =	vand.u32 $0x3F, v27;
	v22 =	vld.idx.msk [tilespmem:v22+s17+$0x0], $0xffff;
	[tilespmem:v26+s26+$0x0] =	vst.idx.msk $0xffff, v23  }
0x42c: {  	v23 =	vor.u32 v27, v10;
	v26 =	vand.u32 $0x3F, v38;
	v12 =	vadd.f32 v12, v32;
	v32 =	vld.idx.msk [tilespmem:v16+s18+$0x0], $0xffff  }
0x42d: {  	v16 =	vor.u32 v35, v9;
	v35 =	vor.u32 v35, v10;
	v38 =	vld.idx.msk [tilespmem:v15+s17+$0x0], $0xffff;
	v15 =	vadd.f32 v21, v18  }
0x42e: {  	v41 =	vor.u32 v27, v9;
	v18 =	vand.u32 $0x3F, v40;
	v21 =	vor.u32 v26, v9;
	[tilespmem:v31+s26+$0x0] =	vst.idx.msk $0xffff, v12  }
0x42f: {  	v25 =	vadd.f32 v29, v25;
	v12 =	vand.u32 $0x3F, v34;
	v34 =	vor.u32 v26, v10;
	[tilespmem:v24+s26+$0x0] =	vst.idx.msk $0xffff, v15  }
0x430: {  	v24 =	vor.u32 v12, v9;
	v40 =	vor.u32 v12, v10;
	v42 =	vshll.u32 v12, $0x7  }
0x431: {  	v43 =	vand.u32 $0x3F, v19;
	v44 =	vshll.u32 v18, $0x7;
	v12 =	vld.idx.msk [tilespmem:v23+s18+$0x0], $0xffff;
	[tilespmem:v20+s26+$0x0] =	vst.idx.msk $0xffff, v25;
	v20 =	vadd.f32 v30, v22  }
0x432: {  	v19 =	vor.u32 v18, v9;
	v22 =	vadd.f32 v32, v39;
	v45 =	vld.idx.msk [tilespmem:v16+s17+$0x0], $0xffff;
	v16 =	vor.u32 v18, v10  }
0x433: {  	v15 =	vor.u32 v43, v9;
	v17 =	vadd.f32 v17, v38;
	v32 =	vld.idx.msk [tilespmem:v35+s18+$0x0], $0xffff;
	v35 =	vor.u32 v43, v10  }
0x434: {  	v29 =	vor.u32 v36, v10;
	v25 =	vor.u32 v36, v9;
	v18 =	vld.idx.msk [tilespmem:v21+s17+$0x0], $0xffff;
	[tilespmem:v33+s26+$0x0] =	vst.idx.msk $0xffff, v20  }
.Ltmp16:
0x435: {  	v31 =	vshll.u32 v27, $0x7;
	v20 =	vand.u32 $0x3F, v37;
	v23 =	vld.idx.msk [tilespmem:v24+s17+$0x0], $0xffff;
	v24 =	vshll.u32 v26, $0x7;
	[tilespmem:v14+s26+$0x0] =	vst.idx.msk $0xffff, v22;
	(pc) =	sbr.rel @p0 .LBB2_35-.Ltmp16, $4  }
0x436: {  	v27 =	vor.u32 v13, v28;
	v22 =	vor.u32 v20, v9;
	v30 =	vor.u32 v20, v10;
	v28 =	vld.idx.msk [tilespmem:v40+s18+$0x0], $0xffff  }
0x437: {  	v33 =	vshll.u32 v20, $0x7;
	v14 =	vshll.u32 v43, $0x7;
	v26 =	vor.u32 v13, v42;
	v21 =	vld.idx.msk [tilespmem:v34+s18+$0x0], $0xffff;
	[tilespmem:v11+s26+$0x0] =	vst.idx.msk $0xffff, v17  }
0x438: {  	v20 =	vshll.u32 v36, $0x7;
	v11 =	vor.u32 v13, v14;
	v14 =	vor.u32 v13, v44;
	v17 =	vld.idx.msk [tilespmem:v35+s18+$0x0], $0xffff  }
0x439: {  	v20 =	vor.u32 v13, v20;
	v24 =	vor.u32 v13, v24;
	v34 =	vadd.f32 v32, v45;
	v32 =	vld.idx.msk [tilespmem:v41+s17+$0x0], $0xffff  }
0x43a: {  	_ =	sdelay $0x3  }
0x43b: {  	v9 =	vld.idx.msk [tilespmem:v29+s18+$0x0], $0xffff  }
0x43c: {  	v10 =	vld.idx.msk [tilespmem:v25+s17+$0x0], $0xffff  }
0x43d: {  	v60 =	vld.idx.msk [tilespmem:v30+s18+$0x0], $0xffff  }
0x43e: {  	v19 =	vld.idx.msk [tilespmem:v19+s17+$0x0], $0xffff  }
0x43f: {  	v61 =	vor.u32 v13, v31;
	v22 =	vld.idx.msk [tilespmem:v22+s17+$0x0], $0xffff  }
0x440: {  	v15 =	vld.idx.msk [tilespmem:v15+s17+$0x0], $0xffff;
	v23 =	vadd.f32 v28, v23  }
0x441: {  	v16 =	vld.idx.msk [tilespmem:v16+s18+$0x0], $0xffff;
	v62 =	vor.u32 v13, v33;
	[tilespmem:v27+s26+$0x0] =	vst.idx.msk $0xffff, v34;
	v18 =	vadd.f32 v21, v18  }
0x442: {  	[tilespmem:v26+s26+$0x0] =	vst.idx.msk $0xffff, v23;
	v12 =	vadd.f32 v12, v32  }
0x443: {  	s1 =	sadd.s32 $0x1, s1;
	[tilespmem:v24+s26+$0x0] =	vst.idx.msk $0xffff, v18;
	v9 =	vadd.f32 v9, v10  }
0x444: {  	p0 =	sne.s32 s1, $0x19;
	v10 =	vadd.f32 v60, v22;
	[tilespmem:v61+s26+$0x0] =	vst.idx.msk $0xffff, v12  }
.Ltmp17:
0x445: {  	s0 =	sadd.s32 s3, s0;
	v63 =	vadd.f32 v17, v15;
	[tilespmem:v20+s26+$0x0] =	vst.idx.msk $0xffff, v9;
	(pc) =	sbr.rel @p0 .LBB2_4-.Ltmp17, $4  }
0x446: {  	s2 =	sshll.u32 s0, $0x3;
	s0 =	sand.u32 $0xF80, s0;
	v9 =	vadd.f32 v16, v19;
	[tilespmem:v62+s26+$0x0] =	vst.idx.msk $0xffff, v10  }
0x447: {  	s2 =	sand.u32 $0xFFF8000, s2;
	s0 =	sadd.s32 s6, s0;
	[tilespmem:v11+s26+$0x0] =	vst.idx.msk $0xffff, v63  }
0x448: {  	s0 =	sadd.s32 s2, s0;
	[tilespmem:v14+s26+$0x0] =	vst.idx.msk $0xffff, v9  }
0x449: {  	[hbm4b:s0+s22] =	stream.strided.scatter [tilespmem:s26], [sflag:$0x6], $0x2000, s23, s22, $0x38;
	[tilespmem:$0x1AA00] =	vst v63  }
0x44a: {  	s30 =	sadd.s32 $0x1, s30  }
0x44b: {  	_ =	swait.ge [sflag:s28], $0x2000;
	p0 =	sne.s32 s30, s9  }
.Ltmp18:
0x44c: {  	[sflag:s28] =	ssyncset.done $0x0;
	(pc) =	sbr.rel @p0 .LBB2_1-.Ltmp18, $4  }
0x44d: {  	[sflag:s28] =	ssyncadd.s32 $0xFFFFE000  }
0x44e: {  	_ =	swait.ge [sflag:s29], $0x2000  }
0x44f: {  	[sflag:s29] =	ssyncset.done $0x0  }
0x450: {  	[sflag:s29] =	ssyncadd.s32 $0xFFFFE000  }
0x451: {  	_ =	sfence.sel $0x180000  }
0x452: {  	[bflag:$0x0] =	sbarrier.arrive $0xFFFF  }
0x453: {  	_ =	strace $0x90000047  }
0x454: {  	s0 =	stileid.u32;
	[bflag:$0x2] =	sbarrier.arrive $0xFFFF  }
0x455: {  	p0 =	sne.s32 s0, $0x0;
	s0 =	rddreg [dreg:$0x2]  }
0x456: {  	s0 =	sadd.s32 @!p0 $0x100000, s0  }
0x457: {  	[sflag:s0] =	ssyncadd.tile.s32 @!p0 $0x1;
	_ =	shalt  }
.Lfunc_end2:
_tile_overlayer_lowered:
.L_overlay_start_2:
0x458: {  	(tag) =	ssettag $0x2  }
0x459: {  	s0 =	rddreg [dreg:$0x0];
	s2 =	stileid.u32  }
0x45a: {  	s1 =	rddreg [dreg:$0x1];
	p0 =	sne.s32 s2, $0x0  }
0x45b: {  	s3 =	rddreg [dreg:$0x2];
	[bflag:$0x3] =	sbarrier.arrive $0xFFFF;
	s2 =	simm.s32 @!p0 $0x1C07  }
0x45c: {  	[timem:s3], [sflag:s2] =	dma.local @!p0 [hbm:s0], s1  }
0x45d: {  	s0 =	simm.s32 @!p0 $0x7  }
0x45e: {  	_ =	swait.ge @!p0 [sflag:s0], s1  }
0x45f: {  	s1 =	ssub.s32 @!p0 $0x0, s1;
	[sflag:s0] =	ssyncset.done @!p0 $0x0  }
0x460: {  	[sflag:s0] =	ssyncadd.s32 @!p0 s1  }
0x461: {  	[bflag:$0x3] =	sbarrier.arrive $0xFFFF  }
0x462: {  	_ =	shalt  }

</sc_bundles>
